<compile_context>
chip_gen: v7x
topology: tpu7x:2x2x1
jax: 0.10.2.dev20260603
libtpu: 0.0.44.dev20260713+nightly
codegen_flags: <defaults>
</compile_context>

<pallas_src>
import jax
import jax.numpy as jnp
from jax import lax
from jax.experimental import pallas as pl
from jax.experimental.pallas import tpu as pltpu
from jax.experimental.pallas import tpu_sc as plsc

COULOMB_K = 14.399645351950548
NUM_NODES = 100000
NUM_EDGES = 6400000

NC, NS = 2, 16
NW = NC * NS
CHUNK = 2048
NCHUNKS = NUM_EDGES // CHUNK

NPAD = 49 * CHUNK

_INV_SQRT2 = 0.7071067811865476
_E1 = 0.278393
_E2 = 0.230389
_E3 = 0.000972
_E4 = 0.078108


def _edge_math(si, di, d, sigma_v):
  ss = plsc.load_gather(sigma_v, [si])
  sd = plsc.load_gather(sigma_v, [di])
  g2 = ss * ss + sd * sd
  ii = plsc.bitcast(g2, jnp.int32)
  ii = jnp.int32(0x5F3759DF) - lax.shift_right_logical(ii, 1)
  y = plsc.bitcast(ii, jnp.float32)
  for _ in range(2):
    y = y * (1.5 - 0.5 * g2 * y * y)
  x = d * _INV_SQRT2 * y
  u = 1.0 + x * (_E1 + x * (_E2 + x * (_E3 + x * _E4)))
  rc = 1.0 / (u * d)
  iu = d * rc
  inv_d = u * rc
  iu2 = iu * iu
  erf_x = 1.0 - iu2 * iu2
  pc = 1.0 + d * d * d * (-10.0 + d * (15.0 - 6.0 * d))
  return (COULOMB_K * erf_x) * pc * inv_d


def _body(src_hbm, dst_hbm, bond_hbm, charge_hbm, sigma_hbm, zeros_hbm,
          out_hbm, sigma_v,
          srcb0, srcb1, srcb2, dstb0, dstb1, dstb2,
          bondb0, bondb1, bondb2, potb0, potb1, potb2,
          vshared,
          lsem0, lsem1, lsem2, ssem0, ssem1, ssem2):
  srcb = (srcb0, srcb1, srcb2)
  dstb = (dstb0, dstb1, dstb2)
  bondb = (bondb0, bondb1, bondb2)
  potb = (potb0, potb1, potb2)
  lsem = (lsem0, lsem1, lsem2)
  ssem = (ssem0, ssem1, ssem2)

  c = lax.axis_index("c")
  s = lax.axis_index("s")
  wid = s * NC + c

  c0 = wid * NCHUNKS // NW
  c1 = (wid + 1) * NCHUNKS // NW

  def lin_descs(i, st):
    b = i * CHUNK
    return (
        pltpu.make_async_copy(src_hbm.at[pl.ds(b, CHUNK)], srcb[st], lsem[st]),
        pltpu.make_async_copy(dst_hbm.at[pl.ds(b, CHUNK)], dstb[st], lsem[st]),
        pltpu.make_async_copy(bond_hbm.at[pl.ds(b, CHUNK)], bondb[st],
                              lsem[st]),
    )

  def start_linear(i, st):
    for dsc in lin_descs(i, st):
      dsc.start()

  def wait_linear(i, st):
    for dsc in lin_descs(i, st):
      dsc.wait()

  def s_desc(st):
    return pltpu.make_async_copy(potb[st], vshared.at[dstb[st]], ssem[st])

  def compute(st):
    @plsc.parallel_loop(0, CHUNK, step=16, unroll=8)
    def _(off):
      sl = pl.ds(off, 16)
      si = srcb[st][sl]
      di = dstb[st][sl]
      d = bondb[st][sl]
      potb[st][sl] = _edge_math(si, di, d, sigma_v)

  def chunk_step(i, st):
    @pl.when(jnp.logical_and(i + 2 < c1, i - 1 >= c0))
    def _():
      s_desc((st + 2) % 3).wait()

    @pl.when(i + 2 < c1)
    def _():
      start_linear(i + 2, (st + 2) % 3)

    wait_linear(i, st)
    compute(st)
    s_desc(st).start(add=True)

  start_linear(c0, 0)
  start_linear(c0 + 1, 1)

  pltpu.sync_copy(sigma_hbm, sigma_v)

  @pl.when(s == 0)
  def _():
    pltpu.sync_copy(zeros_hbm, vshared)

  plsc.subcore_barrier()

  n = c1 - c0
  nmacro = (n + 2) // 3

  def macro_body(m, carry):
    base = c0 + 3 * m
    for k in range(3):
      @pl.when(base + k < c1)
      def _(i=base + k, k=k):
        chunk_step(i, k)
    return carry

  lax.fori_loop(0, nmacro, macro_body, 0)

  for st in range(3):
    s_desc(st).wait()

  plsc.subcore_barrier()

  out_row = out_hbm.at[c]

  def scale_slice(base):
    pltpu.sync_copy(vshared.at[pl.ds(base, CHUNK)], potb0)
    pltpu.sync_copy(charge_hbm.at[pl.ds(base, CHUNK)], bondb0)

    @plsc.parallel_loop(0, CHUNK, step=16, unroll=4)
    def _(off):
      sl = pl.ds(off, 16)
      potb0[sl] = potb0[sl] * bondb0[sl]

    pltpu.sync_copy(potb0, out_row.at[pl.ds(base, CHUNK)])

  for t in range(3):
    scale_slice((s * 3 + t) * CHUNK)

  @pl.when(s == 0)
  def _():
    scale_slice(48 * CHUNK)


@jax.jit
def kernel(charge, sigma, bond_dist, edge_index):
  src = edge_index[0]
  dst = edge_index[1]
  charge_p = jnp.pad(charge, (0, NPAD - NUM_NODES))
  zeros = jnp.zeros((NPAD,), jnp.float32)

  mesh = plsc.VectorSubcoreMesh(core_axis_name="c", subcore_axis_name="s")
  f = pl.kernel(
      _body,
      out_type=jax.ShapeDtypeStruct((NC, NPAD), jnp.float32),
      mesh=mesh,
      compiler_params=pltpu.CompilerParams(needs_layout_passes=False),
      scratch_types=(
          [pltpu.VMEM((NUM_NODES,), jnp.float32)]
          + [pltpu.VMEM((CHUNK,), jnp.int32)] * 6
          + [pltpu.VMEM((CHUNK,), jnp.float32)] * 6
          + [pltpu.VMEM_SHARED((NPAD,), jnp.float32)]
          + [pltpu.SemaphoreType.DMA] * 6
      ),
  )
  parts = f(src, dst, bond_dist, charge_p, sigma, zeros)
  return (parts[0] + parts[1])[:NUM_NODES]

# --- scband reference (transcript-rebuilt; emitter-appended) ---
"""Pipeline reference for scband-electrostatic-potential-6485400617060 (READ-ONLY COPY).

The authoritative reference and input builder live on the scoring server;
editing this copy changes nothing except your own understanding.
"""

import jax, jax.numpy as jnp
import numpy as np
from jax.scipy.special import erf

COULOMB_CONSTANT = 14.399645351950548
CUTOFF = 1.0
N_NODES = 100000
N_EDGES = 6400000


def polynomial_cutoff(r, cutoff):
    ratio = r / cutoff
    poly = 1.0 - 6.0 * ratio ** 5 + 15.0 * ratio ** 4 - 10.0 * ratio ** 3
    return jnp.where(r <= cutoff, poly, jnp.zeros_like(r))


def setup_inputs(seed: int = 0) -> dict:
    key = jax.random.key(seed)
    k1, k2, k3, k4 = jax.random.split(key, 4)
    charge = jax.random.uniform(k1, (N_NODES,), dtype=jnp.float32)
    # keep sigma and bond_dist bounded away from 0 for numerical stability
    sigma = 0.1 + 0.9 * jax.random.uniform(k2, (N_NODES,), dtype=jnp.float32)
    bond_dist = 0.05 + 0.95 * jax.random.uniform(k3, (N_EDGES,), dtype=jnp.float32)
    edge_index = jax.random.randint(k4, (2, N_EDGES), 0, N_NODES, dtype=jnp.int32)
    return {"charge": charge, "sigma": sigma, "bond_dist": bond_dist, "edge_index": edge_index}


def reference(charge, sigma, bond_dist, edge_index):
    src = edge_index[0]
    dst = edge_index[1]
    # message_func: per-edge electrostatic potential contribution
    q = charge[dst]  # edges.dst["charge"]
    gamma_ij = jnp.sqrt(sigma[src] ** 2 + sigma[dst] ** 2)
    sqrt2 = jnp.sqrt(jnp.asarray(2.0, dtype=jnp.float32))
    elec_pot = q * erf(bond_dist / sqrt2 / gamma_ij) * polynomial_cutoff(bond_dist, CUTOFF) / bond_dist
    elec_pot = elec_pot * COULOMB_CONSTANT
    # fn.sum("elec_pot", "V"): scatter-add messages onto destination nodes
    V = jax.ops.segment_sum(elec_pot, dst, num_segments=N_NODES)
    return V

if __name__ == "__main__":
    import jax
    _d = setup_inputs()
    print(jax.jit(kernel)(*tuple(_d.values())))

</pallas_src>

<mosaic_0001>
#map = affine_map<(d0, d1) -> (0)>
#map1 = affine_map<(d0, d1) -> (0, 0)>
module attributes {stable_mosaic.version = 14 : i64} {
  func.func @_body(%arg0: i32, %arg1: i32, %arg2: memref<6400000xi32, #tpu.memory_space<hbm>>, %arg3: memref<6400000xi32, #tpu.memory_space<hbm>>, %arg4: memref<6400000xf32, #tpu.memory_space<hbm>>, %arg5: memref<100352xf32, #tpu.memory_space<hbm>>, %arg6: memref<100000xf32, #tpu.memory_space<hbm>>, %arg7: memref<100352xf32, #tpu.memory_space<hbm>>, %arg8: memref<2x100352xf32, #tpu.memory_space<hbm>>, %arg9: memref<100000xf32, #tpu.memory_space<vmem>>, %arg10: memref<2048xi32, #tpu.memory_space<vmem>>, %arg11: memref<2048xi32, #tpu.memory_space<vmem>>, %arg12: memref<2048xi32, #tpu.memory_space<vmem>>, %arg13: memref<2048xi32, #tpu.memory_space<vmem>>, %arg14: memref<2048xi32, #tpu.memory_space<vmem>>, %arg15: memref<2048xi32, #tpu.memory_space<vmem>>, %arg16: memref<2048xf32, #tpu.memory_space<vmem>>, %arg17: memref<2048xf32, #tpu.memory_space<vmem>>, %arg18: memref<2048xf32, #tpu.memory_space<vmem>>, %arg19: memref<2048xf32, #tpu.memory_space<vmem>>, %arg20: memref<2048xf32, #tpu.memory_space<vmem>>, %arg21: memref<2048xf32, #tpu.memory_space<vmem>>, %arg22: memref<100352xf32, #tpu.memory_space<vmem_shared>>, %arg23: memref<!tpu.dma_semaphore, #tpu.memory_space<semaphore_mem>>, %arg24: memref<!tpu.dma_semaphore, #tpu.memory_space<semaphore_mem>>, %arg25: memref<!tpu.dma_semaphore, #tpu.memory_space<semaphore_mem>>, %arg26: memref<!tpu.dma_semaphore, #tpu.memory_space<semaphore_mem>>, %arg27: memref<!tpu.dma_semaphore, #tpu.memory_space<semaphore_mem>>, %arg28: memref<!tpu.dma_semaphore, #tpu.memory_space<semaphore_mem>>) attributes {dimension_semantics = [#tpu.dimension_semantics<core_parallel>, #tpu.dimension_semantics<subcore_parallel>], iteration_bounds = array<i64: 2, 16>, scalar_prefetch = 0 : i64, scratch_operands = 20 : i64, tpu.core_type = #tpu.core_type<sc_vector_subcore>, window_params = [{transform_indices = #map}, {transform_indices = #map}, {transform_indices = #map}, {transform_indices = #map}, {transform_indices = #map}, {transform_indices = #map}, {transform_indices = #map1}]} {
    %mul3A = arith.constant 2 : i32
    %mul3A_0 = arith.muli %arg1, %mul3A : i32
    %add3A = arith.addi %mul3A_0, %arg0 : i32
    %mul3A_1 = arith.constant 3125 : i32
    %mul3A_2 = arith.muli %add3A, %mul3A_1 : i32
    %jit3A = arith.constant 32 : i32
    %div3A = arith.divsi %mul3A_2, %jit3A : i32
    %sign3A = arith.constant 0 : i32
    %sign3A_3 = arith.cmpi sgt, %mul3A_2, %sign3A : i32
    %sign3A_4 = arith.extui %sign3A_3 : i1 to i32
    %sign3A_5 = arith.constant 0 : i32
    %sign3A_6 = arith.cmpi slt, %mul3A_2, %sign3A_5 : i32
    %sign3A_7 = arith.extui %sign3A_6 : i1 to i32
    %sign3A_8 = arith.subi %sign3A_4, %sign3A_7 : i32
    %sign3A_9 = arith.constant 0 : i32
    %sign3A_10 = arith.cmpi sgt, %jit3A, %sign3A_9 : i32
    %sign3A_11 = arith.extui %sign3A_10 : i1 to i32
    %sign3A_12 = arith.constant 0 : i32
    %sign3A_13 = arith.cmpi slt, %jit3A, %sign3A_12 : i32
    %sign3A_14 = arith.extui %sign3A_13 : i1 to i32
    %sign3A_15 = arith.subi %sign3A_11, %sign3A_14 : i32
    %ne3A = arith.cmpi ne, %sign3A_8, %sign3A_15 : i32
    %rem3A = arith.remsi %mul3A_2, %jit3A : i32
    %ne3A_16 = arith.constant 0 : i32
    %ne3A_17 = arith.cmpi ne, %rem3A, %ne3A_16 : i32
    %and3A = arith.andi %ne3A, %ne3A_17 : i1
    %sub3A = arith.constant 1 : i32
    %sub3A_18 = arith.subi %div3A, %sub3A : i32
    %select_n3A = arith.select %and3A, %sub3A_18, %div3A : i32
    %add3A_19 = arith.constant 1 : i32
    %add3A_20 = arith.addi %add3A, %add3A_19 : i32
    %mul3A_21 = arith.constant 3125 : i32
    %mul3A_22 = arith.muli %add3A_20, %mul3A_21 : i32
    %jit3A_23 = arith.constant 32 : i32
    %div3A_24 = arith.divsi %mul3A_22, %jit3A_23 : i32
    %sign3A_25 = arith.constant 0 : i32
    %sign3A_26 = arith.cmpi sgt, %mul3A_22, %sign3A_25 : i32
    %sign3A_27 = arith.extui %sign3A_26 : i1 to i32
    %sign3A_28 = arith.constant 0 : i32
    %sign3A_29 = arith.cmpi slt, %mul3A_22, %sign3A_28 : i32
    %sign3A_30 = arith.extui %sign3A_29 : i1 to i32
    %sign3A_31 = arith.subi %sign3A_27, %sign3A_30 : i32
    %sign3A_32 = arith.constant 0 : i32
    %sign3A_33 = arith.cmpi sgt, %jit3A_23, %sign3A_32 : i32
    %sign3A_34 = arith.extui %sign3A_33 : i1 to i32
    %sign3A_35 = arith.constant 0 : i32
    %sign3A_36 = arith.cmpi slt, %jit3A_23, %sign3A_35 : i32
    %sign3A_37 = arith.extui %sign3A_36 : i1 to i32
    %sign3A_38 = arith.subi %sign3A_34, %sign3A_37 : i32
    %ne3A_39 = arith.cmpi ne, %sign3A_31, %sign3A_38 : i32
    %rem3A_40 = arith.remsi %mul3A_22, %jit3A_23 : i32
    %ne3A_41 = arith.constant 0 : i32
    %ne3A_42 = arith.cmpi ne, %rem3A_40, %ne3A_41 : i32
    %and3A_43 = arith.andi %ne3A_39, %ne3A_42 : i1
    %sub3A_44 = arith.constant 1 : i32
    %sub3A_45 = arith.subi %div3A_24, %sub3A_44 : i32
    %select_n3A_46 = arith.select %and3A_43, %sub3A_45, %div3A_24 : i32
    %mul3A_47 = arith.constant 2048 : i32
    %mul3A_48 = arith.muli %select_n3A, %mul3A_47 : i32
    %dma_start3A = tpu.memref_slice %arg2[%mul3A_48] : memref<6400000xi32, #tpu.memory_space<hbm>> -> memref<2048xi32, #tpu.memory_space<hbm>>
    %dma_start3A_49 = tpu.memref_slice %arg2[%mul3A_48] : memref<6400000xi32, #tpu.memory_space<hbm>> -> memref<2048xi32, #tpu.memory_space<hbm>>
    tpu.enqueue_dma source(%dma_start3A_49 : memref<2048xi32, #tpu.memory_space<hbm>>) target(%arg10 : memref<2048xi32, #tpu.memory_space<vmem>>) target_semaphore(%arg23 : memref<!tpu.dma_semaphore, #tpu.memory_space<semaphore_mem>>)
    %dma_start3A_50 = tpu.memref_slice %arg3[%mul3A_48] : memref<6400000xi32, #tpu.memory_space<hbm>> -> memref<2048xi32, #tpu.memory_space<hbm>>
    %dma_start3A_51 = tpu.memref_slice %arg3[%mul3A_48] : memref<6400000xi32, #tpu.memory_space<hbm>> -> memref<2048xi32, #tpu.memory_space<hbm>>
    tpu.enqueue_dma source(%dma_start3A_51 : memref<2048xi32, #tpu.memory_space<hbm>>) target(%arg13 : memref<2048xi32, #tpu.memory_space<vmem>>) target_semaphore(%arg23 : memref<!tpu.dma_semaphore, #tpu.memory_space<semaphore_mem>>)
    %dma_start3A_52 = tpu.memref_slice %arg4[%mul3A_48] : memref<6400000xf32, #tpu.memory_space<hbm>> -> memref<2048xf32, #tpu.memory_space<hbm>>
    %dma_start3A_53 = tpu.memref_slice %arg4[%mul3A_48] : memref<6400000xf32, #tpu.memory_space<hbm>> -> memref<2048xf32, #tpu.memory_space<hbm>>
    tpu.enqueue_dma source(%dma_start3A_53 : memref<2048xf32, #tpu.memory_space<hbm>>) target(%arg16 : memref<2048xf32, #tpu.memory_space<vmem>>) target_semaphore(%arg23 : memref<!tpu.dma_semaphore, #tpu.memory_space<semaphore_mem>>)
    %add3A_54 = arith.constant 1 : i32
    %add3A_55 = arith.addi %select_n3A, %add3A_54 : i32
    %mul3A_56 = arith.constant 2048 : i32
    %mul3A_57 = arith.muli %add3A_55, %mul3A_56 : i32
    %dma_start3A_58 = tpu.memref_slice %arg2[%mul3A_57] : memref<6400000xi32, #tpu.memory_space<hbm>> -> memref<2048xi32, #tpu.memory_space<hbm>>
    %dma_start3A_59 = tpu.memref_slice %arg2[%mul3A_57] : memref<6400000xi32, #tpu.memory_space<hbm>> -> memref<2048xi32, #tpu.memory_space<hbm>>
    tpu.enqueue_dma source(%dma_start3A_59 : memref<2048xi32, #tpu.memory_space<hbm>>) target(%arg11 : memref<2048xi32, #tpu.memory_space<vmem>>) target_semaphore(%arg24 : memref<!tpu.dma_semaphore, #tpu.memory_space<semaphore_mem>>)
    %dma_start3A_60 = tpu.memref_slice %arg3[%mul3A_57] : memref<6400000xi32, #tpu.memory_space<hbm>> -> memref<2048xi32, #tpu.memory_space<hbm>>
    %dma_start3A_61 = tpu.memref_slice %arg3[%mul3A_57] : memref<6400000xi32, #tpu.memory_space<hbm>> -> memref<2048xi32, #tpu.memory_space<hbm>>
    tpu.enqueue_dma source(%dma_start3A_61 : memref<2048xi32, #tpu.memory_space<hbm>>) target(%arg14 : memref<2048xi32, #tpu.memory_space<vmem>>) target_semaphore(%arg24 : memref<!tpu.dma_semaphore, #tpu.memory_space<semaphore_mem>>)
    %dma_start3A_62 = tpu.memref_slice %arg4[%mul3A_57] : memref<6400000xf32, #tpu.memory_space<hbm>> -> memref<2048xf32, #tpu.memory_space<hbm>>
    %dma_start3A_63 = tpu.memref_slice %arg4[%mul3A_57] : memref<6400000xf32, #tpu.memory_space<hbm>> -> memref<2048xf32, #tpu.memory_space<hbm>>
    tpu.enqueue_dma source(%dma_start3A_63 : memref<2048xf32, #tpu.memory_space<hbm>>) target(%arg17 : memref<2048xf32, #tpu.memory_space<vmem>>) target_semaphore(%arg24 : memref<!tpu.dma_semaphore, #tpu.memory_space<semaphore_mem>>)
    "tpu.region"() ({
      %run_scoped3A = tpu.sem_alloc : memref<!tpu.dma_semaphore, #tpu.memory_space<semaphore_mem>>
      tpu.enqueue_dma source(%arg6 : memref<100000xf32, #tpu.memory_space<hbm>>) target(%arg9 : memref<100000xf32, #tpu.memory_space<vmem>>) target_semaphore(%run_scoped3A : memref<!tpu.dma_semaphore, #tpu.memory_space<semaphore_mem>>)
      tpu.wait_dma2 semaphore(%run_scoped3A : memref<!tpu.dma_semaphore, #tpu.memory_space<semaphore_mem>>) src(%arg6 : memref<100000xf32, #tpu.memory_space<hbm>>) dst(%arg9 : memref<100000xf32, #tpu.memory_space<vmem>>)
      tpu.yield
    }) : () -> ()
    %eq3A = arith.constant 0 : i32
    %eq3A_64 = arith.cmpi eq, %arg1, %eq3A : i32
    %convert_element_type3A = arith.extui %eq3A_64 : i1 to i32
    %cond3A = arith.constant 0 : i32
    %cond3A_65 = arith.cmpi ne, %convert_element_type3A, %cond3A : i32
    scf.if %cond3A_65 {
      "tpu.region"() ({
        %run_scoped3A = tpu.sem_alloc : memref<!tpu.dma_semaphore, #tpu.memory_space<semaphore_mem>>
        tpu.enqueue_dma source(%arg7 : memref<100352xf32, #tpu.memory_space<hbm>>) target(%arg22 : memref<100352xf32, #tpu.memory_space<vmem_shared>>) target_semaphore(%run_scoped3A : memref<!tpu.dma_semaphore, #tpu.memory_space<semaphore_mem>>)
        tpu.wait_dma2 semaphore(%run_scoped3A : memref<!tpu.dma_semaphore, #tpu.memory_space<semaphore_mem>>) src(%arg7 : memref<100352xf32, #tpu.memory_space<hbm>>) dst(%arg22 : memref<100352xf32, #tpu.memory_space<vmem_shared>>)
        tpu.yield
      }) : () -> ()
    } else {
    }
    %barrier3A = arith.constant 0 : index
    tpu.barrier barrier_id(%barrier3A)
    %sub3A_66 = arith.subi %select_n3A_46, %select_n3A : i32
    %add3A_67 = arith.constant 2 : i32
    %add3A_68 = arith.addi %sub3A_66, %add3A_67 : i32
    %jit3A_69 = arith.constant 3 : i32
    %div3A_70 = arith.divsi %add3A_68, %jit3A_69 : i32
    %sign3A_71 = arith.constant 0 : i32
    %sign3A_72 = arith.cmpi sgt, %add3A_68, %sign3A_71 : i32
    %sign3A_73 = arith.extui %sign3A_72 : i1 to i32
    %sign3A_74 = arith.constant 0 : i32
    %sign3A_75 = arith.cmpi slt, %add3A_68, %sign3A_74 : i32
    %sign3A_76 = arith.extui %sign3A_75 : i1 to i32
    %sign3A_77 = arith.subi %sign3A_73, %sign3A_76 : i32
    %sign3A_78 = arith.constant 0 : i32
    %sign3A_79 = arith.cmpi sgt, %jit3A_69, %sign3A_78 : i32
    %sign3A_80 = arith.extui %sign3A_79 : i1 to i32
    %sign3A_81 = arith.constant 0 : i32
    %sign3A_82 = arith.cmpi slt, %jit3A_69, %sign3A_81 : i32
    %sign3A_83 = arith.extui %sign3A_82 : i1 to i32
    %sign3A_84 = arith.subi %sign3A_80, %sign3A_83 : i32
    %ne3A_85 = arith.cmpi ne, %sign3A_77, %sign3A_84 : i32
    %rem3A_86 = arith.remsi %add3A_68, %jit3A_69 : i32
    %ne3A_87 = arith.constant 0 : i32
    %ne3A_88 = arith.cmpi ne, %rem3A_86, %ne3A_87 : i32
    %and3A_89 = arith.andi %ne3A_85, %ne3A_88 : i1
    %sub3A_90 = arith.constant 1 : i32
    %sub3A_91 = arith.subi %div3A_70, %sub3A_90 : i32
    %select_n3A_92 = arith.select %and3A_89, %sub3A_91, %div3A_70 : i32
    %while3A = arith.constant 0 : i32
    %while3A_93 = arith.constant 0 : i32
    %while3A_94 = arith.subi %select_n3A_92, %while3A_93 : i32
    %while3A_95 = arith.addi %while3A_93, %while3A_94 : i32
    %while3A_96 = arith.constant 1 : i32
    %while3A_97 = arith.divsi %while3A_94, %while3A_96 : i32
    %while3A_98 = arith.muli %while3A_97, %while3A_96 : i32
    %while3A_99 = arith.addi %while3A_93, %while3A_98 : i32
    %while3A_100 = arith.constant 1 : i32
    scf.for %while3A_139 = %while3A_93 to %while3A_99 step %while3A_100  : i32 {
      %mul3A_140 = arith.constant 3 : i32
      %mul3A_141 = arith.muli %mul3A_140, %while3A_139 : i32
      %add3A_142 = arith.addi %select_n3A, %mul3A_141 : i32
      %add3A_143 = arith.constant 0 : i32
      %add3A_144 = arith.addi %add3A_142, %add3A_143 : i32
      %lt3A = arith.cmpi slt, %add3A_144, %select_n3A_46 : i32
      %add3A_145 = arith.constant 0 : i32
      %add3A_146 = arith.addi %add3A_142, %add3A_145 : i32
      %convert_element_type3A_147 = arith.extui %lt3A : i1 to i32
      %cond3A_148 = arith.constant 0 : i32
      %cond3A_149 = arith.cmpi ne, %convert_element_type3A_147, %cond3A_148 : i32
      scf.if %cond3A_149 {
        %add3A_166 = arith.constant 2 : i32
        %add3A_167 = arith.addi %add3A_146, %add3A_166 : i32
        %lt3A_168 = arith.cmpi slt, %add3A_167, %select_n3A_46 : i32
        %sub3A_169 = arith.constant 1 : i32
        %sub3A_170 = arith.subi %add3A_146, %sub3A_169 : i32
        %ge3A = arith.cmpi sge, %sub3A_170, %select_n3A : i32
        %and3A_171 = arith.andi %lt3A_168, %ge3A : i1
        %convert_element_type3A_172 = arith.extui %and3A_171 : i1 to i32
        %cond3A_173 = arith.constant 0 : i32
        %cond3A_174 = arith.cmpi ne, %convert_element_type3A_172, %cond3A_173 : i32
        scf.if %cond3A_174 {
          %dma_wait3A_194 = arith.constant 0 : i32
          %dma_wait3A_195 = tpu.memref_slice %arg22[%dma_wait3A_194] : memref<100352xf32, #tpu.memory_space<vmem_shared>> -> memref<100352xf32, #tpu.memory_space<vmem_shared>>
          tpu.wait_indirect_dma semaphore(%arg28 : memref<!tpu.dma_semaphore, #tpu.memory_space<semaphore_mem>>) src(%arg21 : memref<2048xf32, #tpu.memory_space<vmem>>) dst(%dma_wait3A_195 : memref<100352xf32, #tpu.memory_space<vmem_shared>>)
        } else {
        }
        %add3A_175 = arith.constant 2 : i32
        %add3A_176 = arith.addi %add3A_146, %add3A_175 : i32
        %lt3A_177 = arith.cmpi slt, %add3A_176, %select_n3A_46 : i32
        %convert_element_type3A_178 = arith.extui %lt3A_177 : i1 to i32
        %cond3A_179 = arith.constant 0 : i32
        %cond3A_180 = arith.cmpi ne, %convert_element_type3A_178, %cond3A_179 : i32
        scf.if %cond3A_180 {
          %add3A_194 = arith.constant 2 : i32
          %add3A_195 = arith.addi %add3A_146, %add3A_194 : i32
          %mul3A_196 = arith.constant 2048 : i32
          %mul3A_197 = arith.muli %add3A_195, %mul3A_196 : i32
          %dma_start3A_198 = tpu.memref_slice %arg2[%mul3A_197] : memref<6400000xi32, #tpu.memory_space<hbm>> -> memref<2048xi32, #tpu.memory_space<hbm>>
          %dma_start3A_199 = tpu.memref_slice %arg2[%mul3A_197] : memref<6400000xi32, #tpu.memory_space<hbm>> -> memref<2048xi32, #tpu.memory_space<hbm>>
          tpu.enqueue_dma source(%dma_start3A_199 : memref<2048xi32, #tpu.memory_space<hbm>>) target(%arg12 : memref<2048xi32, #tpu.memory_space<vmem>>) target_semaphore(%arg25 : memref<!tpu.dma_semaphore, #tpu.memory_space<semaphore_mem>>)
          %dma_start3A_200 = tpu.memref_slice %arg3[%mul3A_197] : memref<6400000xi32, #tpu.memory_space<hbm>> -> memref<2048xi32, #tpu.memory_space<hbm>>
          %dma_start3A_201 = tpu.memref_slice %arg3[%mul3A_197] : memref<6400000xi32, #tpu.memory_space<hbm>> -> memref<2048xi32, #tpu.memory_space<hbm>>
          tpu.enqueue_dma source(%dma_start3A_201 : memref<2048xi32, #tpu.memory_space<hbm>>) target(%arg15 : memref<2048xi32, #tpu.memory_space<vmem>>) target_semaphore(%arg25 : memref<!tpu.dma_semaphore, #tpu.memory_space<semaphore_mem>>)
          %dma_start3A_202 = tpu.memref_slice %arg4[%mul3A_197] : memref<6400000xf32, #tpu.memory_space<hbm>> -> memref<2048xf32, #tpu.memory_space<hbm>>
          %dma_start3A_203 = tpu.memref_slice %arg4[%mul3A_197] : memref<6400000xf32, #tpu.memory_space<hbm>> -> memref<2048xf32, #tpu.memory_space<hbm>>
          tpu.enqueue_dma source(%dma_start3A_203 : memref<2048xf32, #tpu.memory_space<hbm>>) target(%arg18 : memref<2048xf32, #tpu.memory_space<vmem>>) target_semaphore(%arg25 : memref<!tpu.dma_semaphore, #tpu.memory_space<semaphore_mem>>)
        } else {
        }
        %mul3A_181 = arith.constant 2048 : i32
        %mul3A_182 = arith.muli %add3A_146, %mul3A_181 : i32
        %dma_wait3A_183 = tpu.memref_slice %arg2[%mul3A_182] : memref<6400000xi32, #tpu.memory_space<hbm>> -> memref<2048xi32, #tpu.memory_space<hbm>>
        %dma_wait3A_184 = tpu.memref_slice %arg2[%mul3A_182] : memref<6400000xi32, #tpu.memory_space<hbm>> -> memref<2048xi32, #tpu.memory_space<hbm>>
        tpu.wait_dma2 semaphore(%arg23 : memref<!tpu.dma_semaphore, #tpu.memory_space<semaphore_mem>>) src(%dma_wait3A_184 : memref<2048xi32, #tpu.memory_space<hbm>>) dst(%arg10 : memref<2048xi32, #tpu.memory_space<vmem>>)
        %dma_wait3A_185 = tpu.memref_slice %arg3[%mul3A_182] : memref<6400000xi32, #tpu.memory_space<hbm>> -> memref<2048xi32, #tpu.memory_space<hbm>>
        %dma_wait3A_186 = tpu.memref_slice %arg3[%mul3A_182] : memref<6400000xi32, #tpu.memory_space<hbm>> -> memref<2048xi32, #tpu.memory_space<hbm>>
        tpu.wait_dma2 semaphore(%arg23 : memref<!tpu.dma_semaphore, #tpu.memory_space<semaphore_mem>>) src(%dma_wait3A_186 : memref<2048xi32, #tpu.memory_space<hbm>>) dst(%arg13 : memref<2048xi32, #tpu.memory_space<vmem>>)
        %dma_wait3A_187 = tpu.memref_slice %arg4[%mul3A_182] : memref<6400000xf32, #tpu.memory_space<hbm>> -> memref<2048xf32, #tpu.memory_space<hbm>>
        %dma_wait3A_188 = tpu.memref_slice %arg4[%mul3A_182] : memref<6400000xf32, #tpu.memory_space<hbm>> -> memref<2048xf32, #tpu.memory_space<hbm>>
        tpu.wait_dma2 semaphore(%arg23 : memref<!tpu.dma_semaphore, #tpu.memory_space<semaphore_mem>>) src(%dma_wait3A_188 : memref<2048xf32, #tpu.memory_space<hbm>>) dst(%arg16 : memref<2048xf32, #tpu.memory_space<vmem>>)
        %parallel_loop3A_189 = arith.constant 0 : i32
        %parallel_loop3A_190 = arith.constant 2048 : i32
        %parallel_loop3A_191 = arith.constant 16 : i32
        scf.for %parallel_loop3A_194 = %parallel_loop3A_189 to %parallel_loop3A_190 step %parallel_loop3A_191  : i32 {
          %parallel_loop3A_195 = arith.index_cast %parallel_loop3A_194 : i32 to index
          %parallel_loop3A_196 = tpu.vector_load %arg10[%parallel_loop3A_195] {strides = array<i32>} : memref<2048xi32, #tpu.memory_space<vmem>>, vector<16xi32>,
          %parallel_loop3A_197 = arith.index_cast %parallel_loop3A_194 : i32 to index
          %parallel_loop3A_198 = tpu.vector_load %arg13[%parallel_loop3A_197] {strides = array<i32>} : memref<2048xi32, #tpu.memory_space<vmem>>, vector<16xi32>,
          %parallel_loop3A_199 = arith.index_cast %parallel_loop3A_194 : i32 to index
          %parallel_loop3A_200 = tpu.vector_load %arg16[%parallel_loop3A_199] {strides = array<i32>} : memref<2048xf32, #tpu.memory_space<vmem>>, vector<16xf32>,
          %parallel_loop3A_201 = tpu.vector_load_idx %arg9[%parallel_loop3A_196] : memref<100000xf32, #tpu.memory_space<vmem>>[vector<16xi32>], vector<16xf32>,
          %parallel_loop3A_202 = tpu.vector_load_idx %arg9[%parallel_loop3A_198] : memref<100000xf32, #tpu.memory_space<vmem>>[vector<16xi32>], vector<16xf32>,
          %parallel_loop3A_203 = arith.mulf %parallel_loop3A_201, %parallel_loop3A_201 : vector<16xf32>
          %parallel_loop3A_204 = arith.mulf %parallel_loop3A_202, %parallel_loop3A_202 : vector<16xf32>
          %parallel_loop3A_205 = arith.addf %parallel_loop3A_203, %parallel_loop3A_204 : vector<16xf32>
          %parallel_loop3A_206 = vector.bitcast %parallel_loop3A_205 : vector<16xf32> to vector<16xi32>
          %parallel_loop3A_207 = arith.constant 1 : i32
          %parallel_loop3A_208 = vector.broadcast %parallel_loop3A_207 : i32 to vector<16xi32>
          %parallel_loop3A_209 = arith.shrui %parallel_loop3A_206, %parallel_loop3A_208 : vector<16xi32>
          %parallel_loop3A_210 = arith.constant 1597463007 : i32
          %parallel_loop3A_211 = vector.broadcast %parallel_loop3A_210 : i32 to vector<16xi32>
          %parallel_loop3A_212 = arith.subi %parallel_loop3A_211, %parallel_loop3A_209 : vector<16xi32>
          %parallel_loop3A_213 = vector.bitcast %parallel_loop3A_212 : vector<16xi32> to vector<16xf32>
          %parallel_loop3A_214 = arith.constant 5.000000e-01 : f32
          %parallel_loop3A_215 = vector.broadcast %parallel_loop3A_214 : f32 to vector<16xf32>
          %parallel_loop3A_216 = arith.mulf %parallel_loop3A_215, %parallel_loop3A_205 : vector<16xf32>
          %parallel_loop3A_217 = arith.mulf %parallel_loop3A_216, %parallel_loop3A_213 : vector<16xf32>
          %parallel_loop3A_218 = arith.mulf %parallel_loop3A_217, %parallel_loop3A_213 : vector<16xf32>
          %parallel_loop3A_219 = arith.constant 1.500000e+00 : f32
          %parallel_loop3A_220 = vector.broadcast %parallel_loop3A_219 : f32 to vector<16xf32>
          %parallel_loop3A_221 = arith.subf %parallel_loop3A_220, %parallel_loop3A_218 : vector<16xf32>
          %parallel_loop3A_222 = arith.mulf %parallel_loop3A_213, %parallel_loop3A_221 : vector<16xf32>
          %parallel_loop3A_223 = arith.constant 5.000000e-01 : f32
          %parallel_loop3A_224 = vector.broadcast %parallel_loop3A_223 : f32 to vector<16xf32>
          %parallel_loop3A_225 = arith.mulf %parallel_loop3A_224, %parallel_loop3A_205 : vector<16xf32>
          %parallel_loop3A_226 = arith.mulf %parallel_loop3A_225, %parallel_loop3A_222 : vector<16xf32>
          %parallel_loop3A_227 = arith.mulf %parallel_loop3A_226, %parallel_loop3A_222 : vector<16xf32>
          %parallel_loop3A_228 = arith.constant 1.500000e+00 : f32
          %parallel_loop3A_229 = vector.broadcast %parallel_loop3A_228 : f32 to vector<16xf32>
          %parallel_loop3A_230 = arith.subf %parallel_loop3A_229, %parallel_loop3A_227 : vector<16xf32>
          %parallel_loop3A_231 = arith.mulf %parallel_loop3A_222, %parallel_loop3A_230 : vector<16xf32>
          %parallel_loop3A_232 = arith.constant 0.707106769 : f32
          %parallel_loop3A_233 = vector.broadcast %parallel_loop3A_232 : f32 to vector<16xf32>
          %parallel_loop3A_234 = arith.mulf %parallel_loop3A_200, %parallel_loop3A_233 : vector<16xf32>
          %parallel_loop3A_235 = arith.mulf %parallel_loop3A_234, %parallel_loop3A_231 : vector<16xf32>
          %parallel_loop3A_236 = arith.constant 7.810800e-02 : f32
          %parallel_loop3A_237 = vector.broadcast %parallel_loop3A_236 : f32 to vector<16xf32>
          %parallel_loop3A_238 = arith.mulf %parallel_loop3A_235, %parallel_loop3A_237 : vector<16xf32>
          %parallel_loop3A_239 = arith.constant 9.720000e-04 : f32
          %parallel_loop3A_240 = vector.broadcast %parallel_loop3A_239 : f32 to vector<16xf32>
          %parallel_loop3A_241 = arith.addf %parallel_loop3A_240, %parallel_loop3A_238 : vector<16xf32>
          %parallel_loop3A_242 = arith.mulf %parallel_loop3A_235, %parallel_loop3A_241 : vector<16xf32>
          %parallel_loop3A_243 = arith.constant 2.303890e-01 : f32
          %parallel_loop3A_244 = vector.broadcast %parallel_loop3A_243 : f32 to vector<16xf32>
          %parallel_loop3A_245 = arith.addf %parallel_loop3A_244, %parallel_loop3A_242 : vector<16xf32>
          %parallel_loop3A_246 = arith.mulf %parallel_loop3A_235, %parallel_loop3A_245 : vector<16xf32>
          %parallel_loop3A_247 = arith.constant 2.783930e-01 : f32
          %parallel_loop3A_248 = vector.broadcast %parallel_loop3A_247 : f32 to vector<16xf32>
          %parallel_loop3A_249 = arith.addf %parallel_loop3A_248, %parallel_loop3A_246 : vector<16xf32>
          %parallel_loop3A_250 = arith.mulf %parallel_loop3A_235, %parallel_loop3A_249 : vector<16xf32>
          %parallel_loop3A_251 = arith.constant 1.000000e+00 : f32
          %parallel_loop3A_252 = vector.broadcast %parallel_loop3A_251 : f32 to vector<16xf32>
          %parallel_loop3A_253 = arith.addf %parallel_loop3A_252, %parallel_loop3A_250 : vector<16xf32>
          %parallel_loop3A_254 = arith.mulf %parallel_loop3A_253, %parallel_loop3A_200 : vector<16xf32>
          %parallel_loop3A_255 = arith.constant 1.000000e+00 : f32
          %parallel_loop3A_256 = vector.broadcast %parallel_loop3A_255 : f32 to vector<16xf32>
          %parallel_loop3A_257 = arith.divf %parallel_loop3A_256, %parallel_loop3A_254 : vector<16xf32>
          %parallel_loop3A_258 = arith.mulf %parallel_loop3A_200, %parallel_loop3A_257 : vector<16xf32>
          %parallel_loop3A_259 = arith.mulf %parallel_loop3A_253, %parallel_loop3A_257 : vector<16xf32>
          %parallel_loop3A_260 = arith.mulf %parallel_loop3A_258, %parallel_loop3A_258 : vector<16xf32>
          %parallel_loop3A_261 = arith.mulf %parallel_loop3A_260, %parallel_loop3A_260 : vector<16xf32>
          %parallel_loop3A_262 = arith.constant 1.000000e+00 : f32
          %parallel_loop3A_263 = vector.broadcast %parallel_loop3A_262 : f32 to vector<16xf32>
          %parallel_loop3A_264 = arith.subf %parallel_loop3A_263, %parallel_loop3A_261 : vector<16xf32>
          %parallel_loop3A_265 = arith.mulf %parallel_loop3A_200, %parallel_loop3A_200 : vector<16xf32>
          %parallel_loop3A_266 = arith.mulf %parallel_loop3A_265, %parallel_loop3A_200 : vector<16xf32>
          %parallel_loop3A_267 = arith.constant 6.000000e+00 : f32
          %parallel_loop3A_268 = vector.broadcast %parallel_loop3A_267 : f32 to vector<16xf32>
          %parallel_loop3A_269 = arith.mulf %parallel_loop3A_268, %parallel_loop3A_200 : vector<16xf32>
          %parallel_loop3A_270 = arith.constant 1.500000e+01 : f32
          %parallel_loop3A_271 = vector.broadcast %parallel_loop3A_270 : f32 to vector<16xf32>
          %parallel_loop3A_272 = arith.subf %parallel_loop3A_271, %parallel_loop3A_269 : vector<16xf32>
          %parallel_loop3A_273 = arith.mulf %parallel_loop3A_200, %parallel_loop3A_272 : vector<16xf32>
          %parallel_loop3A_274 = arith.constant -1.000000e+01 : f32
          %parallel_loop3A_275 = vector.broadcast %parallel_loop3A_274 : f32 to vector<16xf32>
          %parallel_loop3A_276 = arith.addf %parallel_loop3A_275, %parallel_loop3A_273 : vector<16xf32>
          %parallel_loop3A_277 = arith.mulf %parallel_loop3A_266, %parallel_loop3A_276 : vector<16xf32>
          %parallel_loop3A_278 = arith.constant 1.000000e+00 : f32
          %parallel_loop3A_279 = vector.broadcast %parallel_loop3A_278 : f32 to vector<16xf32>
          %parallel_loop3A_280 = arith.addf %parallel_loop3A_279, %parallel_loop3A_277 : vector<16xf32>
          %parallel_loop3A_281 = arith.constant 14.3996458 : f32
          %parallel_loop3A_282 = vector.broadcast %parallel_loop3A_281 : f32 to vector<16xf32>
          %parallel_loop3A_283 = arith.mulf %parallel_loop3A_282, %parallel_loop3A_264 : vector<16xf32>
          %parallel_loop3A_284 = arith.mulf %parallel_loop3A_283, %parallel_loop3A_280 : vector<16xf32>
          %parallel_loop3A_285 = arith.mulf %parallel_loop3A_284, %parallel_loop3A_259 : vector<16xf32>
          %parallel_loop3A_286 = arith.index_cast %parallel_loop3A_194 : i32 to index
          %parallel_loop3A_287 = tpu.vector_load %arg19[%parallel_loop3A_286] {strides = array<i32>} : memref<2048xf32, #tpu.memory_space<vmem>>, vector<16xf32>,
          tpu.vector_store %arg19[%parallel_loop3A_286], %parallel_loop3A_285 {strides = array<i32>} : memref<2048xf32, #tpu.memory_space<vmem>>, vector<16xf32>,
        } {sc.loop_unroll_factor = 8 : i64, sc.parallel_access}
        %dma_start3A_192 = arith.constant 0 : i32
        %dma_start3A_193 = tpu.memref_slice %arg22[%dma_start3A_192] : memref<100352xf32, #tpu.memory_space<vmem_shared>> -> memref<100352xf32, #tpu.memory_space<vmem_shared>>
        tpu.enqueue_indirect_dma source(%arg19 : memref<2048xf32, #tpu.memory_space<vmem>>) target(%dma_start3A_193 : memref<100352xf32, #tpu.memory_space<vmem_shared>>) offsets(%arg13 : memref<2048xi32, #tpu.memory_space<vmem>>) semaphore(%arg26 : memref<!tpu.dma_semaphore, #tpu.memory_space<semaphore_mem>>) {add = true}
      } else {
      }
      %add3A_150 = arith.constant 1 : i32
      %add3A_151 = arith.addi %add3A_142, %add3A_150 : i32
      %lt3A_152 = arith.cmpi slt, %add3A_151, %select_n3A_46 : i32
      %add3A_153 = arith.constant 1 : i32
      %add3A_154 = arith.addi %add3A_142, %add3A_153 : i32
      %convert_element_type3A_155 = arith.extui %lt3A_152 : i1 to i32
      %cond3A_156 = arith.constant 0 : i32
      %cond3A_157 = arith.cmpi ne, %convert_element_type3A_155, %cond3A_156 : i32
      scf.if %cond3A_157 {
        %add3A_166 = arith.constant 2 : i32
        %add3A_167 = arith.addi %add3A_154, %add3A_166 : i32
        %lt3A_168 = arith.cmpi slt, %add3A_167, %select_n3A_46 : i32
        %sub3A_169 = arith.constant 1 : i32
        %sub3A_170 = arith.subi %add3A_154, %sub3A_169 : i32
        %ge3A = arith.cmpi sge, %sub3A_170, %select_n3A : i32
        %and3A_171 = arith.andi %lt3A_168, %ge3A : i1
        %convert_element_type3A_172 = arith.extui %and3A_171 : i1 to i32
        %cond3A_173 = arith.constant 0 : i32
        %cond3A_174 = arith.cmpi ne, %convert_element_type3A_172, %cond3A_173 : i32
        scf.if %cond3A_174 {
          %dma_wait3A_194 = arith.constant 0 : i32
          %dma_wait3A_195 = tpu.memref_slice %arg22[%dma_wait3A_194] : memref<100352xf32, #tpu.memory_space<vmem_shared>> -> memref<100352xf32, #tpu.memory_space<vmem_shared>>
          tpu.wait_indirect_dma semaphore(%arg26 : memref<!tpu.dma_semaphore, #tpu.memory_space<semaphore_mem>>) src(%arg19 : memref<2048xf32, #tpu.memory_space<vmem>>) dst(%dma_wait3A_195 : memref<100352xf32, #tpu.memory_space<vmem_shared>>)
        } else {
        }
        %add3A_175 = arith.constant 2 : i32
        %add3A_176 = arith.addi %add3A_154, %add3A_175 : i32
        %lt3A_177 = arith.cmpi slt, %add3A_176, %select_n3A_46 : i32
        %convert_element_type3A_178 = arith.extui %lt3A_177 : i1 to i32
        %cond3A_179 = arith.constant 0 : i32
        %cond3A_180 = arith.cmpi ne, %convert_element_type3A_178, %cond3A_179 : i32
        scf.if %cond3A_180 {
          %add3A_194 = arith.constant 2 : i32
          %add3A_195 = arith.addi %add3A_154, %add3A_194 : i32
          %mul3A_196 = arith.constant 2048 : i32
          %mul3A_197 = arith.muli %add3A_195, %mul3A_196 : i32
          %dma_start3A_198 = tpu.memref_slice %arg2[%mul3A_197] : memref<6400000xi32, #tpu.memory_space<hbm>> -> memref<2048xi32, #tpu.memory_space<hbm>>
          %dma_start3A_199 = tpu.memref_slice %arg2[%mul3A_197] : memref<6400000xi32, #tpu.memory_space<hbm>> -> memref<2048xi32, #tpu.memory_space<hbm>>
          tpu.enqueue_dma source(%dma_start3A_199 : memref<2048xi32, #tpu.memory_space<hbm>>) target(%arg10 : memref<2048xi32, #tpu.memory_space<vmem>>) target_semaphore(%arg23 : memref<!tpu.dma_semaphore, #tpu.memory_space<semaphore_mem>>)
          %dma_start3A_200 = tpu.memref_slice %arg3[%mul3A_197] : memref<6400000xi32, #tpu.memory_space<hbm>> -> memref<2048xi32, #tpu.memory_space<hbm>>
          %dma_start3A_201 = tpu.memref_slice %arg3[%mul3A_197] : memref<6400000xi32, #tpu.memory_space<hbm>> -> memref<2048xi32, #tpu.memory_space<hbm>>
          tpu.enqueue_dma source(%dma_start3A_201 : memref<2048xi32, #tpu.memory_space<hbm>>) target(%arg13 : memref<2048xi32, #tpu.memory_space<vmem>>) target_semaphore(%arg23 : memref<!tpu.dma_semaphore, #tpu.memory_space<semaphore_mem>>)
          %dma_start3A_202 = tpu.memref_slice %arg4[%mul3A_197] : memref<6400000xf32, #tpu.memory_space<hbm>> -> memref<2048xf32, #tpu.memory_space<hbm>>
          %dma_start3A_203 = tpu.memref_slice %arg4[%mul3A_197] : memref<6400000xf32, #tpu.memory_space<hbm>> -> memref<2048xf32, #tpu.memory_space<hbm>>
          tpu.enqueue_dma source(%dma_start3A_203 : memref<2048xf32, #tpu.memory_space<hbm>>) target(%arg16 : memref<2048xf32, #tpu.memory_space<vmem>>) target_semaphore(%arg23 : memref<!tpu.dma_semaphore, #tpu.memory_space<semaphore_mem>>)
        } else {
        }
        %mul3A_181 = arith.constant 2048 : i32
        %mul3A_182 = arith.muli %add3A_154, %mul3A_181 : i32
        %dma_wait3A_183 = tpu.memref_slice %arg2[%mul3A_182] : memref<6400000xi32, #tpu.memory_space<hbm>> -> memref<2048xi32, #tpu.memory_space<hbm>>
        %dma_wait3A_184 = tpu.memref_slice %arg2[%mul3A_182] : memref<6400000xi32, #tpu.memory_space<hbm>> -> memref<2048xi32, #tpu.memory_space<hbm>>
        tpu.wait_dma2 semaphore(%arg24 : memref<!tpu.dma_semaphore, #tpu.memory_space<semaphore_mem>>) src(%dma_wait3A_184 : memref<2048xi32, #tpu.memory_space<hbm>>) dst(%arg11 : memref<2048xi32, #tpu.memory_space<vmem>>)
        %dma_wait3A_185 = tpu.memref_slice %arg3[%mul3A_182] : memref<6400000xi32, #tpu.memory_space<hbm>> -> memref<2048xi32, #tpu.memory_space<hbm>>
        %dma_wait3A_186 = tpu.memref_slice %arg3[%mul3A_182] : memref<6400000xi32, #tpu.memory_space<hbm>> -> memref<2048xi32, #tpu.memory_space<hbm>>
        tpu.wait_dma2 semaphore(%arg24 : memref<!tpu.dma_semaphore, #tpu.memory_space<semaphore_mem>>) src(%dma_wait3A_186 : memref<2048xi32, #tpu.memory_space<hbm>>) dst(%arg14 : memref<2048xi32, #tpu.memory_space<vmem>>)
        %dma_wait3A_187 = tpu.memref_slice %arg4[%mul3A_182] : memref<6400000xf32, #tpu.memory_space<hbm>> -> memref<2048xf32, #tpu.memory_space<hbm>>
        %dma_wait3A_188 = tpu.memref_slice %arg4[%mul3A_182] : memref<6400000xf32, #tpu.memory_space<hbm>> -> memref<2048xf32, #tpu.memory_space<hbm>>
        tpu.wait_dma2 semaphore(%arg24 : memref<!tpu.dma_semaphore, #tpu.memory_space<semaphore_mem>>) src(%dma_wait3A_188 : memref<2048xf32, #tpu.memory_space<hbm>>) dst(%arg17 : memref<2048xf32, #tpu.memory_space<vmem>>)
        %parallel_loop3A_189 = arith.constant 0 : i32
        %parallel_loop3A_190 = arith.constant 2048 : i32
        %parallel_loop3A_191 = arith.constant 16 : i32
        scf.for %parallel_loop3A_194 = %parallel_loop3A_189 to %parallel_loop3A_190 step %parallel_loop3A_191  : i32 {
          %parallel_loop3A_195 = arith.index_cast %parallel_loop3A_194 : i32 to index
          %parallel_loop3A_196 = tpu.vector_load %arg11[%parallel_loop3A_195] {strides = array<i32>} : memref<2048xi32, #tpu.memory_space<vmem>>, vector<16xi32>,
          %parallel_loop3A_197 = arith.index_cast %parallel_loop3A_194 : i32 to index
          %parallel_loop3A_198 = tpu.vector_load %arg14[%parallel_loop3A_197] {strides = array<i32>} : memref<2048xi32, #tpu.memory_space<vmem>>, vector<16xi32>,
          %parallel_loop3A_199 = arith.index_cast %parallel_loop3A_194 : i32 to index
          %parallel_loop3A_200 = tpu.vector_load %arg17[%parallel_loop3A_199] {strides = array<i32>} : memref<2048xf32, #tpu.memory_space<vmem>>, vector<16xf32>,
          %parallel_loop3A_201 = tpu.vector_load_idx %arg9[%parallel_loop3A_196] : memref<100000xf32, #tpu.memory_space<vmem>>[vector<16xi32>], vector<16xf32>,
          %parallel_loop3A_202 = tpu.vector_load_idx %arg9[%parallel_loop3A_198] : memref<100000xf32, #tpu.memory_space<vmem>>[vector<16xi32>], vector<16xf32>,
          %parallel_loop3A_203 = arith.mulf %parallel_loop3A_201, %parallel_loop3A_201 : vector<16xf32>
          %parallel_loop3A_204 = arith.mulf %parallel_loop3A_202, %parallel_loop3A_202 : vector<16xf32>
          %parallel_loop3A_205 = arith.addf %parallel_loop3A_203, %parallel_loop3A_204 : vector<16xf32>
          %parallel_loop3A_206 = vector.bitcast %parallel_loop3A_205 : vector<16xf32> to vector<16xi32>
          %parallel_loop3A_207 = arith.constant 1 : i32
          %parallel_loop3A_208 = vector.broadcast %parallel_loop3A_207 : i32 to vector<16xi32>
          %parallel_loop3A_209 = arith.shrui %parallel_loop3A_206, %parallel_loop3A_208 : vector<16xi32>
          %parallel_loop3A_210 = arith.constant 1597463007 : i32
          %parallel_loop3A_211 = vector.broadcast %parallel_loop3A_210 : i32 to vector<16xi32>
          %parallel_loop3A_212 = arith.subi %parallel_loop3A_211, %parallel_loop3A_209 : vector<16xi32>
          %parallel_loop3A_213 = vector.bitcast %parallel_loop3A_212 : vector<16xi32> to vector<16xf32>
          %parallel_loop3A_214 = arith.constant 5.000000e-01 : f32
          %parallel_loop3A_215 = vector.broadcast %parallel_loop3A_214 : f32 to vector<16xf32>
          %parallel_loop3A_216 = arith.mulf %parallel_loop3A_215, %parallel_loop3A_205 : vector<16xf32>
          %parallel_loop3A_217 = arith.mulf %parallel_loop3A_216, %parallel_loop3A_213 : vector<16xf32>
          %parallel_loop3A_218 = arith.mulf %parallel_loop3A_217, %parallel_loop3A_213 : vector<16xf32>
          %parallel_loop3A_219 = arith.constant 1.500000e+00 : f32
          %parallel_loop3A_220 = vector.broadcast %parallel_loop3A_219 : f32 to vector<16xf32>
          %parallel_loop3A_221 = arith.subf %parallel_loop3A_220, %parallel_loop3A_218 : vector<16xf32>
          %parallel_loop3A_222 = arith.mulf %parallel_loop3A_213, %parallel_loop3A_221 : vector<16xf32>
          %parallel_loop3A_223 = arith.constant 5.000000e-01 : f32
          %parallel_loop3A_224 = vector.broadcast %parallel_loop3A_223 : f32 to vector<16xf32>
          %parallel_loop3A_225 = arith.mulf %parallel_loop3A_224, %parallel_loop3A_205 : vector<16xf32>
          %parallel_loop3A_226 = arith.mulf %parallel_loop3A_225, %parallel_loop3A_222 : vector<16xf32>
          %parallel_loop3A_227 = arith.mulf %parallel_loop3A_226, %parallel_loop3A_222 : vector<16xf32>
          %parallel_loop3A_228 = arith.constant 1.500000e+00 : f32
          %parallel_loop3A_229 = vector.broadcast %parallel_loop3A_228 : f32 to vector<16xf32>
          %parallel_loop3A_230 = arith.subf %parallel_loop3A_229, %parallel_loop3A_227 : vector<16xf32>
          %parallel_loop3A_231 = arith.mulf %parallel_loop3A_222, %parallel_loop3A_230 : vector<16xf32>
          %parallel_loop3A_232 = arith.constant 0.707106769 : f32
          %parallel_loop3A_233 = vector.broadcast %parallel_loop3A_232 : f32 to vector<16xf32>
          %parallel_loop3A_234 = arith.mulf %parallel_loop3A_200, %parallel_loop3A_233 : vector<16xf32>
          %parallel_loop3A_235 = arith.mulf %parallel_loop3A_234, %parallel_loop3A_231 : vector<16xf32>
          %parallel_loop3A_236 = arith.constant 7.810800e-02 : f32
          %parallel_loop3A_237 = vector.broadcast %parallel_loop3A_236 : f32 to vector<16xf32>
          %parallel_loop3A_238 = arith.mulf %parallel_loop3A_235, %parallel_loop3A_237 : vector<16xf32>
          %parallel_loop3A_239 = arith.constant 9.720000e-04 : f32
          %parallel_loop3A_240 = vector.broadcast %parallel_loop3A_239 : f32 to vector<16xf32>
          %parallel_loop3A_241 = arith.addf %parallel_loop3A_240, %parallel_loop3A_238 : vector<16xf32>
          %parallel_loop3A_242 = arith.mulf %parallel_loop3A_235, %parallel_loop3A_241 : vector<16xf32>
          %parallel_loop3A_243 = arith.constant 2.303890e-01 : f32
          %parallel_loop3A_244 = vector.broadcast %parallel_loop3A_243 : f32 to vector<16xf32>
          %parallel_loop3A_245 = arith.addf %parallel_loop3A_244, %parallel_loop3A_242 : vector<16xf32>
          %parallel_loop3A_246 = arith.mulf %parallel_loop3A_235, %parallel_loop3A_245 : vector<16xf32>
          %parallel_loop3A_247 = arith.constant 2.783930e-01 : f32
          %parallel_loop3A_248 = vector.broadcast %parallel_loop3A_247 : f32 to vector<16xf32>
          %parallel_loop3A_249 = arith.addf %parallel_loop3A_248, %parallel_loop3A_246 : vector<16xf32>
          %parallel_loop3A_250 = arith.mulf %parallel_loop3A_235, %parallel_loop3A_249 : vector<16xf32>
          %parallel_loop3A_251 = arith.constant 1.000000e+00 : f32
          %parallel_loop3A_252 = vector.broadcast %parallel_loop3A_251 : f32 to vector<16xf32>
          %parallel_loop3A_253 = arith.addf %parallel_loop3A_252, %parallel_loop3A_250 : vector<16xf32>
          %parallel_loop3A_254 = arith.mulf %parallel_loop3A_253, %parallel_loop3A_200 : vector<16xf32>
          %parallel_loop3A_255 = arith.constant 1.000000e+00 : f32
          %parallel_loop3A_256 = vector.broadcast %parallel_loop3A_255 : f32 to vector<16xf32>
          %parallel_loop3A_257 = arith.divf %parallel_loop3A_256, %parallel_loop3A_254 : vector<16xf32>
          %parallel_loop3A_258 = arith.mulf %parallel_loop3A_200, %parallel_loop3A_257 : vector<16xf32>
          %parallel_loop3A_259 = arith.mulf %parallel_loop3A_253, %parallel_loop3A_257 : vector<16xf32>
          %parallel_loop3A_260 = arith.mulf %parallel_loop3A_258, %parallel_loop3A_258 : vector<16xf32>
          %parallel_loop3A_261 = arith.mulf %parallel_loop3A_260, %parallel_loop3A_260 : vector<16xf32>
          %parallel_loop3A_262 = arith.constant 1.000000e+00 : f32
          %parallel_loop3A_263 = vector.broadcast %parallel_loop3A_262 : f32 to vector<16xf32>
          %parallel_loop3A_264 = arith.subf %parallel_loop3A_263, %parallel_loop3A_261 : vector<16xf32>
          %parallel_loop3A_265 = arith.mulf %parallel_loop3A_200, %parallel_loop3A_200 : vector<16xf32>
          %parallel_loop3A_266 = arith.mulf %parallel_loop3A_265, %parallel_loop3A_200 : vector<16xf32>
          %parallel_loop3A_267 = arith.constant 6.000000e+00 : f32
          %parallel_loop3A_268 = vector.broadcast %parallel_loop3A_267 : f32 to vector<16xf32>
          %parallel_loop3A_269 = arith.mulf %parallel_loop3A_268, %parallel_loop3A_200 : vector<16xf32>
          %parallel_loop3A_270 = arith.constant 1.500000e+01 : f32
          %parallel_loop3A_271 = vector.broadcast %parallel_loop3A_270 : f32 to vector<16xf32>
          %parallel_loop3A_272 = arith.subf %parallel_loop3A_271, %parallel_loop3A_269 : vector<16xf32>
          %parallel_loop3A_273 = arith.mulf %parallel_loop3A_200, %parallel_loop3A_272 : vector<16xf32>
          %parallel_loop3A_274 = arith.constant -1.000000e+01 : f32
          %parallel_loop3A_275 = vector.broadcast %parallel_loop3A_274 : f32 to vector<16xf32>
          %parallel_loop3A_276 = arith.addf %parallel_loop3A_275, %parallel_loop3A_273 : vector<16xf32>
          %parallel_loop3A_277 = arith.mulf %parallel_loop3A_266, %parallel_loop3A_276 : vector<16xf32>
          %parallel_loop3A_278 = arith.constant 1.000000e+00 : f32
          %parallel_loop3A_279 = vector.broadcast %parallel_loop3A_278 : f32 to vector<16xf32>
          %parallel_loop3A_280 = arith.addf %parallel_loop3A_279, %parallel_loop3A_277 : vector<16xf32>
          %parallel_loop3A_281 = arith.constant 14.3996458 : f32
          %parallel_loop3A_282 = vector.broadcast %parallel_loop3A_281 : f32 to vector<16xf32>
          %parallel_loop3A_283 = arith.mulf %parallel_loop3A_282, %parallel_loop3A_264 : vector<16xf32>
          %parallel_loop3A_284 = arith.mulf %parallel_loop3A_283, %parallel_loop3A_280 : vector<16xf32>
          %parallel_loop3A_285 = arith.mulf %parallel_loop3A_284, %parallel_loop3A_259 : vector<16xf32>
          %parallel_loop3A_286 = arith.index_cast %parallel_loop3A_194 : i32 to index
          %parallel_loop3A_287 = tpu.vector_load %arg20[%parallel_loop3A_286] {strides = array<i32>} : memref<2048xf32, #tpu.memory_space<vmem>>, vector<16xf32>,
          tpu.vector_store %arg20[%parallel_loop3A_286], %parallel_loop3A_285 {strides = array<i32>} : memref<2048xf32, #tpu.memory_space<vmem>>, vector<16xf32>,
        } {sc.loop_unroll_factor = 8 : i64, sc.parallel_access}
        %dma_start3A_192 = arith.constant 0 : i32
        %dma_start3A_193 = tpu.memref_slice %arg22[%dma_start3A_192] : memref<100352xf32, #tpu.memory_space<vmem_shared>> -> memref<100352xf32, #tpu.memory_space<vmem_shared>>
        tpu.enqueue_indirect_dma source(%arg20 : memref<2048xf32, #tpu.memory_space<vmem>>) target(%dma_start3A_193 : memref<100352xf32, #tpu.memory_space<vmem_shared>>) offsets(%arg14 : memref<2048xi32, #tpu.memory_space<vmem>>) semaphore(%arg27 : memref<!tpu.dma_semaphore, #tpu.memory_space<semaphore_mem>>) {add = true}
      } else {
      }
      %add3A_158 = arith.constant 2 : i32
      %add3A_159 = arith.addi %add3A_142, %add3A_158 : i32
      %lt3A_160 = arith.cmpi slt, %add3A_159, %select_n3A_46 : i32
      %add3A_161 = arith.constant 2 : i32
      %add3A_162 = arith.addi %add3A_142, %add3A_161 : i32
      %convert_element_type3A_163 = arith.extui %lt3A_160 : i1 to i32
      %cond3A_164 = arith.constant 0 : i32
      %cond3A_165 = arith.cmpi ne, %convert_element_type3A_163, %cond3A_164 : i32
      scf.if %cond3A_165 {
        %add3A_166 = arith.constant 2 : i32
        %add3A_167 = arith.addi %add3A_162, %add3A_166 : i32
        %lt3A_168 = arith.cmpi slt, %add3A_167, %select_n3A_46 : i32
        %sub3A_169 = arith.constant 1 : i32
        %sub3A_170 = arith.subi %add3A_162, %sub3A_169 : i32
        %ge3A = arith.cmpi sge, %sub3A_170, %select_n3A : i32
        %and3A_171 = arith.andi %lt3A_168, %ge3A : i1
        %convert_element_type3A_172 = arith.extui %and3A_171 : i1 to i32
        %cond3A_173 = arith.constant 0 : i32
        %cond3A_174 = arith.cmpi ne, %convert_element_type3A_172, %cond3A_173 : i32
        scf.if %cond3A_174 {
          %dma_wait3A_194 = arith.constant 0 : i32
          %dma_wait3A_195 = tpu.memref_slice %arg22[%dma_wait3A_194] : memref<100352xf32, #tpu.memory_space<vmem_shared>> -> memref<100352xf32, #tpu.memory_space<vmem_shared>>
          tpu.wait_indirect_dma semaphore(%arg27 : memref<!tpu.dma_semaphore, #tpu.memory_space<semaphore_mem>>) src(%arg20 : memref<2048xf32, #tpu.memory_space<vmem>>) dst(%dma_wait3A_195 : memref<100352xf32, #tpu.memory_space<vmem_shared>>)
        } else {
        }
        %add3A_175 = arith.constant 2 : i32
        %add3A_176 = arith.addi %add3A_162, %add3A_175 : i32
        %lt3A_177 = arith.cmpi slt, %add3A_176, %select_n3A_46 : i32
        %convert_element_type3A_178 = arith.extui %lt3A_177 : i1 to i32
        %cond3A_179 = arith.constant 0 : i32
        %cond3A_180 = arith.cmpi ne, %convert_element_type3A_178, %cond3A_179 : i32
        scf.if %cond3A_180 {
          %add3A_194 = arith.constant 2 : i32
          %add3A_195 = arith.addi %add3A_162, %add3A_194 : i32
          %mul3A_196 = arith.constant 2048 : i32
          %mul3A_197 = arith.muli %add3A_195, %mul3A_196 : i32
          %dma_start3A_198 = tpu.memref_slice %arg2[%mul3A_197] : memref<6400000xi32, #tpu.memory_space<hbm>> -> memref<2048xi32, #tpu.memory_space<hbm>>
          %dma_start3A_199 = tpu.memref_slice %arg2[%mul3A_197] : memref<6400000xi32, #tpu.memory_space<hbm>> -> memref<2048xi32, #tpu.memory_space<hbm>>
          tpu.enqueue_dma source(%dma_start3A_199 : memref<2048xi32, #tpu.memory_space<hbm>>) target(%arg11 : memref<2048xi32, #tpu.memory_space<vmem>>) target_semaphore(%arg24 : memref<!tpu.dma_semaphore, #tpu.memory_space<semaphore_mem>>)
          %dma_start3A_200 = tpu.memref_slice %arg3[%mul3A_197] : memref<6400000xi32, #tpu.memory_space<hbm>> -> memref<2048xi32, #tpu.memory_space<hbm>>
          %dma_start3A_201 = tpu.memref_slice %arg3[%mul3A_197] : memref<6400000xi32, #tpu.memory_space<hbm>> -> memref<2048xi32, #tpu.memory_space<hbm>>
          tpu.enqueue_dma source(%dma_start3A_201 : memref<2048xi32, #tpu.memory_space<hbm>>) target(%arg14 : memref<2048xi32, #tpu.memory_space<vmem>>) target_semaphore(%arg24 : memref<!tpu.dma_semaphore, #tpu.memory_space<semaphore_mem>>)
          %dma_start3A_202 = tpu.memref_slice %arg4[%mul3A_197] : memref<6400000xf32, #tpu.memory_space<hbm>> -> memref<2048xf32, #tpu.memory_space<hbm>>
          %dma_start3A_203 = tpu.memref_slice %arg4[%mul3A_197] : memref<6400000xf32, #tpu.memory_space<hbm>> -> memref<2048xf32, #tpu.memory_space<hbm>>
          tpu.enqueue_dma source(%dma_start3A_203 : memref<2048xf32, #tpu.memory_space<hbm>>) target(%arg17 : memref<2048xf32, #tpu.memory_space<vmem>>) target_semaphore(%arg24 : memref<!tpu.dma_semaphore, #tpu.memory_space<semaphore_mem>>)
        } else {
        }
        %mul3A_181 = arith.constant 2048 : i32
        %mul3A_182 = arith.muli %add3A_162, %mul3A_181 : i32
        %dma_wait3A_183 = tpu.memref_slice %arg2[%mul3A_182] : memref<6400000xi32, #tpu.memory_space<hbm>> -> memref<2048xi32, #tpu.memory_space<hbm>>
        %dma_wait3A_184 = tpu.memref_slice %arg2[%mul3A_182] : memref<6400000xi32, #tpu.memory_space<hbm>> -> memref<2048xi32, #tpu.memory_space<hbm>>
        tpu.wait_dma2 semaphore(%arg25 : memref<!tpu.dma_semaphore, #tpu.memory_space<semaphore_mem>>) src(%dma_wait3A_184 : memref<2048xi32, #tpu.memory_space<hbm>>) dst(%arg12 : memref<2048xi32, #tpu.memory_space<vmem>>)
        %dma_wait3A_185 = tpu.memref_slice %arg3[%mul3A_182] : memref<6400000xi32, #tpu.memory_space<hbm>> -> memref<2048xi32, #tpu.memory_space<hbm>>
        %dma_wait3A_186 = tpu.memref_slice %arg3[%mul3A_182] : memref<6400000xi32, #tpu.memory_space<hbm>> -> memref<2048xi32, #tpu.memory_space<hbm>>
        tpu.wait_dma2 semaphore(%arg25 : memref<!tpu.dma_semaphore, #tpu.memory_space<semaphore_mem>>) src(%dma_wait3A_186 : memref<2048xi32, #tpu.memory_space<hbm>>) dst(%arg15 : memref<2048xi32, #tpu.memory_space<vmem>>)
        %dma_wait3A_187 = tpu.memref_slice %arg4[%mul3A_182] : memref<6400000xf32, #tpu.memory_space<hbm>> -> memref<2048xf32, #tpu.memory_space<hbm>>
        %dma_wait3A_188 = tpu.memref_slice %arg4[%mul3A_182] : memref<6400000xf32, #tpu.memory_space<hbm>> -> memref<2048xf32, #tpu.memory_space<hbm>>
        tpu.wait_dma2 semaphore(%arg25 : memref<!tpu.dma_semaphore, #tpu.memory_space<semaphore_mem>>) src(%dma_wait3A_188 : memref<2048xf32, #tpu.memory_space<hbm>>) dst(%arg18 : memref<2048xf32, #tpu.memory_space<vmem>>)
        %parallel_loop3A_189 = arith.constant 0 : i32
        %parallel_loop3A_190 = arith.constant 2048 : i32
        %parallel_loop3A_191 = arith.constant 16 : i32
        scf.for %parallel_loop3A_194 = %parallel_loop3A_189 to %parallel_loop3A_190 step %parallel_loop3A_191  : i32 {
          %parallel_loop3A_195 = arith.index_cast %parallel_loop3A_194 : i32 to index
          %parallel_loop3A_196 = tpu.vector_load %arg12[%parallel_loop3A_195] {strides = array<i32>} : memref<2048xi32, #tpu.memory_space<vmem>>, vector<16xi32>,
          %parallel_loop3A_197 = arith.index_cast %parallel_loop3A_194 : i32 to index
          %parallel_loop3A_198 = tpu.vector_load %arg15[%parallel_loop3A_197] {strides = array<i32>} : memref<2048xi32, #tpu.memory_space<vmem>>, vector<16xi32>,
          %parallel_loop3A_199 = arith.index_cast %parallel_loop3A_194 : i32 to index
          %parallel_loop3A_200 = tpu.vector_load %arg18[%parallel_loop3A_199] {strides = array<i32>} : memref<2048xf32, #tpu.memory_space<vmem>>, vector<16xf32>,
          %parallel_loop3A_201 = tpu.vector_load_idx %arg9[%parallel_loop3A_196] : memref<100000xf32, #tpu.memory_space<vmem>>[vector<16xi32>], vector<16xf32>,
          %parallel_loop3A_202 = tpu.vector_load_idx %arg9[%parallel_loop3A_198] : memref<100000xf32, #tpu.memory_space<vmem>>[vector<16xi32>], vector<16xf32>,
          %parallel_loop3A_203 = arith.mulf %parallel_loop3A_201, %parallel_loop3A_201 : vector<16xf32>
          %parallel_loop3A_204 = arith.mulf %parallel_loop3A_202, %parallel_loop3A_202 : vector<16xf32>
          %parallel_loop3A_205 = arith.addf %parallel_loop3A_203, %parallel_loop3A_204 : vector<16xf32>
          %parallel_loop3A_206 = vector.bitcast %parallel_loop3A_205 : vector<16xf32> to vector<16xi32>
          %parallel_loop3A_207 = arith.constant 1 : i32
          %parallel_loop3A_208 = vector.broadcast %parallel_loop3A_207 : i32 to vector<16xi32>
          %parallel_loop3A_209 = arith.shrui %parallel_loop3A_206, %parallel_loop3A_208 : vector<16xi32>
          %parallel_loop3A_210 = arith.constant 1597463007 : i32
          %parallel_loop3A_211 = vector.broadcast %parallel_loop3A_210 : i32 to vector<16xi32>
          %parallel_loop3A_212 = arith.subi %parallel_loop3A_211, %parallel_loop3A_209 : vector<16xi32>
          %parallel_loop3A_213 = vector.bitcast %parallel_loop3A_212 : vector<16xi32> to vector<16xf32>
          %parallel_loop3A_214 = arith.constant 5.000000e-01 : f32
          %parallel_loop3A_215 = vector.broadcast %parallel_loop3A_214 : f32 to vector<16xf32>
          %parallel_loop3A_216 = arith.mulf %parallel_loop3A_215, %parallel_loop3A_205 : vector<16xf32>
          %parallel_loop3A_217 = arith.mulf %parallel_loop3A_216, %parallel_loop3A_213 : vector<16xf32>
          %parallel_loop3A_218 = arith.mulf %parallel_loop3A_217, %parallel_loop3A_213 : vector<16xf32>
          %parallel_loop3A_219 = arith.constant 1.500000e+00 : f32
          %parallel_loop3A_220 = vector.broadcast %parallel_loop3A_219 : f32 to vector<16xf32>
          %parallel_loop3A_221 = arith.subf %parallel_loop3A_220, %parallel_loop3A_218 : vector<16xf32>
          %parallel_loop3A_222 = arith.mulf %parallel_loop3A_213, %parallel_loop3A_221 : vector<16xf32>
          %parallel_loop3A_223 = arith.constant 5.000000e-01 : f32
          %parallel_loop3A_224 = vector.broadcast %parallel_loop3A_223 : f32 to vector<16xf32>
          %parallel_loop3A_225 = arith.mulf %parallel_loop3A_224, %parallel_loop3A_205 : vector<16xf32>
          %parallel_loop3A_226 = arith.mulf %parallel_loop3A_225, %parallel_loop3A_222 : vector<16xf32>
          %parallel_loop3A_227 = arith.mulf %parallel_loop3A_226, %parallel_loop3A_222 : vector<16xf32>
          %parallel_loop3A_228 = arith.constant 1.500000e+00 : f32
          %parallel_loop3A_229 = vector.broadcast %parallel_loop3A_228 : f32 to vector<16xf32>
          %parallel_loop3A_230 = arith.subf %parallel_loop3A_229, %parallel_loop3A_227 : vector<16xf32>
          %parallel_loop3A_231 = arith.mulf %parallel_loop3A_222, %parallel_loop3A_230 : vector<16xf32>
          %parallel_loop3A_232 = arith.constant 0.707106769 : f32
          %parallel_loop3A_233 = vector.broadcast %parallel_loop3A_232 : f32 to vector<16xf32>
          %parallel_loop3A_234 = arith.mulf %parallel_loop3A_200, %parallel_loop3A_233 : vector<16xf32>
          %parallel_loop3A_235 = arith.mulf %parallel_loop3A_234, %parallel_loop3A_231 : vector<16xf32>
          %parallel_loop3A_236 = arith.constant 7.810800e-02 : f32
          %parallel_loop3A_237 = vector.broadcast %parallel_loop3A_236 : f32 to vector<16xf32>
          %parallel_loop3A_238 = arith.mulf %parallel_loop3A_235, %parallel_loop3A_237 : vector<16xf32>
          %parallel_loop3A_239 = arith.constant 9.720000e-04 : f32
          %parallel_loop3A_240 = vector.broadcast %parallel_loop3A_239 : f32 to vector<16xf32>
          %parallel_loop3A_241 = arith.addf %parallel_loop3A_240, %parallel_loop3A_238 : vector<16xf32>
          %parallel_loop3A_242 = arith.mulf %parallel_loop3A_235, %parallel_loop3A_241 : vector<16xf32>
          %parallel_loop3A_243 = arith.constant 2.303890e-01 : f32
          %parallel_loop3A_244 = vector.broadcast %parallel_loop3A_243 : f32 to vector<16xf32>
          %parallel_loop3A_245 = arith.addf %parallel_loop3A_244, %parallel_loop3A_242 : vector<16xf32>
          %parallel_loop3A_246 = arith.mulf %parallel_loop3A_235, %parallel_loop3A_245 : vector<16xf32>
          %parallel_loop3A_247 = arith.constant 2.783930e-01 : f32
          %parallel_loop3A_248 = vector.broadcast %parallel_loop3A_247 : f32 to vector<16xf32>
          %parallel_loop3A_249 = arith.addf %parallel_loop3A_248, %parallel_loop3A_246 : vector<16xf32>
          %parallel_loop3A_250 = arith.mulf %parallel_loop3A_235, %parallel_loop3A_249 : vector<16xf32>
          %parallel_loop3A_251 = arith.constant 1.000000e+00 : f32
          %parallel_loop3A_252 = vector.broadcast %parallel_loop3A_251 : f32 to vector<16xf32>
          %parallel_loop3A_253 = arith.addf %parallel_loop3A_252, %parallel_loop3A_250 : vector<16xf32>
          %parallel_loop3A_254 = arith.mulf %parallel_loop3A_253, %parallel_loop3A_200 : vector<16xf32>
          %parallel_loop3A_255 = arith.constant 1.000000e+00 : f32
          %parallel_loop3A_256 = vector.broadcast %parallel_loop3A_255 : f32 to vector<16xf32>
          %parallel_loop3A_257 = arith.divf %parallel_loop3A_256, %parallel_loop3A_254 : vector<16xf32>
          %parallel_loop3A_258 = arith.mulf %parallel_loop3A_200, %parallel_loop3A_257 : vector<16xf32>
          %parallel_loop3A_259 = arith.mulf %parallel_loop3A_253, %parallel_loop3A_257 : vector<16xf32>
          %parallel_loop3A_260 = arith.mulf %parallel_loop3A_258, %parallel_loop3A_258 : vector<16xf32>
          %parallel_loop3A_261 = arith.mulf %parallel_loop3A_260, %parallel_loop3A_260 : vector<16xf32>
          %parallel_loop3A_262 = arith.constant 1.000000e+00 : f32
          %parallel_loop3A_263 = vector.broadcast %parallel_loop3A_262 : f32 to vector<16xf32>
          %parallel_loop3A_264 = arith.subf %parallel_loop3A_263, %parallel_loop3A_261 : vector<16xf32>
          %parallel_loop3A_265 = arith.mulf %parallel_loop3A_200, %parallel_loop3A_200 : vector<16xf32>
          %parallel_loop3A_266 = arith.mulf %parallel_loop3A_265, %parallel_loop3A_200 : vector<16xf32>
          %parallel_loop3A_267 = arith.constant 6.000000e+00 : f32
          %parallel_loop3A_268 = vector.broadcast %parallel_loop3A_267 : f32 to vector<16xf32>
          %parallel_loop3A_269 = arith.mulf %parallel_loop3A_268, %parallel_loop3A_200 : vector<16xf32>
          %parallel_loop3A_270 = arith.constant 1.500000e+01 : f32
          %parallel_loop3A_271 = vector.broadcast %parallel_loop3A_270 : f32 to vector<16xf32>
          %parallel_loop3A_272 = arith.subf %parallel_loop3A_271, %parallel_loop3A_269 : vector<16xf32>
          %parallel_loop3A_273 = arith.mulf %parallel_loop3A_200, %parallel_loop3A_272 : vector<16xf32>
          %parallel_loop3A_274 = arith.constant -1.000000e+01 : f32
          %parallel_loop3A_275 = vector.broadcast %parallel_loop3A_274 : f32 to vector<16xf32>
          %parallel_loop3A_276 = arith.addf %parallel_loop3A_275, %parallel_loop3A_273 : vector<16xf32>
          %parallel_loop3A_277 = arith.mulf %parallel_loop3A_266, %parallel_loop3A_276 : vector<16xf32>
          %parallel_loop3A_278 = arith.constant 1.000000e+00 : f32
          %parallel_loop3A_279 = vector.broadcast %parallel_loop3A_278 : f32 to vector<16xf32>
          %parallel_loop3A_280 = arith.addf %parallel_loop3A_279, %parallel_loop3A_277 : vector<16xf32>
          %parallel_loop3A_281 = arith.constant 14.3996458 : f32
          %parallel_loop3A_282 = vector.broadcast %parallel_loop3A_281 : f32 to vector<16xf32>
          %parallel_loop3A_283 = arith.mulf %parallel_loop3A_282, %parallel_loop3A_264 : vector<16xf32>
          %parallel_loop3A_284 = arith.mulf %parallel_loop3A_283, %parallel_loop3A_280 : vector<16xf32>
          %parallel_loop3A_285 = arith.mulf %parallel_loop3A_284, %parallel_loop3A_259 : vector<16xf32>
          %parallel_loop3A_286 = arith.index_cast %parallel_loop3A_194 : i32 to index
          %parallel_loop3A_287 = tpu.vector_load %arg21[%parallel_loop3A_286] {strides = array<i32>} : memref<2048xf32, #tpu.memory_space<vmem>>, vector<16xf32>,
          tpu.vector_store %arg21[%parallel_loop3A_286], %parallel_loop3A_285 {strides = array<i32>} : memref<2048xf32, #tpu.memory_space<vmem>>, vector<16xf32>,
        } {sc.loop_unroll_factor = 8 : i64, sc.parallel_access}
        %dma_start3A_192 = arith.constant 0 : i32
        %dma_start3A_193 = tpu.memref_slice %arg22[%dma_start3A_192] : memref<100352xf32, #tpu.memory_space<vmem_shared>> -> memref<100352xf32, #tpu.memory_space<vmem_shared>>
        tpu.enqueue_indirect_dma source(%arg21 : memref<2048xf32, #tpu.memory_space<vmem>>) target(%dma_start3A_193 : memref<100352xf32, #tpu.memory_space<vmem_shared>>) offsets(%arg15 : memref<2048xi32, #tpu.memory_space<vmem>>) semaphore(%arg28 : memref<!tpu.dma_semaphore, #tpu.memory_space<semaphore_mem>>) {add = true}
      } else {
      }
    }
    %while3A_101 = arith.constant 1 : i32
    scf.for %while3A_139 = %while3A_99 to %while3A_95 step %while3A_101  : i32 {
      %mul3A_140 = arith.constant 3 : i32
      %mul3A_141 = arith.muli %mul3A_140, %while3A_139 : i32
      %add3A_142 = arith.addi %select_n3A, %mul3A_141 : i32
      %add3A_143 = arith.constant 0 : i32
      %add3A_144 = arith.addi %add3A_142, %add3A_143 : i32
      %lt3A = arith.cmpi slt, %add3A_144, %select_n3A_46 : i32
      %add3A_145 = arith.constant 0 : i32
      %add3A_146 = arith.addi %add3A_142, %add3A_145 : i32
      %convert_element_type3A_147 = arith.extui %lt3A : i1 to i32
      %cond3A_148 = arith.constant 0 : i32
      %cond3A_149 = arith.cmpi ne, %convert_element_type3A_147, %cond3A_148 : i32
      scf.if %cond3A_149 {
        %add3A_166 = arith.constant 2 : i32
        %add3A_167 = arith.addi %add3A_146, %add3A_166 : i32
        %lt3A_168 = arith.cmpi slt, %add3A_167, %select_n3A_46 : i32
        %sub3A_169 = arith.constant 1 : i32
        %sub3A_170 = arith.subi %add3A_146, %sub3A_169 : i32
        %ge3A = arith.cmpi sge, %sub3A_170, %select_n3A : i32
        %and3A_171 = arith.andi %lt3A_168, %ge3A : i1
        %convert_element_type3A_172 = arith.extui %and3A_171 : i1 to i32
        %cond3A_173 = arith.constant 0 : i32
        %cond3A_174 = arith.cmpi ne, %convert_element_type3A_172, %cond3A_173 : i32
        scf.if %cond3A_174 {
          %dma_wait3A_194 = arith.constant 0 : i32
          %dma_wait3A_195 = tpu.memref_slice %arg22[%dma_wait3A_194] : memref<100352xf32, #tpu.memory_space<vmem_shared>> -> memref<100352xf32, #tpu.memory_space<vmem_shared>>
          tpu.wait_indirect_dma semaphore(%arg28 : memref<!tpu.dma_semaphore, #tpu.memory_space<semaphore_mem>>) src(%arg21 : memref<2048xf32, #tpu.memory_space<vmem>>) dst(%dma_wait3A_195 : memref<100352xf32, #tpu.memory_space<vmem_shared>>)
        } else {
        }
        %add3A_175 = arith.constant 2 : i32
        %add3A_176 = arith.addi %add3A_146, %add3A_175 : i32
        %lt3A_177 = arith.cmpi slt, %add3A_176, %select_n3A_46 : i32
        %convert_element_type3A_178 = arith.extui %lt3A_177 : i1 to i32
        %cond3A_179 = arith.constant 0 : i32
        %cond3A_180 = arith.cmpi ne, %convert_element_type3A_178, %cond3A_179 : i32
        scf.if %cond3A_180 {
          %add3A_194 = arith.constant 2 : i32
          %add3A_195 = arith.addi %add3A_146, %add3A_194 : i32
          %mul3A_196 = arith.constant 2048 : i32
          %mul3A_197 = arith.muli %add3A_195, %mul3A_196 : i32
          %dma_start3A_198 = tpu.memref_slice %arg2[%mul3A_197] : memref<6400000xi32, #tpu.memory_space<hbm>> -> memref<2048xi32, #tpu.memory_space<hbm>>
          %dma_start3A_199 = tpu.memref_slice %arg2[%mul3A_197] : memref<6400000xi32, #tpu.memory_space<hbm>> -> memref<2048xi32, #tpu.memory_space<hbm>>
          tpu.enqueue_dma source(%dma_start3A_199 : memref<2048xi32, #tpu.memory_space<hbm>>) target(%arg12 : memref<2048xi32, #tpu.memory_space<vmem>>) target_semaphore(%arg25 : memref<!tpu.dma_semaphore, #tpu.memory_space<semaphore_mem>>)
          %dma_start3A_200 = tpu.memref_slice %arg3[%mul3A_197] : memref<6400000xi32, #tpu.memory_space<hbm>> -> memref<2048xi32, #tpu.memory_space<hbm>>
          %dma_start3A_201 = tpu.memref_slice %arg3[%mul3A_197] : memref<6400000xi32, #tpu.memory_space<hbm>> -> memref<2048xi32, #tpu.memory_space<hbm>>
          tpu.enqueue_dma source(%dma_start3A_201 : memref<2048xi32, #tpu.memory_space<hbm>>) target(%arg15 : memref<2048xi32, #tpu.memory_space<vmem>>) target_semaphore(%arg25 : memref<!tpu.dma_semaphore, #tpu.memory_space<semaphore_mem>>)
          %dma_start3A_202 = tpu.memref_slice %arg4[%mul3A_197] : memref<6400000xf32, #tpu.memory_space<hbm>> -> memref<2048xf32, #tpu.memory_space<hbm>>
          %dma_start3A_203 = tpu.memref_slice %arg4[%mul3A_197] : memref<6400000xf32, #tpu.memory_space<hbm>> -> memref<2048xf32, #tpu.memory_space<hbm>>
          tpu.enqueue_dma source(%dma_start3A_203 : memref<2048xf32, #tpu.memory_space<hbm>>) target(%arg18 : memref<2048xf32, #tpu.memory_space<vmem>>) target_semaphore(%arg25 : memref<!tpu.dma_semaphore, #tpu.memory_space<semaphore_mem>>)
        } else {
        }
        %mul3A_181 = arith.constant 2048 : i32
        %mul3A_182 = arith.muli %add3A_146, %mul3A_181 : i32
        %dma_wait3A_183 = tpu.memref_slice %arg2[%mul3A_182] : memref<6400000xi32, #tpu.memory_space<hbm>> -> memref<2048xi32, #tpu.memory_space<hbm>>
        %dma_wait3A_184 = tpu.memref_slice %arg2[%mul3A_182] : memref<6400000xi32, #tpu.memory_space<hbm>> -> memref<2048xi32, #tpu.memory_space<hbm>>
        tpu.wait_dma2 semaphore(%arg23 : memref<!tpu.dma_semaphore, #tpu.memory_space<semaphore_mem>>) src(%dma_wait3A_184 : memref<2048xi32, #tpu.memory_space<hbm>>) dst(%arg10 : memref<2048xi32, #tpu.memory_space<vmem>>)
        %dma_wait3A_185 = tpu.memref_slice %arg3[%mul3A_182] : memref<6400000xi32, #tpu.memory_space<hbm>> -> memref<2048xi32, #tpu.memory_space<hbm>>
        %dma_wait3A_186 = tpu.memref_slice %arg3[%mul3A_182] : memref<6400000xi32, #tpu.memory_space<hbm>> -> memref<2048xi32, #tpu.memory_space<hbm>>
        tpu.wait_dma2 semaphore(%arg23 : memref<!tpu.dma_semaphore, #tpu.memory_space<semaphore_mem>>) src(%dma_wait3A_186 : memref<2048xi32, #tpu.memory_space<hbm>>) dst(%arg13 : memref<2048xi32, #tpu.memory_space<vmem>>)
        %dma_wait3A_187 = tpu.memref_slice %arg4[%mul3A_182] : memref<6400000xf32, #tpu.memory_space<hbm>> -> memref<2048xf32, #tpu.memory_space<hbm>>
        %dma_wait3A_188 = tpu.memref_slice %arg4[%mul3A_182] : memref<6400000xf32, #tpu.memory_space<hbm>> -> memref<2048xf32, #tpu.memory_space<hbm>>
        tpu.wait_dma2 semaphore(%arg23 : memref<!tpu.dma_semaphore, #tpu.memory_space<semaphore_mem>>) src(%dma_wait3A_188 : memref<2048xf32, #tpu.memory_space<hbm>>) dst(%arg16 : memref<2048xf32, #tpu.memory_space<vmem>>)
        %parallel_loop3A_189 = arith.constant 0 : i32
        %parallel_loop3A_190 = arith.constant 2048 : i32
        %parallel_loop3A_191 = arith.constant 16 : i32
        scf.for %parallel_loop3A_194 = %parallel_loop3A_189 to %parallel_loop3A_190 step %parallel_loop3A_191  : i32 {
          %parallel_loop3A_195 = arith.index_cast %parallel_loop3A_194 : i32 to index
          %parallel_loop3A_196 = tpu.vector_load %arg10[%parallel_loop3A_195] {strides = array<i32>} : memref<2048xi32, #tpu.memory_space<vmem>>, vector<16xi32>,
          %parallel_loop3A_197 = arith.index_cast %parallel_loop3A_194 : i32 to index
          %parallel_loop3A_198 = tpu.vector_load %arg13[%parallel_loop3A_197] {strides = array<i32>} : memref<2048xi32, #tpu.memory_space<vmem>>, vector<16xi32>,
          %parallel_loop3A_199 = arith.index_cast %parallel_loop3A_194 : i32 to index
          %parallel_loop3A_200 = tpu.vector_load %arg16[%parallel_loop3A_199] {strides = array<i32>} : memref<2048xf32, #tpu.memory_space<vmem>>, vector<16xf32>,
          %parallel_loop3A_201 = tpu.vector_load_idx %arg9[%parallel_loop3A_196] : memref<100000xf32, #tpu.memory_space<vmem>>[vector<16xi32>], vector<16xf32>,
          %parallel_loop3A_202 = tpu.vector_load_idx %arg9[%parallel_loop3A_198] : memref<100000xf32, #tpu.memory_space<vmem>>[vector<16xi32>], vector<16xf32>,
          %parallel_loop3A_203 = arith.mulf %parallel_loop3A_201, %parallel_loop3A_201 : vector<16xf32>
          %parallel_loop3A_204 = arith.mulf %parallel_loop3A_202, %parallel_loop3A_202 : vector<16xf32>
          %parallel_loop3A_205 = arith.addf %parallel_loop3A_203, %parallel_loop3A_204 : vector<16xf32>
          %parallel_loop3A_206 = vector.bitcast %parallel_loop3A_205 : vector<16xf32> to vector<16xi32>
          %parallel_loop3A_207 = arith.constant 1 : i32
          %parallel_loop3A_208 = vector.broadcast %parallel_loop3A_207 : i32 to vector<16xi32>
          %parallel_loop3A_209 = arith.shrui %parallel_loop3A_206, %parallel_loop3A_208 : vector<16xi32>
          %parallel_loop3A_210 = arith.constant 1597463007 : i32
          %parallel_loop3A_211 = vector.broadcast %parallel_loop3A_210 : i32 to vector<16xi32>
          %parallel_loop3A_212 = arith.subi %parallel_loop3A_211, %parallel_loop3A_209 : vector<16xi32>
          %parallel_loop3A_213 = vector.bitcast %parallel_loop3A_212 : vector<16xi32> to vector<16xf32>
          %parallel_loop3A_214 = arith.constant 5.000000e-01 : f32
          %parallel_loop3A_215 = vector.broadcast %parallel_loop3A_214 : f32 to vector<16xf32>
          %parallel_loop3A_216 = arith.mulf %parallel_loop3A_215, %parallel_loop3A_205 : vector<16xf32>
          %parallel_loop3A_217 = arith.mulf %parallel_loop3A_216, %parallel_loop3A_213 : vector<16xf32>
          %parallel_loop3A_218 = arith.mulf %parallel_loop3A_217, %parallel_loop3A_213 : vector<16xf32>
          %parallel_loop3A_219 = arith.constant 1.500000e+00 : f32
          %parallel_loop3A_220 = vector.broadcast %parallel_loop3A_219 : f32 to vector<16xf32>
          %parallel_loop3A_221 = arith.subf %parallel_loop3A_220, %parallel_loop3A_218 : vector<16xf32>
          %parallel_loop3A_222 = arith.mulf %parallel_loop3A_213, %parallel_loop3A_221 : vector<16xf32>
          %parallel_loop3A_223 = arith.constant 5.000000e-01 : f32
          %parallel_loop3A_224 = vector.broadcast %parallel_loop3A_223 : f32 to vector<16xf32>
          %parallel_loop3A_225 = arith.mulf %parallel_loop3A_224, %parallel_loop3A_205 : vector<16xf32>
          %parallel_loop3A_226 = arith.mulf %parallel_loop3A_225, %parallel_loop3A_222 : vector<16xf32>
          %parallel_loop3A_227 = arith.mulf %parallel_loop3A_226, %parallel_loop3A_222 : vector<16xf32>
          %parallel_loop3A_228 = arith.constant 1.500000e+00 : f32
          %parallel_loop3A_229 = vector.broadcast %parallel_loop3A_228 : f32 to vector<16xf32>
          %parallel_loop3A_230 = arith.subf %parallel_loop3A_229, %parallel_loop3A_227 : vector<16xf32>
          %parallel_loop3A_231 = arith.mulf %parallel_loop3A_222, %parallel_loop3A_230 : vector<16xf32>
          %parallel_loop3A_232 = arith.constant 0.707106769 : f32
          %parallel_loop3A_233 = vector.broadcast %parallel_loop3A_232 : f32 to vector<16xf32>
          %parallel_loop3A_234 = arith.mulf %parallel_loop3A_200, %parallel_loop3A_233 : vector<16xf32>
          %parallel_loop3A_235 = arith.mulf %parallel_loop3A_234, %parallel_loop3A_231 : vector<16xf32>
          %parallel_loop3A_236 = arith.constant 7.810800e-02 : f32
          %parallel_loop3A_237 = vector.broadcast %parallel_loop3A_236 : f32 to vector<16xf32>
          %parallel_loop3A_238 = arith.mulf %parallel_loop3A_235, %parallel_loop3A_237 : vector<16xf32>
          %parallel_loop3A_239 = arith.constant 9.720000e-04 : f32
          %parallel_loop3A_240 = vector.broadcast %parallel_loop3A_239 : f32 to vector<16xf32>
          %parallel_loop3A_241 = arith.addf %parallel_loop3A_240, %parallel_loop3A_238 : vector<16xf32>
          %parallel_loop3A_242 = arith.mulf %parallel_loop3A_235, %parallel_loop3A_241 : vector<16xf32>
          %parallel_loop3A_243 = arith.constant 2.303890e-01 : f32
          %parallel_loop3A_244 = vector.broadcast %parallel_loop3A_243 : f32 to vector<16xf32>
          %parallel_loop3A_245 = arith.addf %parallel_loop3A_244, %parallel_loop3A_242 : vector<16xf32>
          %parallel_loop3A_246 = arith.mulf %parallel_loop3A_235, %parallel_loop3A_245 : vector<16xf32>
          %parallel_loop3A_247 = arith.constant 2.783930e-01 : f32
          %parallel_loop3A_248 = vector.broadcast %parallel_loop3A_247 : f32 to vector<16xf32>
          %parallel_loop3A_249 = arith.addf %parallel_loop3A_248, %parallel_loop3A_246 : vector<16xf32>
          %parallel_loop3A_250 = arith.mulf %parallel_loop3A_235, %parallel_loop3A_249 : vector<16xf32>
          %parallel_loop3A_251 = arith.constant 1.000000e+00 : f32
          %parallel_loop3A_252 = vector.broadcast %parallel_loop3A_251 : f32 to vector<16xf32>
          %parallel_loop3A_253 = arith.addf %parallel_loop3A_252, %parallel_loop3A_250 : vector<16xf32>
          %parallel_loop3A_254 = arith.mulf %parallel_loop3A_253, %parallel_loop3A_200 : vector<16xf32>
          %parallel_loop3A_255 = arith.constant 1.000000e+00 : f32
          %parallel_loop3A_256 = vector.broadcast %parallel_loop3A_255 : f32 to vector<16xf32>
          %parallel_loop3A_257 = arith.divf %parallel_loop3A_256, %parallel_loop3A_254 : vector<16xf32>
          %parallel_loop3A_258 = arith.mulf %parallel_loop3A_200, %parallel_loop3A_257 : vector<16xf32>
          %parallel_loop3A_259 = arith.mulf %parallel_loop3A_253, %parallel_loop3A_257 : vector<16xf32>
          %parallel_loop3A_260 = arith.mulf %parallel_loop3A_258, %parallel_loop3A_258 : vector<16xf32>
          %parallel_loop3A_261 = arith.mulf %parallel_loop3A_260, %parallel_loop3A_260 : vector<16xf32>
          %parallel_loop3A_262 = arith.constant 1.000000e+00 : f32
          %parallel_loop3A_263 = vector.broadcast %parallel_loop3A_262 : f32 to vector<16xf32>
          %parallel_loop3A_264 = arith.subf %parallel_loop3A_263, %parallel_loop3A_261 : vector<16xf32>
          %parallel_loop3A_265 = arith.mulf %parallel_loop3A_200, %parallel_loop3A_200 : vector<16xf32>
          %parallel_loop3A_266 = arith.mulf %parallel_loop3A_265, %parallel_loop3A_200 : vector<16xf32>
          %parallel_loop3A_267 = arith.constant 6.000000e+00 : f32
          %parallel_loop3A_268 = vector.broadcast %parallel_loop3A_267 : f32 to vector<16xf32>
          %parallel_loop3A_269 = arith.mulf %parallel_loop3A_268, %parallel_loop3A_200 : vector<16xf32>
          %parallel_loop3A_270 = arith.constant 1.500000e+01 : f32
          %parallel_loop3A_271 = vector.broadcast %parallel_loop3A_270 : f32 to vector<16xf32>
          %parallel_loop3A_272 = arith.subf %parallel_loop3A_271, %parallel_loop3A_269 : vector<16xf32>
          %parallel_loop3A_273 = arith.mulf %parallel_loop3A_200, %parallel_loop3A_272 : vector<16xf32>
          %parallel_loop3A_274 = arith.constant -1.000000e+01 : f32
          %parallel_loop3A_275 = vector.broadcast %parallel_loop3A_274 : f32 to vector<16xf32>
          %parallel_loop3A_276 = arith.addf %parallel_loop3A_275, %parallel_loop3A_273 : vector<16xf32>
          %parallel_loop3A_277 = arith.mulf %parallel_loop3A_266, %parallel_loop3A_276 : vector<16xf32>
          %parallel_loop3A_278 = arith.constant 1.000000e+00 : f32
          %parallel_loop3A_279 = vector.broadcast %parallel_loop3A_278 : f32 to vector<16xf32>
          %parallel_loop3A_280 = arith.addf %parallel_loop3A_279, %parallel_loop3A_277 : vector<16xf32>
          %parallel_loop3A_281 = arith.constant 14.3996458 : f32
          %parallel_loop3A_282 = vector.broadcast %parallel_loop3A_281 : f32 to vector<16xf32>
          %parallel_loop3A_283 = arith.mulf %parallel_loop3A_282, %parallel_loop3A_264 : vector<16xf32>
          %parallel_loop3A_284 = arith.mulf %parallel_loop3A_283, %parallel_loop3A_280 : vector<16xf32>
          %parallel_loop3A_285 = arith.mulf %parallel_loop3A_284, %parallel_loop3A_259 : vector<16xf32>
          %parallel_loop3A_286 = arith.index_cast %parallel_loop3A_194 : i32 to index
          %parallel_loop3A_287 = tpu.vector_load %arg19[%parallel_loop3A_286] {strides = array<i32>} : memref<2048xf32, #tpu.memory_space<vmem>>, vector<16xf32>,
          tpu.vector_store %arg19[%parallel_loop3A_286], %parallel_loop3A_285 {strides = array<i32>} : memref<2048xf32, #tpu.memory_space<vmem>>, vector<16xf32>,
        } {sc.loop_unroll_factor = 8 : i64, sc.parallel_access}
        %dma_start3A_192 = arith.constant 0 : i32
        %dma_start3A_193 = tpu.memref_slice %arg22[%dma_start3A_192] : memref<100352xf32, #tpu.memory_space<vmem_shared>> -> memref<100352xf32, #tpu.memory_space<vmem_shared>>
        tpu.enqueue_indirect_dma source(%arg19 : memref<2048xf32, #tpu.memory_space<vmem>>) target(%dma_start3A_193 : memref<100352xf32, #tpu.memory_space<vmem_shared>>) offsets(%arg13 : memref<2048xi32, #tpu.memory_space<vmem>>) semaphore(%arg26 : memref<!tpu.dma_semaphore, #tpu.memory_space<semaphore_mem>>) {add = true}
      } else {
      }
      %add3A_150 = arith.constant 1 : i32
      %add3A_151 = arith.addi %add3A_142, %add3A_150 : i32
      %lt3A_152 = arith.cmpi slt, %add3A_151, %select_n3A_46 : i32
      %add3A_153 = arith.constant 1 : i32
      %add3A_154 = arith.addi %add3A_142, %add3A_153 : i32
      %convert_element_type3A_155 = arith.extui %lt3A_152 : i1 to i32
      %cond3A_156 = arith.constant 0 : i32
      %cond3A_157 = arith.cmpi ne, %convert_element_type3A_155, %cond3A_156 : i32
      scf.if %cond3A_157 {
        %add3A_166 = arith.constant 2 : i32
        %add3A_167 = arith.addi %add3A_154, %add3A_166 : i32
        %lt3A_168 = arith.cmpi slt, %add3A_167, %select_n3A_46 : i32
        %sub3A_169 = arith.constant 1 : i32
        %sub3A_170 = arith.subi %add3A_154, %sub3A_169 : i32
        %ge3A = arith.cmpi sge, %sub3A_170, %select_n3A : i32
        %and3A_171 = arith.andi %lt3A_168, %ge3A : i1
        %convert_element_type3A_172 = arith.extui %and3A_171 : i1 to i32
        %cond3A_173 = arith.constant 0 : i32
        %cond3A_174 = arith.cmpi ne, %convert_element_type3A_172, %cond3A_173 : i32
        scf.if %cond3A_174 {
          %dma_wait3A_194 = arith.constant 0 : i32
          %dma_wait3A_195 = tpu.memref_slice %arg22[%dma_wait3A_194] : memref<100352xf32, #tpu.memory_space<vmem_shared>> -> memref<100352xf32, #tpu.memory_space<vmem_shared>>
          tpu.wait_indirect_dma semaphore(%arg26 : memref<!tpu.dma_semaphore, #tpu.memory_space<semaphore_mem>>) src(%arg19 : memref<2048xf32, #tpu.memory_space<vmem>>) dst(%dma_wait3A_195 : memref<100352xf32, #tpu.memory_space<vmem_shared>>)
        } else {
        }
        %add3A_175 = arith.constant 2 : i32
        %add3A_176 = arith.addi %add3A_154, %add3A_175 : i32
        %lt3A_177 = arith.cmpi slt, %add3A_176, %select_n3A_46 : i32
        %convert_element_type3A_178 = arith.extui %lt3A_177 : i1 to i32
        %cond3A_179 = arith.constant 0 : i32
        %cond3A_180 = arith.cmpi ne, %convert_element_type3A_178, %cond3A_179 : i32
        scf.if %cond3A_180 {
          %add3A_194 = arith.constant 2 : i32
          %add3A_195 = arith.addi %add3A_154, %add3A_194 : i32
          %mul3A_196 = arith.constant 2048 : i32
          %mul3A_197 = arith.muli %add3A_195, %mul3A_196 : i32
          %dma_start3A_198 = tpu.memref_slice %arg2[%mul3A_197] : memref<6400000xi32, #tpu.memory_space<hbm>> -> memref<2048xi32, #tpu.memory_space<hbm>>
          %dma_start3A_199 = tpu.memref_slice %arg2[%mul3A_197] : memref<6400000xi32, #tpu.memory_space<hbm>> -> memref<2048xi32, #tpu.memory_space<hbm>>
          tpu.enqueue_dma source(%dma_start3A_199 : memref<2048xi32, #tpu.memory_space<hbm>>) target(%arg10 : memref<2048xi32, #tpu.memory_space<vmem>>) target_semaphore(%arg23 : memref<!tpu.dma_semaphore, #tpu.memory_space<semaphore_mem>>)
          %dma_start3A_200 = tpu.memref_slice %arg3[%mul3A_197] : memref<6400000xi32, #tpu.memory_space<hbm>> -> memref<2048xi32, #tpu.memory_space<hbm>>
          %dma_start3A_201 = tpu.memref_slice %arg3[%mul3A_197] : memref<6400000xi32, #tpu.memory_space<hbm>> -> memref<2048xi32, #tpu.memory_space<hbm>>
          tpu.enqueue_dma source(%dma_start3A_201 : memref<2048xi32, #tpu.memory_space<hbm>>) target(%arg13 : memref<2048xi32, #tpu.memory_space<vmem>>) target_semaphore(%arg23 : memref<!tpu.dma_semaphore, #tpu.memory_space<semaphore_mem>>)
          %dma_start3A_202 = tpu.memref_slice %arg4[%mul3A_197] : memref<6400000xf32, #tpu.memory_space<hbm>> -> memref<2048xf32, #tpu.memory_space<hbm>>
          %dma_start3A_203 = tpu.memref_slice %arg4[%mul3A_197] : memref<6400000xf32, #tpu.memory_space<hbm>> -> memref<2048xf32, #tpu.memory_space<hbm>>
          tpu.enqueue_dma source(%dma_start3A_203 : memref<2048xf32, #tpu.memory_space<hbm>>) target(%arg16 : memref<2048xf32, #tpu.memory_space<vmem>>) target_semaphore(%arg23 : memref<!tpu.dma_semaphore, #tpu.memory_space<semaphore_mem>>)
        } else {
        }
        %mul3A_181 = arith.constant 2048 : i32
        %mul3A_182 = arith.muli %add3A_154, %mul3A_181 : i32
        %dma_wait3A_183 = tpu.memref_slice %arg2[%mul3A_182] : memref<6400000xi32, #tpu.memory_space<hbm>> -> memref<2048xi32, #tpu.memory_space<hbm>>
        %dma_wait3A_184 = tpu.memref_slice %arg2[%mul3A_182] : memref<6400000xi32, #tpu.memory_space<hbm>> -> memref<2048xi32, #tpu.memory_space<hbm>>
        tpu.wait_dma2 semaphore(%arg24 : memref<!tpu.dma_semaphore, #tpu.memory_space<semaphore_mem>>) src(%dma_wait3A_184 : memref<2048xi32, #tpu.memory_space<hbm>>) dst(%arg11 : memref<2048xi32, #tpu.memory_space<vmem>>)
        %dma_wait3A_185 = tpu.memref_slice %arg3[%mul3A_182] : memref<6400000xi32, #tpu.memory_space<hbm>> -> memref<2048xi32, #tpu.memory_space<hbm>>
        %dma_wait3A_186 = tpu.memref_slice %arg3[%mul3A_182] : memref<6400000xi32, #tpu.memory_space<hbm>> -> memref<2048xi32, #tpu.memory_space<hbm>>
        tpu.wait_dma2 semaphore(%arg24 : memref<!tpu.dma_semaphore, #tpu.memory_space<semaphore_mem>>) src(%dma_wait3A_186 : memref<2048xi32, #tpu.memory_space<hbm>>) dst(%arg14 : memref<2048xi32, #tpu.memory_space<vmem>>)
        %dma_wait3A_187 = tpu.memref_slice %arg4[%mul3A_182] : memref<6400000xf32, #tpu.memory_space<hbm>> -> memref<2048xf32, #tpu.memory_space<hbm>>
        %dma_wait3A_188 = tpu.memref_slice %arg4[%mul3A_182] : memref<6400000xf32, #tpu.memory_space<hbm>> -> memref<2048xf32, #tpu.memory_space<hbm>>
        tpu.wait_dma2 semaphore(%arg24 : memref<!tpu.dma_semaphore, #tpu.memory_space<semaphore_mem>>) src(%dma_wait3A_188 : memref<2048xf32, #tpu.memory_space<hbm>>) dst(%arg17 : memref<2048xf32, #tpu.memory_space<vmem>>)
        %parallel_loop3A_189 = arith.constant 0 : i32
        %parallel_loop3A_190 = arith.constant 2048 : i32
        %parallel_loop3A_191 = arith.constant 16 : i32
        scf.for %parallel_loop3A_194 = %parallel_loop3A_189 to %parallel_loop3A_190 step %parallel_loop3A_191  : i32 {
          %parallel_loop3A_195 = arith.index_cast %parallel_loop3A_194 : i32 to index
          %parallel_loop3A_196 = tpu.vector_load %arg11[%parallel_loop3A_195] {strides = array<i32>} : memref<2048xi32, #tpu.memory_space<vmem>>, vector<16xi32>,
          %parallel_loop3A_197 = arith.index_cast %parallel_loop3A_194 : i32 to index
          %parallel_loop3A_198 = tpu.vector_load %arg14[%parallel_loop3A_197] {strides = array<i32>} : memref<2048xi32, #tpu.memory_space<vmem>>, vector<16xi32>,
          %parallel_loop3A_199 = arith.index_cast %parallel_loop3A_194 : i32 to index
          %parallel_loop3A_200 = tpu.vector_load %arg17[%parallel_loop3A_199] {strides = array<i32>} : memref<2048xf32, #tpu.memory_space<vmem>>, vector<16xf32>,
          %parallel_loop3A_201 = tpu.vector_load_idx %arg9[%parallel_loop3A_196] : memref<100000xf32, #tpu.memory_space<vmem>>[vector<16xi32>], vector<16xf32>,
          %parallel_loop3A_202 = tpu.vector_load_idx %arg9[%parallel_loop3A_198] : memref<100000xf32, #tpu.memory_space<vmem>>[vector<16xi32>], vector<16xf32>,
          %parallel_loop3A_203 = arith.mulf %parallel_loop3A_201, %parallel_loop3A_201 : vector<16xf32>
          %parallel_loop3A_204 = arith.mulf %parallel_loop3A_202, %parallel_loop3A_202 : vector<16xf32>
          %parallel_loop3A_205 = arith.addf %parallel_loop3A_203, %parallel_loop3A_204 : vector<16xf32>
          %parallel_loop3A_206 = vector.bitcast %parallel_loop3A_205 : vector<16xf32> to vector<16xi32>
          %parallel_loop3A_207 = arith.constant 1 : i32
          %parallel_loop3A_208 = vector.broadcast %parallel_loop3A_207 : i32 to vector<16xi32>
          %parallel_loop3A_209 = arith.shrui %parallel_loop3A_206, %parallel_loop3A_208 : vector<16xi32>
          %parallel_loop3A_210 = arith.constant 1597463007 : i32
          %parallel_loop3A_211 = vector.broadcast %parallel_loop3A_210 : i32 to vector<16xi32>
          %parallel_loop3A_212 = arith.subi %parallel_loop3A_211, %parallel_loop3A_209 : vector<16xi32>
          %parallel_loop3A_213 = vector.bitcast %parallel_loop3A_212 : vector<16xi32> to vector<16xf32>
          %parallel_loop3A_214 = arith.constant 5.000000e-01 : f32
          %parallel_loop3A_215 = vector.broadcast %parallel_loop3A_214 : f32 to vector<16xf32>
          %parallel_loop3A_216 = arith.mulf %parallel_loop3A_215, %parallel_loop3A_205 : vector<16xf32>
          %parallel_loop3A_217 = arith.mulf %parallel_loop3A_216, %parallel_loop3A_213 : vector<16xf32>
          %parallel_loop3A_218 = arith.mulf %parallel_loop3A_217, %parallel_loop3A_213 : vector<16xf32>
          %parallel_loop3A_219 = arith.constant 1.500000e+00 : f32
          %parallel_loop3A_220 = vector.broadcast %parallel_loop3A_219 : f32 to vector<16xf32>
          %parallel_loop3A_221 = arith.subf %parallel_loop3A_220, %parallel_loop3A_218 : vector<16xf32>
          %parallel_loop3A_222 = arith.mulf %parallel_loop3A_213, %parallel_loop3A_221 : vector<16xf32>
          %parallel_loop3A_223 = arith.constant 5.000000e-01 : f32
          %parallel_loop3A_224 = vector.broadcast %parallel_loop3A_223 : f32 to vector<16xf32>
          %parallel_loop3A_225 = arith.mulf %parallel_loop3A_224, %parallel_loop3A_205 : vector<16xf32>
          %parallel_loop3A_226 = arith.mulf %parallel_loop3A_225, %parallel_loop3A_222 : vector<16xf32>
          %parallel_loop3A_227 = arith.mulf %parallel_loop3A_226, %parallel_loop3A_222 : vector<16xf32>
          %parallel_loop3A_228 = arith.constant 1.500000e+00 : f32
          %parallel_loop3A_229 = vector.broadcast %parallel_loop3A_228 : f32 to vector<16xf32>
          %parallel_loop3A_230 = arith.subf %parallel_loop3A_229, %parallel_loop3A_227 : vector<16xf32>
          %parallel_loop3A_231 = arith.mulf %parallel_loop3A_222, %parallel_loop3A_230 : vector<16xf32>
          %parallel_loop3A_232 = arith.constant 0.707106769 : f32
          %parallel_loop3A_233 = vector.broadcast %parallel_loop3A_232 : f32 to vector<16xf32>
          %parallel_loop3A_234 = arith.mulf %parallel_loop3A_200, %parallel_loop3A_233 : vector<16xf32>
          %parallel_loop3A_235 = arith.mulf %parallel_loop3A_234, %parallel_loop3A_231 : vector<16xf32>
          %parallel_loop3A_236 = arith.constant 7.810800e-02 : f32
          %parallel_loop3A_237 = vector.broadcast %parallel_loop3A_236 : f32 to vector<16xf32>
          %parallel_loop3A_238 = arith.mulf %parallel_loop3A_235, %parallel_loop3A_237 : vector<16xf32>
          %parallel_loop3A_239 = arith.constant 9.720000e-04 : f32
          %parallel_loop3A_240 = vector.broadcast %parallel_loop3A_239 : f32 to vector<16xf32>
          %parallel_loop3A_241 = arith.addf %parallel_loop3A_240, %parallel_loop3A_238 : vector<16xf32>
          %parallel_loop3A_242 = arith.mulf %parallel_loop3A_235, %parallel_loop3A_241 : vector<16xf32>
          %parallel_loop3A_243 = arith.constant 2.303890e-01 : f32
          %parallel_loop3A_244 = vector.broadcast %parallel_loop3A_243 : f32 to vector<16xf32>
          %parallel_loop3A_245 = arith.addf %parallel_loop3A_244, %parallel_loop3A_242 : vector<16xf32>
          %parallel_loop3A_246 = arith.mulf %parallel_loop3A_235, %parallel_loop3A_245 : vector<16xf32>
          %parallel_loop3A_247 = arith.constant 2.783930e-01 : f32
          %parallel_loop3A_248 = vector.broadcast %parallel_loop3A_247 : f32 to vector<16xf32>
          %parallel_loop3A_249 = arith.addf %parallel_loop3A_248, %parallel_loop3A_246 : vector<16xf32>
          %parallel_loop3A_250 = arith.mulf %parallel_loop3A_235, %parallel_loop3A_249 : vector<16xf32>
          %parallel_loop3A_251 = arith.constant 1.000000e+00 : f32
          %parallel_loop3A_252 = vector.broadcast %parallel_loop3A_251 : f32 to vector<16xf32>
          %parallel_loop3A_253 = arith.addf %parallel_loop3A_252, %parallel_loop3A_250 : vector<16xf32>
          %parallel_loop3A_254 = arith.mulf %parallel_loop3A_253, %parallel_loop3A_200 : vector<16xf32>
          %parallel_loop3A_255 = arith.constant 1.000000e+00 : f32
          %parallel_loop3A_256 = vector.broadcast %parallel_loop3A_255 : f32 to vector<16xf32>
          %parallel_loop3A_257 = arith.divf %parallel_loop3A_256, %parallel_loop3A_254 : vector<16xf32>
          %parallel_loop3A_258 = arith.mulf %parallel_loop3A_200, %parallel_loop3A_257 : vector<16xf32>
          %parallel_loop3A_259 = arith.mulf %parallel_loop3A_253, %parallel_loop3A_257 : vector<16xf32>
          %parallel_loop3A_260 = arith.mulf %parallel_loop3A_258, %parallel_loop3A_258 : vector<16xf32>
          %parallel_loop3A_261 = arith.mulf %parallel_loop3A_260, %parallel_loop3A_260 : vector<16xf32>
          %parallel_loop3A_262 = arith.constant 1.000000e+00 : f32
          %parallel_loop3A_263 = vector.broadcast %parallel_loop3A_262 : f32 to vector<16xf32>
          %parallel_loop3A_264 = arith.subf %parallel_loop3A_263, %parallel_loop3A_261 : vector<16xf32>
          %parallel_loop3A_265 = arith.mulf %parallel_loop3A_200, %parallel_loop3A_200 : vector<16xf32>
          %parallel_loop3A_266 = arith.mulf %parallel_loop3A_265, %parallel_loop3A_200 : vector<16xf32>
          %parallel_loop3A_267 = arith.constant 6.000000e+00 : f32
          %parallel_loop3A_268 = vector.broadcast %parallel_loop3A_267 : f32 to vector<16xf32>
          %parallel_loop3A_269 = arith.mulf %parallel_loop3A_268, %parallel_loop3A_200 : vector<16xf32>
          %parallel_loop3A_270 = arith.constant 1.500000e+01 : f32
          %parallel_loop3A_271 = vector.broadcast %parallel_loop3A_270 : f32 to vector<16xf32>
          %parallel_loop3A_272 = arith.subf %parallel_loop3A_271, %parallel_loop3A_269 : vector<16xf32>
          %parallel_loop3A_273 = arith.mulf %parallel_loop3A_200, %parallel_loop3A_272 : vector<16xf32>
          %parallel_loop3A_274 = arith.constant -1.000000e+01 : f32
          %parallel_loop3A_275 = vector.broadcast %parallel_loop3A_274 : f32 to vector<16xf32>
          %parallel_loop3A_276 = arith.addf %parallel_loop3A_275, %parallel_loop3A_273 : vector<16xf32>
          %parallel_loop3A_277 = arith.mulf %parallel_loop3A_266, %parallel_loop3A_276 : vector<16xf32>
          %parallel_loop3A_278 = arith.constant 1.000000e+00 : f32
          %parallel_loop3A_279 = vector.broadcast %parallel_loop3A_278 : f32 to vector<16xf32>
          %parallel_loop3A_280 = arith.addf %parallel_loop3A_279, %parallel_loop3A_277 : vector<16xf32>
          %parallel_loop3A_281 = arith.constant 14.3996458 : f32
          %parallel_loop3A_282 = vector.broadcast %parallel_loop3A_281 : f32 to vector<16xf32>
          %parallel_loop3A_283 = arith.mulf %parallel_loop3A_282, %parallel_loop3A_264 : vector<16xf32>
          %parallel_loop3A_284 = arith.mulf %parallel_loop3A_283, %parallel_loop3A_280 : vector<16xf32>
          %parallel_loop3A_285 = arith.mulf %parallel_loop3A_284, %parallel_loop3A_259 : vector<16xf32>
          %parallel_loop3A_286 = arith.index_cast %parallel_loop3A_194 : i32 to index
          %parallel_loop3A_287 = tpu.vector_load %arg20[%parallel_loop3A_286] {strides = array<i32>} : memref<2048xf32, #tpu.memory_space<vmem>>, vector<16xf32>,
          tpu.vector_store %arg20[%parallel_loop3A_286], %parallel_loop3A_285 {strides = array<i32>} : memref<2048xf32, #tpu.memory_space<vmem>>, vector<16xf32>,
        } {sc.loop_unroll_factor = 8 : i64, sc.parallel_access}
        %dma_start3A_192 = arith.constant 0 : i32
        %dma_start3A_193 = tpu.memref_slice %arg22[%dma_start3A_192] : memref<100352xf32, #tpu.memory_space<vmem_shared>> -> memref<100352xf32, #tpu.memory_space<vmem_shared>>
        tpu.enqueue_indirect_dma source(%arg20 : memref<2048xf32, #tpu.memory_space<vmem>>) target(%dma_start3A_193 : memref<100352xf32, #tpu.memory_space<vmem_shared>>) offsets(%arg14 : memref<2048xi32, #tpu.memory_space<vmem>>) semaphore(%arg27 : memref<!tpu.dma_semaphore, #tpu.memory_space<semaphore_mem>>) {add = true}
      } else {
      }
      %add3A_158 = arith.constant 2 : i32
      %add3A_159 = arith.addi %add3A_142, %add3A_158 : i32
      %lt3A_160 = arith.cmpi slt, %add3A_159, %select_n3A_46 : i32
      %add3A_161 = arith.constant 2 : i32
      %add3A_162 = arith.addi %add3A_142, %add3A_161 : i32
      %convert_element_type3A_163 = arith.extui %lt3A_160 : i1 to i32
      %cond3A_164 = arith.constant 0 : i32
      %cond3A_165 = arith.cmpi ne, %convert_element_type3A_163, %cond3A_164 : i32
      scf.if %cond3A_165 {
        %add3A_166 = arith.constant 2 : i32
        %add3A_167 = arith.addi %add3A_162, %add3A_166 : i32
        %lt3A_168 = arith.cmpi slt, %add3A_167, %select_n3A_46 : i32
        %sub3A_169 = arith.constant 1 : i32
        %sub3A_170 = arith.subi %add3A_162, %sub3A_169 : i32
        %ge3A = arith.cmpi sge, %sub3A_170, %select_n3A : i32
        %and3A_171 = arith.andi %lt3A_168, %ge3A : i1
        %convert_element_type3A_172 = arith.extui %and3A_171 : i1 to i32
        %cond3A_173 = arith.constant 0 : i32
        %cond3A_174 = arith.cmpi ne, %convert_element_type3A_172, %cond3A_173 : i32
        scf.if %cond3A_174 {
          %dma_wait3A_194 = arith.constant 0 : i32
          %dma_wait3A_195 = tpu.memref_slice %arg22[%dma_wait3A_194] : memref<100352xf32, #tpu.memory_space<vmem_shared>> -> memref<100352xf32, #tpu.memory_space<vmem_shared>>
          tpu.wait_indirect_dma semaphore(%arg27 : memref<!tpu.dma_semaphore, #tpu.memory_space<semaphore_mem>>) src(%arg20 : memref<2048xf32, #tpu.memory_space<vmem>>) dst(%dma_wait3A_195 : memref<100352xf32, #tpu.memory_space<vmem_shared>>)
        } else {
        }
        %add3A_175 = arith.constant 2 : i32
        %add3A_176 = arith.addi %add3A_162, %add3A_175 : i32
        %lt3A_177 = arith.cmpi slt, %add3A_176, %select_n3A_46 : i32
        %convert_element_type3A_178 = arith.extui %lt3A_177 : i1 to i32
        %cond3A_179 = arith.constant 0 : i32
        %cond3A_180 = arith.cmpi ne, %convert_element_type3A_178, %cond3A_179 : i32
        scf.if %cond3A_180 {
          %add3A_194 = arith.constant 2 : i32
          %add3A_195 = arith.addi %add3A_162, %add3A_194 : i32
          %mul3A_196 = arith.constant 2048 : i32
          %mul3A_197 = arith.muli %add3A_195, %mul3A_196 : i32
          %dma_start3A_198 = tpu.memref_slice %arg2[%mul3A_197] : memref<6400000xi32, #tpu.memory_space<hbm>> -> memref<2048xi32, #tpu.memory_space<hbm>>
          %dma_start3A_199 = tpu.memref_slice %arg2[%mul3A_197] : memref<6400000xi32, #tpu.memory_space<hbm>> -> memref<2048xi32, #tpu.memory_space<hbm>>
          tpu.enqueue_dma source(%dma_start3A_199 : memref<2048xi32, #tpu.memory_space<hbm>>) target(%arg11 : memref<2048xi32, #tpu.memory_space<vmem>>) target_semaphore(%arg24 : memref<!tpu.dma_semaphore, #tpu.memory_space<semaphore_mem>>)
          %dma_start3A_200 = tpu.memref_slice %arg3[%mul3A_197] : memref<6400000xi32, #tpu.memory_space<hbm>> -> memref<2048xi32, #tpu.memory_space<hbm>>
          %dma_start3A_201 = tpu.memref_slice %arg3[%mul3A_197] : memref<6400000xi32, #tpu.memory_space<hbm>> -> memref<2048xi32, #tpu.memory_space<hbm>>
          tpu.enqueue_dma source(%dma_start3A_201 : memref<2048xi32, #tpu.memory_space<hbm>>) target(%arg14 : memref<2048xi32, #tpu.memory_space<vmem>>) target_semaphore(%arg24 : memref<!tpu.dma_semaphore, #tpu.memory_space<semaphore_mem>>)
          %dma_start3A_202 = tpu.memref_slice %arg4[%mul3A_197] : memref<6400000xf32, #tpu.memory_space<hbm>> -> memref<2048xf32, #tpu.memory_space<hbm>>
          %dma_start3A_203 = tpu.memref_slice %arg4[%mul3A_197] : memref<6400000xf32, #tpu.memory_space<hbm>> -> memref<2048xf32, #tpu.memory_space<hbm>>
          tpu.enqueue_dma source(%dma_start3A_203 : memref<2048xf32, #tpu.memory_space<hbm>>) target(%arg17 : memref<2048xf32, #tpu.memory_space<vmem>>) target_semaphore(%arg24 : memref<!tpu.dma_semaphore, #tpu.memory_space<semaphore_mem>>)
        } else {
        }
        %mul3A_181 = arith.constant 2048 : i32
        %mul3A_182 = arith.muli %add3A_162, %mul3A_181 : i32
        %dma_wait3A_183 = tpu.memref_slice %arg2[%mul3A_182] : memref<6400000xi32, #tpu.memory_space<hbm>> -> memref<2048xi32, #tpu.memory_space<hbm>>
        %dma_wait3A_184 = tpu.memref_slice %arg2[%mul3A_182] : memref<6400000xi32, #tpu.memory_space<hbm>> -> memref<2048xi32, #tpu.memory_space<hbm>>
        tpu.wait_dma2 semaphore(%arg25 : memref<!tpu.dma_semaphore, #tpu.memory_space<semaphore_mem>>) src(%dma_wait3A_184 : memref<2048xi32, #tpu.memory_space<hbm>>) dst(%arg12 : memref<2048xi32, #tpu.memory_space<vmem>>)
        %dma_wait3A_185 = tpu.memref_slice %arg3[%mul3A_182] : memref<6400000xi32, #tpu.memory_space<hbm>> -> memref<2048xi32, #tpu.memory_space<hbm>>
        %dma_wait3A_186 = tpu.memref_slice %arg3[%mul3A_182] : memref<6400000xi32, #tpu.memory_space<hbm>> -> memref<2048xi32, #tpu.memory_space<hbm>>
        tpu.wait_dma2 semaphore(%arg25 : memref<!tpu.dma_semaphore, #tpu.memory_space<semaphore_mem>>) src(%dma_wait3A_186 : memref<2048xi32, #tpu.memory_space<hbm>>) dst(%arg15 : memref<2048xi32, #tpu.memory_space<vmem>>)
        %dma_wait3A_187 = tpu.memref_slice %arg4[%mul3A_182] : memref<6400000xf32, #tpu.memory_space<hbm>> -> memref<2048xf32, #tpu.memory_space<hbm>>
        %dma_wait3A_188 = tpu.memref_slice %arg4[%mul3A_182] : memref<6400000xf32, #tpu.memory_space<hbm>> -> memref<2048xf32, #tpu.memory_space<hbm>>
        tpu.wait_dma2 semaphore(%arg25 : memref<!tpu.dma_semaphore, #tpu.memory_space<semaphore_mem>>) src(%dma_wait3A_188 : memref<2048xf32, #tpu.memory_space<hbm>>) dst(%arg18 : memref<2048xf32, #tpu.memory_space<vmem>>)
        %parallel_loop3A_189 = arith.constant 0 : i32
        %parallel_loop3A_190 = arith.constant 2048 : i32
        %parallel_loop3A_191 = arith.constant 16 : i32
        scf.for %parallel_loop3A_194 = %parallel_loop3A_189 to %parallel_loop3A_190 step %parallel_loop3A_191  : i32 {
          %parallel_loop3A_195 = arith.index_cast %parallel_loop3A_194 : i32 to index
          %parallel_loop3A_196 = tpu.vector_load %arg12[%parallel_loop3A_195] {strides = array<i32>} : memref<2048xi32, #tpu.memory_space<vmem>>, vector<16xi32>,
          %parallel_loop3A_197 = arith.index_cast %parallel_loop3A_194 : i32 to index
          %parallel_loop3A_198 = tpu.vector_load %arg15[%parallel_loop3A_197] {strides = array<i32>} : memref<2048xi32, #tpu.memory_space<vmem>>, vector<16xi32>,
          %parallel_loop3A_199 = arith.index_cast %parallel_loop3A_194 : i32 to index
          %parallel_loop3A_200 = tpu.vector_load %arg18[%parallel_loop3A_199] {strides = array<i32>} : memref<2048xf32, #tpu.memory_space<vmem>>, vector<16xf32>,
          %parallel_loop3A_201 = tpu.vector_load_idx %arg9[%parallel_loop3A_196] : memref<100000xf32, #tpu.memory_space<vmem>>[vector<16xi32>], vector<16xf32>,
          %parallel_loop3A_202 = tpu.vector_load_idx %arg9[%parallel_loop3A_198] : memref<100000xf32, #tpu.memory_space<vmem>>[vector<16xi32>], vector<16xf32>,
          %parallel_loop3A_203 = arith.mulf %parallel_loop3A_201, %parallel_loop3A_201 : vector<16xf32>
          %parallel_loop3A_204 = arith.mulf %parallel_loop3A_202, %parallel_loop3A_202 : vector<16xf32>
          %parallel_loop3A_205 = arith.addf %parallel_loop3A_203, %parallel_loop3A_204 : vector<16xf32>
          %parallel_loop3A_206 = vector.bitcast %parallel_loop3A_205 : vector<16xf32> to vector<16xi32>
          %parallel_loop3A_207 = arith.constant 1 : i32
          %parallel_loop3A_208 = vector.broadcast %parallel_loop3A_207 : i32 to vector<16xi32>
          %parallel_loop3A_209 = arith.shrui %parallel_loop3A_206, %parallel_loop3A_208 : vector<16xi32>
          %parallel_loop3A_210 = arith.constant 1597463007 : i32
          %parallel_loop3A_211 = vector.broadcast %parallel_loop3A_210 : i32 to vector<16xi32>
          %parallel_loop3A_212 = arith.subi %parallel_loop3A_211, %parallel_loop3A_209 : vector<16xi32>
          %parallel_loop3A_213 = vector.bitcast %parallel_loop3A_212 : vector<16xi32> to vector<16xf32>
          %parallel_loop3A_214 = arith.constant 5.000000e-01 : f32
          %parallel_loop3A_215 = vector.broadcast %parallel_loop3A_214 : f32 to vector<16xf32>
          %parallel_loop3A_216 = arith.mulf %parallel_loop3A_215, %parallel_loop3A_205 : vector<16xf32>
          %parallel_loop3A_217 = arith.mulf %parallel_loop3A_216, %parallel_loop3A_213 : vector<16xf32>
          %parallel_loop3A_218 = arith.mulf %parallel_loop3A_217, %parallel_loop3A_213 : vector<16xf32>
          %parallel_loop3A_219 = arith.constant 1.500000e+00 : f32
          %parallel_loop3A_220 = vector.broadcast %parallel_loop3A_219 : f32 to vector<16xf32>
          %parallel_loop3A_221 = arith.subf %parallel_loop3A_220, %parallel_loop3A_218 : vector<16xf32>
          %parallel_loop3A_222 = arith.mulf %parallel_loop3A_213, %parallel_loop3A_221 : vector<16xf32>
          %parallel_loop3A_223 = arith.constant 5.000000e-01 : f32
          %parallel_loop3A_224 = vector.broadcast %parallel_loop3A_223 : f32 to vector<16xf32>
          %parallel_loop3A_225 = arith.mulf %parallel_loop3A_224, %parallel_loop3A_205 : vector<16xf32>
          %parallel_loop3A_226 = arith.mulf %parallel_loop3A_225, %parallel_loop3A_222 : vector<16xf32>
          %parallel_loop3A_227 = arith.mulf %parallel_loop3A_226, %parallel_loop3A_222 : vector<16xf32>
          %parallel_loop3A_228 = arith.constant 1.500000e+00 : f32
          %parallel_loop3A_229 = vector.broadcast %parallel_loop3A_228 : f32 to vector<16xf32>
          %parallel_loop3A_230 = arith.subf %parallel_loop3A_229, %parallel_loop3A_227 : vector<16xf32>
          %parallel_loop3A_231 = arith.mulf %parallel_loop3A_222, %parallel_loop3A_230 : vector<16xf32>
          %parallel_loop3A_232 = arith.constant 0.707106769 : f32
          %parallel_loop3A_233 = vector.broadcast %parallel_loop3A_232 : f32 to vector<16xf32>
          %parallel_loop3A_234 = arith.mulf %parallel_loop3A_200, %parallel_loop3A_233 : vector<16xf32>
          %parallel_loop3A_235 = arith.mulf %parallel_loop3A_234, %parallel_loop3A_231 : vector<16xf32>
          %parallel_loop3A_236 = arith.constant 7.810800e-02 : f32
          %parallel_loop3A_237 = vector.broadcast %parallel_loop3A_236 : f32 to vector<16xf32>
          %parallel_loop3A_238 = arith.mulf %parallel_loop3A_235, %parallel_loop3A_237 : vector<16xf32>
          %parallel_loop3A_239 = arith.constant 9.720000e-04 : f32
          %parallel_loop3A_240 = vector.broadcast %parallel_loop3A_239 : f32 to vector<16xf32>
          %parallel_loop3A_241 = arith.addf %parallel_loop3A_240, %parallel_loop3A_238 : vector<16xf32>
          %parallel_loop3A_242 = arith.mulf %parallel_loop3A_235, %parallel_loop3A_241 : vector<16xf32>
          %parallel_loop3A_243 = arith.constant 2.303890e-01 : f32
          %parallel_loop3A_244 = vector.broadcast %parallel_loop3A_243 : f32 to vector<16xf32>
          %parallel_loop3A_245 = arith.addf %parallel_loop3A_244, %parallel_loop3A_242 : vector<16xf32>
          %parallel_loop3A_246 = arith.mulf %parallel_loop3A_235, %parallel_loop3A_245 : vector<16xf32>
          %parallel_loop3A_247 = arith.constant 2.783930e-01 : f32
          %parallel_loop3A_248 = vector.broadcast %parallel_loop3A_247 : f32 to vector<16xf32>
          %parallel_loop3A_249 = arith.addf %parallel_loop3A_248, %parallel_loop3A_246 : vector<16xf32>
          %parallel_loop3A_250 = arith.mulf %parallel_loop3A_235, %parallel_loop3A_249 : vector<16xf32>
          %parallel_loop3A_251 = arith.constant 1.000000e+00 : f32
          %parallel_loop3A_252 = vector.broadcast %parallel_loop3A_251 : f32 to vector<16xf32>
          %parallel_loop3A_253 = arith.addf %parallel_loop3A_252, %parallel_loop3A_250 : vector<16xf32>
          %parallel_loop3A_254 = arith.mulf %parallel_loop3A_253, %parallel_loop3A_200 : vector<16xf32>
          %parallel_loop3A_255 = arith.constant 1.000000e+00 : f32
          %parallel_loop3A_256 = vector.broadcast %parallel_loop3A_255 : f32 to vector<16xf32>
          %parallel_loop3A_257 = arith.divf %parallel_loop3A_256, %parallel_loop3A_254 : vector<16xf32>
          %parallel_loop3A_258 = arith.mulf %parallel_loop3A_200, %parallel_loop3A_257 : vector<16xf32>
          %parallel_loop3A_259 = arith.mulf %parallel_loop3A_253, %parallel_loop3A_257 : vector<16xf32>
          %parallel_loop3A_260 = arith.mulf %parallel_loop3A_258, %parallel_loop3A_258 : vector<16xf32>
          %parallel_loop3A_261 = arith.mulf %parallel_loop3A_260, %parallel_loop3A_260 : vector<16xf32>
          %parallel_loop3A_262 = arith.constant 1.000000e+00 : f32
          %parallel_loop3A_263 = vector.broadcast %parallel_loop3A_262 : f32 to vector<16xf32>
          %parallel_loop3A_264 = arith.subf %parallel_loop3A_263, %parallel_loop3A_261 : vector<16xf32>
          %parallel_loop3A_265 = arith.mulf %parallel_loop3A_200, %parallel_loop3A_200 : vector<16xf32>
          %parallel_loop3A_266 = arith.mulf %parallel_loop3A_265, %parallel_loop3A_200 : vector<16xf32>
          %parallel_loop3A_267 = arith.constant 6.000000e+00 : f32
          %parallel_loop3A_268 = vector.broadcast %parallel_loop3A_267 : f32 to vector<16xf32>
          %parallel_loop3A_269 = arith.mulf %parallel_loop3A_268, %parallel_loop3A_200 : vector<16xf32>
          %parallel_loop3A_270 = arith.constant 1.500000e+01 : f32
          %parallel_loop3A_271 = vector.broadcast %parallel_loop3A_270 : f32 to vector<16xf32>
          %parallel_loop3A_272 = arith.subf %parallel_loop3A_271, %parallel_loop3A_269 : vector<16xf32>
          %parallel_loop3A_273 = arith.mulf %parallel_loop3A_200, %parallel_loop3A_272 : vector<16xf32>
          %parallel_loop3A_274 = arith.constant -1.000000e+01 : f32
          %parallel_loop3A_275 = vector.broadcast %parallel_loop3A_274 : f32 to vector<16xf32>
          %parallel_loop3A_276 = arith.addf %parallel_loop3A_275, %parallel_loop3A_273 : vector<16xf32>
          %parallel_loop3A_277 = arith.mulf %parallel_loop3A_266, %parallel_loop3A_276 : vector<16xf32>
          %parallel_loop3A_278 = arith.constant 1.000000e+00 : f32
          %parallel_loop3A_279 = vector.broadcast %parallel_loop3A_278 : f32 to vector<16xf32>
          %parallel_loop3A_280 = arith.addf %parallel_loop3A_279, %parallel_loop3A_277 : vector<16xf32>
          %parallel_loop3A_281 = arith.constant 14.3996458 : f32
          %parallel_loop3A_282 = vector.broadcast %parallel_loop3A_281 : f32 to vector<16xf32>
          %parallel_loop3A_283 = arith.mulf %parallel_loop3A_282, %parallel_loop3A_264 : vector<16xf32>
          %parallel_loop3A_284 = arith.mulf %parallel_loop3A_283, %parallel_loop3A_280 : vector<16xf32>
          %parallel_loop3A_285 = arith.mulf %parallel_loop3A_284, %parallel_loop3A_259 : vector<16xf32>
          %parallel_loop3A_286 = arith.index_cast %parallel_loop3A_194 : i32 to index
          %parallel_loop3A_287 = tpu.vector_load %arg21[%parallel_loop3A_286] {strides = array<i32>} : memref<2048xf32, #tpu.memory_space<vmem>>, vector<16xf32>,
          tpu.vector_store %arg21[%parallel_loop3A_286], %parallel_loop3A_285 {strides = array<i32>} : memref<2048xf32, #tpu.memory_space<vmem>>, vector<16xf32>,
        } {sc.loop_unroll_factor = 8 : i64, sc.parallel_access}
        %dma_start3A_192 = arith.constant 0 : i32
        %dma_start3A_193 = tpu.memref_slice %arg22[%dma_start3A_192] : memref<100352xf32, #tpu.memory_space<vmem_shared>> -> memref<100352xf32, #tpu.memory_space<vmem_shared>>
        tpu.enqueue_indirect_dma source(%arg21 : memref<2048xf32, #tpu.memory_space<vmem>>) target(%dma_start3A_193 : memref<100352xf32, #tpu.memory_space<vmem_shared>>) offsets(%arg15 : memref<2048xi32, #tpu.memory_space<vmem>>) semaphore(%arg28 : memref<!tpu.dma_semaphore, #tpu.memory_space<semaphore_mem>>) {add = true}
      } else {
      }
    }
    %dma_wait3A = arith.constant 0 : i32
    %dma_wait3A_102 = tpu.memref_slice %arg22[%dma_wait3A] : memref<100352xf32, #tpu.memory_space<vmem_shared>> -> memref<100352xf32, #tpu.memory_space<vmem_shared>>
    tpu.wait_indirect_dma semaphore(%arg26 : memref<!tpu.dma_semaphore, #tpu.memory_space<semaphore_mem>>) src(%arg19 : memref<2048xf32, #tpu.memory_space<vmem>>) dst(%dma_wait3A_102 : memref<100352xf32, #tpu.memory_space<vmem_shared>>)
    %dma_wait3A_103 = arith.constant 0 : i32
    %dma_wait3A_104 = tpu.memref_slice %arg22[%dma_wait3A_103] : memref<100352xf32, #tpu.memory_space<vmem_shared>> -> memref<100352xf32, #tpu.memory_space<vmem_shared>>
    tpu.wait_indirect_dma semaphore(%arg27 : memref<!tpu.dma_semaphore, #tpu.memory_space<semaphore_mem>>) src(%arg20 : memref<2048xf32, #tpu.memory_space<vmem>>) dst(%dma_wait3A_104 : memref<100352xf32, #tpu.memory_space<vmem_shared>>)
    %dma_wait3A_105 = arith.constant 0 : i32
    %dma_wait3A_106 = tpu.memref_slice %arg22[%dma_wait3A_105] : memref<100352xf32, #tpu.memory_space<vmem_shared>> -> memref<100352xf32, #tpu.memory_space<vmem_shared>>
    tpu.wait_indirect_dma semaphore(%arg28 : memref<!tpu.dma_semaphore, #tpu.memory_space<semaphore_mem>>) src(%arg21 : memref<2048xf32, #tpu.memory_space<vmem>>) dst(%dma_wait3A_106 : memref<100352xf32, #tpu.memory_space<vmem_shared>>)
    %barrier3A_107 = arith.constant 0 : index
    tpu.barrier barrier_id(%barrier3A_107)
    %mul3A_108 = arith.constant 3 : i32
    %mul3A_109 = arith.muli %arg1, %mul3A_108 : i32
    %add3A_110 = arith.constant 0 : i32
    %add3A_111 = arith.addi %mul3A_109, %add3A_110 : i32
    %mul3A_112 = arith.constant 2048 : i32
    %mul3A_113 = arith.muli %add3A_111, %mul3A_112 : i32
    "tpu.region"() ({
      %run_scoped3A = tpu.sem_alloc : memref<!tpu.dma_semaphore, #tpu.memory_space<semaphore_mem>>
      %dma_start3A_139 = tpu.memref_slice %arg22[%mul3A_113] : memref<100352xf32, #tpu.memory_space<vmem_shared>> -> memref<2048xf32, #tpu.memory_space<vmem_shared>>
      %dma_start3A_140 = tpu.memref_slice %arg22[%mul3A_113] : memref<100352xf32, #tpu.memory_space<vmem_shared>> -> memref<2048xf32, #tpu.memory_space<vmem_shared>>
      tpu.enqueue_dma source(%dma_start3A_140 : memref<2048xf32, #tpu.memory_space<vmem_shared>>) target(%arg19 : memref<2048xf32, #tpu.memory_space<vmem>>) target_semaphore(%run_scoped3A : memref<!tpu.dma_semaphore, #tpu.memory_space<semaphore_mem>>)
      %dma_wait3A_141 = tpu.memref_slice %arg22[%mul3A_113] : memref<100352xf32, #tpu.memory_space<vmem_shared>> -> memref<2048xf32, #tpu.memory_space<vmem_shared>>
      %dma_wait3A_142 = tpu.memref_slice %arg22[%mul3A_113] : memref<100352xf32, #tpu.memory_space<vmem_shared>> -> memref<2048xf32, #tpu.memory_space<vmem_shared>>
      tpu.wait_dma2 semaphore(%run_scoped3A : memref<!tpu.dma_semaphore, #tpu.memory_space<semaphore_mem>>) src(%dma_wait3A_142 : memref<2048xf32, #tpu.memory_space<vmem_shared>>) dst(%arg19 : memref<2048xf32, #tpu.memory_space<vmem>>)
      tpu.yield
    }) : () -> ()
    "tpu.region"() ({
      %run_scoped3A = tpu.sem_alloc : memref<!tpu.dma_semaphore, #tpu.memory_space<semaphore_mem>>
      %dma_start3A_139 = tpu.memref_slice %arg5[%mul3A_113] : memref<100352xf32, #tpu.memory_space<hbm>> -> memref<2048xf32, #tpu.memory_space<hbm>>
      %dma_start3A_140 = tpu.memref_slice %arg5[%mul3A_113] : memref<100352xf32, #tpu.memory_space<hbm>> -> memref<2048xf32, #tpu.memory_space<hbm>>
      tpu.enqueue_dma source(%dma_start3A_140 : memref<2048xf32, #tpu.memory_space<hbm>>) target(%arg16 : memref<2048xf32, #tpu.memory_space<vmem>>) target_semaphore(%run_scoped3A : memref<!tpu.dma_semaphore, #tpu.memory_space<semaphore_mem>>)
      %dma_wait3A_141 = tpu.memref_slice %arg5[%mul3A_113] : memref<100352xf32, #tpu.memory_space<hbm>> -> memref<2048xf32, #tpu.memory_space<hbm>>
      %dma_wait3A_142 = tpu.memref_slice %arg5[%mul3A_113] : memref<100352xf32, #tpu.memory_space<hbm>> -> memref<2048xf32, #tpu.memory_space<hbm>>
      tpu.wait_dma2 semaphore(%run_scoped3A : memref<!tpu.dma_semaphore, #tpu.memory_space<semaphore_mem>>) src(%dma_wait3A_142 : memref<2048xf32, #tpu.memory_space<hbm>>) dst(%arg16 : memref<2048xf32, #tpu.memory_space<vmem>>)
      tpu.yield
    }) : () -> ()
    %parallel_loop3A = arith.constant 0 : i32
    %parallel_loop3A_114 = arith.constant 2048 : i32
    %parallel_loop3A_115 = arith.constant 16 : i32
    scf.for %parallel_loop3A_139 = %parallel_loop3A to %parallel_loop3A_114 step %parallel_loop3A_115  : i32 {
      %parallel_loop3A_140 = arith.index_cast %parallel_loop3A_139 : i32 to index
      %parallel_loop3A_141 = tpu.vector_load %arg19[%parallel_loop3A_140] {strides = array<i32>} : memref<2048xf32, #tpu.memory_space<vmem>>, vector<16xf32>,
      %parallel_loop3A_142 = arith.index_cast %parallel_loop3A_139 : i32 to index
      %parallel_loop3A_143 = tpu.vector_load %arg16[%parallel_loop3A_142] {strides = array<i32>} : memref<2048xf32, #tpu.memory_space<vmem>>, vector<16xf32>,
      %parallel_loop3A_144 = arith.mulf %parallel_loop3A_141, %parallel_loop3A_143 : vector<16xf32>
      %parallel_loop3A_145 = arith.index_cast %parallel_loop3A_139 : i32 to index
      %parallel_loop3A_146 = tpu.vector_load %arg19[%parallel_loop3A_145] {strides = array<i32>} : memref<2048xf32, #tpu.memory_space<vmem>>, vector<16xf32>,
      tpu.vector_store %arg19[%parallel_loop3A_145], %parallel_loop3A_144 {strides = array<i32>} : memref<2048xf32, #tpu.memory_space<vmem>>, vector<16xf32>,
    } {sc.loop_unroll_factor = 4 : i64, sc.parallel_access}
    "tpu.region"() ({
      %run_scoped3A = tpu.sem_alloc : memref<!tpu.dma_semaphore, #tpu.memory_space<semaphore_mem>>
      %dma_start3A_139 = arith.constant 0 : i32
      %dma_start3A_140 = tpu.memref_slice %arg8[%arg0, %dma_start3A_139] : memref<2x100352xf32, #tpu.memory_space<hbm>> -> memref<1x100352xf32, #tpu.memory_space<hbm>>
      %dma_start3A_141 = tpu.memref_squeeze %dma_start3A_140 : memref<1x100352xf32, #tpu.memory_space<hbm>> -> memref<100352xf32, #tpu.memory_space<hbm>>
      %dma_start3A_142 = tpu.memref_slice %dma_start3A_141[%mul3A_113] : memref<100352xf32, #tpu.memory_space<hbm>> -> memref<2048xf32, #tpu.memory_space<hbm>>
      %dma_start3A_143 = arith.constant 0 : i32
      %dma_start3A_144 = tpu.memref_slice %arg8[%arg0, %dma_start3A_143] : memref<2x100352xf32, #tpu.memory_space<hbm>> -> memref<1x100352xf32, #tpu.memory_space<hbm>>
      %dma_start3A_145 = tpu.memref_squeeze %dma_start3A_144 : memref<1x100352xf32, #tpu.memory_space<hbm>> -> memref<100352xf32, #tpu.memory_space<hbm>>
      %dma_start3A_146 = tpu.memref_slice %dma_start3A_145[%mul3A_113] : memref<100352xf32, #tpu.memory_space<hbm>> -> memref<2048xf32, #tpu.memory_space<hbm>>
      tpu.enqueue_dma source(%arg19 : memref<2048xf32, #tpu.memory_space<vmem>>) target(%dma_start3A_146 : memref<2048xf32, #tpu.memory_space<hbm>>) target_semaphore(%run_scoped3A : memref<!tpu.dma_semaphore, #tpu.memory_space<semaphore_mem>>)
      %dma_wait3A_147 = arith.constant 0 : i32
      %dma_wait3A_148 = tpu.memref_slice %arg8[%arg0, %dma_wait3A_147] : memref<2x100352xf32, #tpu.memory_space<hbm>> -> memref<1x100352xf32, #tpu.memory_space<hbm>>
      %dma_wait3A_149 = tpu.memref_squeeze %dma_wait3A_148 : memref<1x100352xf32, #tpu.memory_space<hbm>> -> memref<100352xf32, #tpu.memory_space<hbm>>
      %dma_wait3A_150 = tpu.memref_slice %dma_wait3A_149[%mul3A_113] : memref<100352xf32, #tpu.memory_space<hbm>> -> memref<2048xf32, #tpu.memory_space<hbm>>
      %dma_wait3A_151 = arith.constant 0 : i32
      %dma_wait3A_152 = tpu.memref_slice %arg8[%arg0, %dma_wait3A_151] : memref<2x100352xf32, #tpu.memory_space<hbm>> -> memref<1x100352xf32, #tpu.memory_space<hbm>>
      %dma_wait3A_153 = tpu.memref_squeeze %dma_wait3A_152 : memref<1x100352xf32, #tpu.memory_space<hbm>> -> memref<100352xf32, #tpu.memory_space<hbm>>
      %dma_wait3A_154 = tpu.memref_slice %dma_wait3A_153[%mul3A_113] : memref<100352xf32, #tpu.memory_space<hbm>> -> memref<2048xf32, #tpu.memory_space<hbm>>
      tpu.wait_dma2 semaphore(%run_scoped3A : memref<!tpu.dma_semaphore, #tpu.memory_space<semaphore_mem>>) src(%arg19 : memref<2048xf32, #tpu.memory_space<vmem>>) dst(%dma_wait3A_154 : memref<2048xf32, #tpu.memory_space<hbm>>)
      tpu.yield
    }) : () -> ()
    %mul3A_116 = arith.constant 3 : i32
    %mul3A_117 = arith.muli %arg1, %mul3A_116 : i32
    %add3A_118 = arith.constant 1 : i32
    %add3A_119 = arith.addi %mul3A_117, %add3A_118 : i32
    %mul3A_120 = arith.constant 2048 : i32
    %mul3A_121 = arith.muli %add3A_119, %mul3A_120 : i32
    "tpu.region"() ({
      %run_scoped3A = tpu.sem_alloc : memref<!tpu.dma_semaphore, #tpu.memory_space<semaphore_mem>>
      %dma_start3A_139 = tpu.memref_slice %arg22[%mul3A_121] : memref<100352xf32, #tpu.memory_space<vmem_shared>> -> memref<2048xf32, #tpu.memory_space<vmem_shared>>
      %dma_start3A_140 = tpu.memref_slice %arg22[%mul3A_121] : memref<100352xf32, #tpu.memory_space<vmem_shared>> -> memref<2048xf32, #tpu.memory_space<vmem_shared>>
      tpu.enqueue_dma source(%dma_start3A_140 : memref<2048xf32, #tpu.memory_space<vmem_shared>>) target(%arg19 : memref<2048xf32, #tpu.memory_space<vmem>>) target_semaphore(%run_scoped3A : memref<!tpu.dma_semaphore, #tpu.memory_space<semaphore_mem>>)
      %dma_wait3A_141 = tpu.memref_slice %arg22[%mul3A_121] : memref<100352xf32, #tpu.memory_space<vmem_shared>> -> memref<2048xf32, #tpu.memory_space<vmem_shared>>
      %dma_wait3A_142 = tpu.memref_slice %arg22[%mul3A_121] : memref<100352xf32, #tpu.memory_space<vmem_shared>> -> memref<2048xf32, #tpu.memory_space<vmem_shared>>
      tpu.wait_dma2 semaphore(%run_scoped3A : memref<!tpu.dma_semaphore, #tpu.memory_space<semaphore_mem>>) src(%dma_wait3A_142 : memref<2048xf32, #tpu.memory_space<vmem_shared>>) dst(%arg19 : memref<2048xf32, #tpu.memory_space<vmem>>)
      tpu.yield
    }) : () -> ()
    "tpu.region"() ({
      %run_scoped3A = tpu.sem_alloc : memref<!tpu.dma_semaphore, #tpu.memory_space<semaphore_mem>>
      %dma_start3A_139 = tpu.memref_slice %arg5[%mul3A_121] : memref<100352xf32, #tpu.memory_space<hbm>> -> memref<2048xf32, #tpu.memory_space<hbm>>
      %dma_start3A_140 = tpu.memref_slice %arg5[%mul3A_121] : memref<100352xf32, #tpu.memory_space<hbm>> -> memref<2048xf32, #tpu.memory_space<hbm>>
      tpu.enqueue_dma source(%dma_start3A_140 : memref<2048xf32, #tpu.memory_space<hbm>>) target(%arg16 : memref<2048xf32, #tpu.memory_space<vmem>>) target_semaphore(%run_scoped3A : memref<!tpu.dma_semaphore, #tpu.memory_space<semaphore_mem>>)
      %dma_wait3A_141 = tpu.memref_slice %arg5[%mul3A_121] : memref<100352xf32, #tpu.memory_space<hbm>> -> memref<2048xf32, #tpu.memory_space<hbm>>
      %dma_wait3A_142 = tpu.memref_slice %arg5[%mul3A_121] : memref<100352xf32, #tpu.memory_space<hbm>> -> memref<2048xf32, #tpu.memory_space<hbm>>
      tpu.wait_dma2 semaphore(%run_scoped3A : memref<!tpu.dma_semaphore, #tpu.memory_space<semaphore_mem>>) src(%dma_wait3A_142 : memref<2048xf32, #tpu.memory_space<hbm>>) dst(%arg16 : memref<2048xf32, #tpu.memory_space<vmem>>)
      tpu.yield
    }) : () -> ()
    %parallel_loop3A_122 = arith.constant 0 : i32
    %parallel_loop3A_123 = arith.constant 2048 : i32
    %parallel_loop3A_124 = arith.constant 16 : i32
    scf.for %parallel_loop3A_139 = %parallel_loop3A_122 to %parallel_loop3A_123 step %parallel_loop3A_124  : i32 {
      %parallel_loop3A_140 = arith.index_cast %parallel_loop3A_139 : i32 to index
      %parallel_loop3A_141 = tpu.vector_load %arg19[%parallel_loop3A_140] {strides = array<i32>} : memref<2048xf32, #tpu.memory_space<vmem>>, vector<16xf32>,
      %parallel_loop3A_142 = arith.index_cast %parallel_loop3A_139 : i32 to index
      %parallel_loop3A_143 = tpu.vector_load %arg16[%parallel_loop3A_142] {strides = array<i32>} : memref<2048xf32, #tpu.memory_space<vmem>>, vector<16xf32>,
      %parallel_loop3A_144 = arith.mulf %parallel_loop3A_141, %parallel_loop3A_143 : vector<16xf32>
      %parallel_loop3A_145 = arith.index_cast %parallel_loop3A_139 : i32 to index
      %parallel_loop3A_146 = tpu.vector_load %arg19[%parallel_loop3A_145] {strides = array<i32>} : memref<2048xf32, #tpu.memory_space<vmem>>, vector<16xf32>,
      tpu.vector_store %arg19[%parallel_loop3A_145], %parallel_loop3A_144 {strides = array<i32>} : memref<2048xf32, #tpu.memory_space<vmem>>, vector<16xf32>,
    } {sc.loop_unroll_factor = 4 : i64, sc.parallel_access}
    "tpu.region"() ({
      %run_scoped3A = tpu.sem_alloc : memref<!tpu.dma_semaphore, #tpu.memory_space<semaphore_mem>>
      %dma_start3A_139 = arith.constant 0 : i32
      %dma_start3A_140 = tpu.memref_slice %arg8[%arg0, %dma_start3A_139] : memref<2x100352xf32, #tpu.memory_space<hbm>> -> memref<1x100352xf32, #tpu.memory_space<hbm>>
      %dma_start3A_141 = tpu.memref_squeeze %dma_start3A_140 : memref<1x100352xf32, #tpu.memory_space<hbm>> -> memref<100352xf32, #tpu.memory_space<hbm>>
      %dma_start3A_142 = tpu.memref_slice %dma_start3A_141[%mul3A_121] : memref<100352xf32, #tpu.memory_space<hbm>> -> memref<2048xf32, #tpu.memory_space<hbm>>
      %dma_start3A_143 = arith.constant 0 : i32
      %dma_start3A_144 = tpu.memref_slice %arg8[%arg0, %dma_start3A_143] : memref<2x100352xf32, #tpu.memory_space<hbm>> -> memref<1x100352xf32, #tpu.memory_space<hbm>>
      %dma_start3A_145 = tpu.memref_squeeze %dma_start3A_144 : memref<1x100352xf32, #tpu.memory_space<hbm>> -> memref<100352xf32, #tpu.memory_space<hbm>>
      %dma_start3A_146 = tpu.memref_slice %dma_start3A_145[%mul3A_121] : memref<100352xf32, #tpu.memory_space<hbm>> -> memref<2048xf32, #tpu.memory_space<hbm>>
      tpu.enqueue_dma source(%arg19 : memref<2048xf32, #tpu.memory_space<vmem>>) target(%dma_start3A_146 : memref<2048xf32, #tpu.memory_space<hbm>>) target_semaphore(%run_scoped3A : memref<!tpu.dma_semaphore, #tpu.memory_space<semaphore_mem>>)
      %dma_wait3A_147 = arith.constant 0 : i32
      %dma_wait3A_148 = tpu.memref_slice %arg8[%arg0, %dma_wait3A_147] : memref<2x100352xf32, #tpu.memory_space<hbm>> -> memref<1x100352xf32, #tpu.memory_space<hbm>>
      %dma_wait3A_149 = tpu.memref_squeeze %dma_wait3A_148 : memref<1x100352xf32, #tpu.memory_space<hbm>> -> memref<100352xf32, #tpu.memory_space<hbm>>
      %dma_wait3A_150 = tpu.memref_slice %dma_wait3A_149[%mul3A_121] : memref<100352xf32, #tpu.memory_space<hbm>> -> memref<2048xf32, #tpu.memory_space<hbm>>
      %dma_wait3A_151 = arith.constant 0 : i32
      %dma_wait3A_152 = tpu.memref_slice %arg8[%arg0, %dma_wait3A_151] : memref<2x100352xf32, #tpu.memory_space<hbm>> -> memref<1x100352xf32, #tpu.memory_space<hbm>>
      %dma_wait3A_153 = tpu.memref_squeeze %dma_wait3A_152 : memref<1x100352xf32, #tpu.memory_space<hbm>> -> memref<100352xf32, #tpu.memory_space<hbm>>
      %dma_wait3A_154 = tpu.memref_slice %dma_wait3A_153[%mul3A_121] : memref<100352xf32, #tpu.memory_space<hbm>> -> memref<2048xf32, #tpu.memory_space<hbm>>
      tpu.wait_dma2 semaphore(%run_scoped3A : memref<!tpu.dma_semaphore, #tpu.memory_space<semaphore_mem>>) src(%arg19 : memref<2048xf32, #tpu.memory_space<vmem>>) dst(%dma_wait3A_154 : memref<2048xf32, #tpu.memory_space<hbm>>)
      tpu.yield
    }) : () -> ()
    %mul3A_125 = arith.constant 3 : i32
    %mul3A_126 = arith.muli %arg1, %mul3A_125 : i32
    %add3A_127 = arith.constant 2 : i32
    %add3A_128 = arith.addi %mul3A_126, %add3A_127 : i32
    %mul3A_129 = arith.constant 2048 : i32
    %mul3A_130 = arith.muli %add3A_128, %mul3A_129 : i32
    "tpu.region"() ({
      %run_scoped3A = tpu.sem_alloc : memref<!tpu.dma_semaphore, #tpu.memory_space<semaphore_mem>>
      %dma_start3A_139 = tpu.memref_slice %arg22[%mul3A_130] : memref<100352xf32, #tpu.memory_space<vmem_shared>> -> memref<2048xf32, #tpu.memory_space<vmem_shared>>
      %dma_start3A_140 = tpu.memref_slice %arg22[%mul3A_130] : memref<100352xf32, #tpu.memory_space<vmem_shared>> -> memref<2048xf32, #tpu.memory_space<vmem_shared>>
      tpu.enqueue_dma source(%dma_start3A_140 : memref<2048xf32, #tpu.memory_space<vmem_shared>>) target(%arg19 : memref<2048xf32, #tpu.memory_space<vmem>>) target_semaphore(%run_scoped3A : memref<!tpu.dma_semaphore, #tpu.memory_space<semaphore_mem>>)
      %dma_wait3A_141 = tpu.memref_slice %arg22[%mul3A_130] : memref<100352xf32, #tpu.memory_space<vmem_shared>> -> memref<2048xf32, #tpu.memory_space<vmem_shared>>
      %dma_wait3A_142 = tpu.memref_slice %arg22[%mul3A_130] : memref<100352xf32, #tpu.memory_space<vmem_shared>> -> memref<2048xf32, #tpu.memory_space<vmem_shared>>
      tpu.wait_dma2 semaphore(%run_scoped3A : memref<!tpu.dma_semaphore, #tpu.memory_space<semaphore_mem>>) src(%dma_wait3A_142 : memref<2048xf32, #tpu.memory_space<vmem_shared>>) dst(%arg19 : memref<2048xf32, #tpu.memory_space<vmem>>)
      tpu.yield
    }) : () -> ()
    "tpu.region"() ({
      %run_scoped3A = tpu.sem_alloc : memref<!tpu.dma_semaphore, #tpu.memory_space<semaphore_mem>>
      %dma_start3A_139 = tpu.memref_slice %arg5[%mul3A_130] : memref<100352xf32, #tpu.memory_space<hbm>> -> memref<2048xf32, #tpu.memory_space<hbm>>
      %dma_start3A_140 = tpu.memref_slice %arg5[%mul3A_130] : memref<100352xf32, #tpu.memory_space<hbm>> -> memref<2048xf32, #tpu.memory_space<hbm>>
      tpu.enqueue_dma source(%dma_start3A_140 : memref<2048xf32, #tpu.memory_space<hbm>>) target(%arg16 : memref<2048xf32, #tpu.memory_space<vmem>>) target_semaphore(%run_scoped3A : memref<!tpu.dma_semaphore, #tpu.memory_space<semaphore_mem>>)
      %dma_wait3A_141 = tpu.memref_slice %arg5[%mul3A_130] : memref<100352xf32, #tpu.memory_space<hbm>> -> memref<2048xf32, #tpu.memory_space<hbm>>
      %dma_wait3A_142 = tpu.memref_slice %arg5[%mul3A_130] : memref<100352xf32, #tpu.memory_space<hbm>> -> memref<2048xf32, #tpu.memory_space<hbm>>
      tpu.wait_dma2 semaphore(%run_scoped3A : memref<!tpu.dma_semaphore, #tpu.memory_space<semaphore_mem>>) src(%dma_wait3A_142 : memref<2048xf32, #tpu.memory_space<hbm>>) dst(%arg16 : memref<2048xf32, #tpu.memory_space<vmem>>)
      tpu.yield
    }) : () -> ()
    %parallel_loop3A_131 = arith.constant 0 : i32
    %parallel_loop3A_132 = arith.constant 2048 : i32
    %parallel_loop3A_133 = arith.constant 16 : i32
    scf.for %parallel_loop3A_139 = %parallel_loop3A_131 to %parallel_loop3A_132 step %parallel_loop3A_133  : i32 {
      %parallel_loop3A_140 = arith.index_cast %parallel_loop3A_139 : i32 to index
      %parallel_loop3A_141 = tpu.vector_load %arg19[%parallel_loop3A_140] {strides = array<i32>} : memref<2048xf32, #tpu.memory_space<vmem>>, vector<16xf32>,
      %parallel_loop3A_142 = arith.index_cast %parallel_loop3A_139 : i32 to index
      %parallel_loop3A_143 = tpu.vector_load %arg16[%parallel_loop3A_142] {strides = array<i32>} : memref<2048xf32, #tpu.memory_space<vmem>>, vector<16xf32>,
      %parallel_loop3A_144 = arith.mulf %parallel_loop3A_141, %parallel_loop3A_143 : vector<16xf32>
      %parallel_loop3A_145 = arith.index_cast %parallel_loop3A_139 : i32 to index
      %parallel_loop3A_146 = tpu.vector_load %arg19[%parallel_loop3A_145] {strides = array<i32>} : memref<2048xf32, #tpu.memory_space<vmem>>, vector<16xf32>,
      tpu.vector_store %arg19[%parallel_loop3A_145], %parallel_loop3A_144 {strides = array<i32>} : memref<2048xf32, #tpu.memory_space<vmem>>, vector<16xf32>,
    } {sc.loop_unroll_factor = 4 : i64, sc.parallel_access}
    "tpu.region"() ({
      %run_scoped3A = tpu.sem_alloc : memref<!tpu.dma_semaphore, #tpu.memory_space<semaphore_mem>>
      %dma_start3A_139 = arith.constant 0 : i32
      %dma_start3A_140 = tpu.memref_slice %arg8[%arg0, %dma_start3A_139] : memref<2x100352xf32, #tpu.memory_space<hbm>> -> memref<1x100352xf32, #tpu.memory_space<hbm>>
      %dma_start3A_141 = tpu.memref_squeeze %dma_start3A_140 : memref<1x100352xf32, #tpu.memory_space<hbm>> -> memref<100352xf32, #tpu.memory_space<hbm>>
      %dma_start3A_142 = tpu.memref_slice %dma_start3A_141[%mul3A_130] : memref<100352xf32, #tpu.memory_space<hbm>> -> memref<2048xf32, #tpu.memory_space<hbm>>
      %dma_start3A_143 = arith.constant 0 : i32
      %dma_start3A_144 = tpu.memref_slice %arg8[%arg0, %dma_start3A_143] : memref<2x100352xf32, #tpu.memory_space<hbm>> -> memref<1x100352xf32, #tpu.memory_space<hbm>>
      %dma_start3A_145 = tpu.memref_squeeze %dma_start3A_144 : memref<1x100352xf32, #tpu.memory_space<hbm>> -> memref<100352xf32, #tpu.memory_space<hbm>>
      %dma_start3A_146 = tpu.memref_slice %dma_start3A_145[%mul3A_130] : memref<100352xf32, #tpu.memory_space<hbm>> -> memref<2048xf32, #tpu.memory_space<hbm>>
      tpu.enqueue_dma source(%arg19 : memref<2048xf32, #tpu.memory_space<vmem>>) target(%dma_start3A_146 : memref<2048xf32, #tpu.memory_space<hbm>>) target_semaphore(%run_scoped3A : memref<!tpu.dma_semaphore, #tpu.memory_space<semaphore_mem>>)
      %dma_wait3A_147 = arith.constant 0 : i32
      %dma_wait3A_148 = tpu.memref_slice %arg8[%arg0, %dma_wait3A_147] : memref<2x100352xf32, #tpu.memory_space<hbm>> -> memref<1x100352xf32, #tpu.memory_space<hbm>>
      %dma_wait3A_149 = tpu.memref_squeeze %dma_wait3A_148 : memref<1x100352xf32, #tpu.memory_space<hbm>> -> memref<100352xf32, #tpu.memory_space<hbm>>
      %dma_wait3A_150 = tpu.memref_slice %dma_wait3A_149[%mul3A_130] : memref<100352xf32, #tpu.memory_space<hbm>> -> memref<2048xf32, #tpu.memory_space<hbm>>
      %dma_wait3A_151 = arith.constant 0 : i32
      %dma_wait3A_152 = tpu.memref_slice %arg8[%arg0, %dma_wait3A_151] : memref<2x100352xf32, #tpu.memory_space<hbm>> -> memref<1x100352xf32, #tpu.memory_space<hbm>>
      %dma_wait3A_153 = tpu.memref_squeeze %dma_wait3A_152 : memref<1x100352xf32, #tpu.memory_space<hbm>> -> memref<100352xf32, #tpu.memory_space<hbm>>
      %dma_wait3A_154 = tpu.memref_slice %dma_wait3A_153[%mul3A_130] : memref<100352xf32, #tpu.memory_space<hbm>> -> memref<2048xf32, #tpu.memory_space<hbm>>
      tpu.wait_dma2 semaphore(%run_scoped3A : memref<!tpu.dma_semaphore, #tpu.memory_space<semaphore_mem>>) src(%arg19 : memref<2048xf32, #tpu.memory_space<vmem>>) dst(%dma_wait3A_154 : memref<2048xf32, #tpu.memory_space<hbm>>)
      tpu.yield
    }) : () -> ()
    %eq3A_134 = arith.constant 0 : i32
    %eq3A_135 = arith.cmpi eq, %arg1, %eq3A_134 : i32
    %convert_element_type3A_136 = arith.extui %eq3A_135 : i1 to i32
    %cond3A_137 = arith.constant 0 : i32
    %cond3A_138 = arith.cmpi ne, %convert_element_type3A_136, %cond3A_137 : i32
    scf.if %cond3A_138 {
      "tpu.region"() ({
        %run_scoped3A = tpu.sem_alloc : memref<!tpu.dma_semaphore, #tpu.memory_space<semaphore_mem>>
        %dma_start3A_142 = arith.constant 98304 : i32
        %dma_start3A_143 = tpu.memref_slice %arg22[%dma_start3A_142] : memref<100352xf32, #tpu.memory_space<vmem_shared>> -> memref<2048xf32, #tpu.memory_space<vmem_shared>>
        %dma_start3A_144 = arith.constant 98304 : i32
        %dma_start3A_145 = tpu.memref_slice %arg22[%dma_start3A_144] : memref<100352xf32, #tpu.memory_space<vmem_shared>> -> memref<2048xf32, #tpu.memory_space<vmem_shared>>
        tpu.enqueue_dma source(%dma_start3A_145 : memref<2048xf32, #tpu.memory_space<vmem_shared>>) target(%arg19 : memref<2048xf32, #tpu.memory_space<vmem>>) target_semaphore(%run_scoped3A : memref<!tpu.dma_semaphore, #tpu.memory_space<semaphore_mem>>)
        %dma_wait3A_146 = arith.constant 98304 : i32
        %dma_wait3A_147 = tpu.memref_slice %arg22[%dma_wait3A_146] : memref<100352xf32, #tpu.memory_space<vmem_shared>> -> memref<2048xf32, #tpu.memory_space<vmem_shared>>
        %dma_wait3A_148 = arith.constant 98304 : i32
        %dma_wait3A_149 = tpu.memref_slice %arg22[%dma_wait3A_148] : memref<100352xf32, #tpu.memory_space<vmem_shared>> -> memref<2048xf32, #tpu.memory_space<vmem_shared>>
        tpu.wait_dma2 semaphore(%run_scoped3A : memref<!tpu.dma_semaphore, #tpu.memory_space<semaphore_mem>>) src(%dma_wait3A_149 : memref<2048xf32, #tpu.memory_space<vmem_shared>>) dst(%arg19 : memref<2048xf32, #tpu.memory_space<vmem>>)
        tpu.yield
      }) : () -> ()
      "tpu.region"() ({
        %run_scoped3A = tpu.sem_alloc : memref<!tpu.dma_semaphore, #tpu.memory_space<semaphore_mem>>
        %dma_start3A_142 = arith.constant 98304 : i32
        %dma_start3A_143 = tpu.memref_slice %arg5[%dma_start3A_142] : memref<100352xf32, #tpu.memory_space<hbm>> -> memref<2048xf32, #tpu.memory_space<hbm>>
        %dma_start3A_144 = arith.constant 98304 : i32
        %dma_start3A_145 = tpu.memref_slice %arg5[%dma_start3A_144] : memref<100352xf32, #tpu.memory_space<hbm>> -> memref<2048xf32, #tpu.memory_space<hbm>>
        tpu.enqueue_dma source(%dma_start3A_145 : memref<2048xf32, #tpu.memory_space<hbm>>) target(%arg16 : memref<2048xf32, #tpu.memory_space<vmem>>) target_semaphore(%run_scoped3A : memref<!tpu.dma_semaphore, #tpu.memory_space<semaphore_mem>>)
        %dma_wait3A_146 = arith.constant 98304 : i32
        %dma_wait3A_147 = tpu.memref_slice %arg5[%dma_wait3A_146] : memref<100352xf32, #tpu.memory_space<hbm>> -> memref<2048xf32, #tpu.memory_space<hbm>>
        %dma_wait3A_148 = arith.constant 98304 : i32
        %dma_wait3A_149 = tpu.memref_slice %arg5[%dma_wait3A_148] : memref<100352xf32, #tpu.memory_space<hbm>> -> memref<2048xf32, #tpu.memory_space<hbm>>
        tpu.wait_dma2 semaphore(%run_scoped3A : memref<!tpu.dma_semaphore, #tpu.memory_space<semaphore_mem>>) src(%dma_wait3A_149 : memref<2048xf32, #tpu.memory_space<hbm>>) dst(%arg16 : memref<2048xf32, #tpu.memory_space<vmem>>)
        tpu.yield
      }) : () -> ()
      %parallel_loop3A_139 = arith.constant 0 : i32
      %parallel_loop3A_140 = arith.constant 2048 : i32
      %parallel_loop3A_141 = arith.constant 16 : i32
      scf.for %parallel_loop3A_142 = %parallel_loop3A_139 to %parallel_loop3A_140 step %parallel_loop3A_141  : i32 {
        %parallel_loop3A_143 = arith.index_cast %parallel_loop3A_142 : i32 to index
        %parallel_loop3A_144 = tpu.vector_load %arg19[%parallel_loop3A_143] {strides = array<i32>} : memref<2048xf32, #tpu.memory_space<vmem>>, vector<16xf32>,
        %parallel_loop3A_145 = arith.index_cast %parallel_loop3A_142 : i32 to index
        %parallel_loop3A_146 = tpu.vector_load %arg16[%parallel_loop3A_145] {strides = array<i32>} : memref<2048xf32, #tpu.memory_space<vmem>>, vector<16xf32>,
        %parallel_loop3A_147 = arith.mulf %parallel_loop3A_144, %parallel_loop3A_146 : vector<16xf32>
        %parallel_loop3A_148 = arith.index_cast %parallel_loop3A_142 : i32 to index
        %parallel_loop3A_149 = tpu.vector_load %arg19[%parallel_loop3A_148] {strides = array<i32>} : memref<2048xf32, #tpu.memory_space<vmem>>, vector<16xf32>,
        tpu.vector_store %arg19[%parallel_loop3A_148], %parallel_loop3A_147 {strides = array<i32>} : memref<2048xf32, #tpu.memory_space<vmem>>, vector<16xf32>,
      } {sc.loop_unroll_factor = 4 : i64, sc.parallel_access}
      "tpu.region"() ({
        %run_scoped3A = tpu.sem_alloc : memref<!tpu.dma_semaphore, #tpu.memory_space<semaphore_mem>>
        %dma_start3A_142 = arith.constant 0 : i32
        %dma_start3A_143 = tpu.memref_slice %arg8[%arg0, %dma_start3A_142] : memref<2x100352xf32, #tpu.memory_space<hbm>> -> memref<1x100352xf32, #tpu.memory_space<hbm>>
        %dma_start3A_144 = tpu.memref_squeeze %dma_start3A_143 : memref<1x100352xf32, #tpu.memory_space<hbm>> -> memref<100352xf32, #tpu.memory_space<hbm>>
        %dma_start3A_145 = arith.constant 98304 : i32
        %dma_start3A_146 = tpu.memref_slice %dma_start3A_144[%dma_start3A_145] : memref<100352xf32, #tpu.memory_space<hbm>> -> memref<2048xf32, #tpu.memory_space<hbm>>
        %dma_start3A_147 = arith.constant 0 : i32
        %dma_start3A_148 = tpu.memref_slice %arg8[%arg0, %dma_start3A_147] : memref<2x100352xf32, #tpu.memory_space<hbm>> -> memref<1x100352xf32, #tpu.memory_space<hbm>>
        %dma_start3A_149 = tpu.memref_squeeze %dma_start3A_148 : memref<1x100352xf32, #tpu.memory_space<hbm>> -> memref<100352xf32, #tpu.memory_space<hbm>>
        %dma_start3A_150 = arith.constant 98304 : i32
        %dma_start3A_151 = tpu.memref_slice %dma_start3A_149[%dma_start3A_150] : memref<100352xf32, #tpu.memory_space<hbm>> -> memref<2048xf32, #tpu.memory_space<hbm>>
        tpu.enqueue_dma source(%arg19 : memref<2048xf32, #tpu.memory_space<vmem>>) target(%dma_start3A_151 : memref<2048xf32, #tpu.memory_space<hbm>>) target_semaphore(%run_scoped3A : memref<!tpu.dma_semaphore, #tpu.memory_space<semaphore_mem>>)
        %dma_wait3A_152 = arith.constant 0 : i32
        %dma_wait3A_153 = tpu.memref_slice %arg8[%arg0, %dma_wait3A_152] : memref<2x100352xf32, #tpu.memory_space<hbm>> -> memref<1x100352xf32, #tpu.memory_space<hbm>>
        %dma_wait3A_154 = tpu.memref_squeeze %dma_wait3A_153 : memref<1x100352xf32, #tpu.memory_space<hbm>> -> memref<100352xf32, #tpu.memory_space<hbm>>
        %dma_wait3A_155 = arith.constant 98304 : i32
        %dma_wait3A_156 = tpu.memref_slice %dma_wait3A_154[%dma_wait3A_155] : memref<100352xf32, #tpu.memory_space<hbm>> -> memref<2048xf32, #tpu.memory_space<hbm>>
        %dma_wait3A_157 = arith.constant 0 : i32
        %dma_wait3A_158 = tpu.memref_slice %arg8[%arg0, %dma_wait3A_157] : memref<2x100352xf32, #tpu.memory_space<hbm>> -> memref<1x100352xf32, #tpu.memory_space<hbm>>
        %dma_wait3A_159 = tpu.memref_squeeze %dma_wait3A_158 : memref<1x100352xf32, #tpu.memory_space<hbm>> -> memref<100352xf32, #tpu.memory_space<hbm>>
        %dma_wait3A_160 = arith.constant 98304 : i32
        %dma_wait3A_161 = tpu.memref_slice %dma_wait3A_159[%dma_wait3A_160] : memref<100352xf32, #tpu.memory_space<hbm>> -> memref<2048xf32, #tpu.memory_space<hbm>>
        tpu.wait_dma2 semaphore(%run_scoped3A : memref<!tpu.dma_semaphore, #tpu.memory_space<semaphore_mem>>) src(%arg19 : memref<2048xf32, #tpu.memory_space<vmem>>) dst(%dma_wait3A_161 : memref<2048xf32, #tpu.memory_space<hbm>>)
        tpu.yield
      }) : () -> ()
    } else {
    }
    return
  }
}

</mosaic_0001>

<sc_bundles>
// kernel: kernel.3.cloned.1.call-start
scs
__scs_entry_jumppad:
0x0: {  	(pc) =	sbr.rel $0x88, $3  }
0x1: {  	(tag) =	ssettag $0x0;
	lr =	simm.s32 $0x1  }
0x2: {  	[smem:$0x3F9D] =	sst lr;
	_ =	strace $0xD0000000  }
0x3: {  	_ = 	snop  }
0x4: {  	_ = 	snop  }
0x5: {  	_ = 	snop  }
0x6: {  	_ = 	snop  }
0x7: {  	_ = 	snop  }
__scs_overlays_trampoline_lowered:
0x8: {  	[smem:$0x3FAC] =	sst s0  }
0x9: {  	[smem:$0x3FAD] =	sst s1  }
0xa: {  	[smem:$0x3FAE] =	sst s2  }
0xb: {  	[smem:$0x3FAF] =	sst s3  }
0xc: {  	[smem:$0x3FB0] =	sst s4  }
0xd: {  	[smem:$0x3FB1] =	sst s5  }
0xe: {  	[smem:$0x3FB2] =	sst s6  }
0xf: {  	[smem:$0x3FB3] =	sst s7  }
0x10: {  	[smem:$0x3FB4] =	sst s8  }
0x11: {  	[smem:$0x3FB5] =	sst s9;
	s0 =	simm.s32 @!p0 $0x0  }
0x12: {  	s1 =	sld [smem:$0x3F9B];
	s0 =	simm.s32 @p0 $0x1  }
0x13: {  	[smem:$0x3FB6] =	sst s0;
	s0 =	simm.s32 @!p1 $0x0  }
0x14: {  	s2 =	sld [smem:$0x3F9A];
	s0 =	simm.s32 @p1 $0x1  }
0x15: {  	[smem:$0x3FB7] =	sst s0;
	s0 =	simm.s32 @!p2 $0x0  }
0x16: {  	s3 =	sld [smem:$0x3FDB];
	s0 =	simm.s32 @p2 $0x1  }
0x17: {  	s4 =	simm.s32 $0x1BF5;
	[smem:$0x3FB9] =	sst s0  }
0x18: {  	s0 =	sld [smem:$0x3F9C];
	_ =	swait.ge [sflag:s4], $0x0  }
0x19: {  	s7 =	sld [smem:$0x3F9D]  }
0x1a: {  	s8 =	sadd.s32 $0xFFFFE003, lr  }
0x1b: {  	s9 =	sadd.s32 $0xFFFFFEF7, lr;
	s5 =	simm.s32 $0xFFFFFFFF;
	p2 =	slt.u32 s8, $0xFFFFF086  }
0x1c: {  	p1 =	slt.u32 s9, $0xF7A;
	s5 =	simm.s32 @!p2 $0x0  }
0x1d: {  	s5 =	simm.s32 @p1 $0x1;
	p0 =	seq.s32 s7, s2  }
0x1e: {  	s7 =	smul.u32 @!p0 $0xF7A, s2;
	p2 =	seq.s32 @!p0 s5, $0x0  }
0x1f: {  	s9 =	smul.u32 $0xF7A, s1;
	s8 =	simm.s32 @!p0 $0x1BF5;
	p2 =	por !p2, p0  }
0x20: {  	[sflag:s8] =	ssyncset.s32 @!p0 $0xFFFFF086;
	s6 =	sadd.s32 @!p0 s3, s7;
	s7 =	simm.s32 @!p0 $0x108  }
0x21: {  	s3 =	sadd.s32 s3, s9;
	s6 =	sadd.s32 @!p0 $0x88, s6;
	s7 =	simm.s32 @p2 $0x1082  }
0x22: {  	[simem:s7], [sflag:s8] =	dma.local @!p0 [hbm:s6], $0xF7A  }
0x23: {  	s9 =	sor.u32 $0xD0000000, s2;
	s6 =	simm.s32 $0x108;
	_ =	swait.ge @!p0 [sflag:s8], $0x0  }
0x24: {  	s3 =	sadd.s32 $0x88, s3;
	s6 =	simm.s32 @!p1 $0x1082;
	[sflag:s4] =	ssyncset.s32 $0xFFFFF086  }
0x25: {  	[simem:s6], [sflag:s4] =	dma.local [hbm:s3], $0xF7A  }
0x26: {  	[smem:$0x3F9D] =	sst s1;
	(tag) =	ssettag s2;
	_ =	strace s9  }
0x27: {  	s1 =	sld [smem:$0x3FAD]  }
0x28: {  	s2 =	sld [smem:$0x3FAE]  }
0x29: {  	s4 =	sld [smem:$0x3FB0]  }
0x2a: {  	p0 =	seq.s32 s5, $0x0;
	s5 =	sld [smem:$0x3FB1]  }
0x2b: {  	s6 =	sld [smem:$0x3FB2]  }
0x2c: {  	s7 =	sld [smem:$0x3FB3]  }
0x2d: {  	s3 =	simm.s32 $0x108;
	s8 =	sld [smem:$0x3FB4]  }
0x2e: {  	s3 =	simm.s32 @!p0 $0x1082;
	s9 =	sld [smem:$0x3FB5]  }
0x2f: {  	lr =	sadd.s32 s0, s3;
	s0 =	sld [smem:$0x3FAC]  }
0x30: {  	s3 =	sld [smem:$0x3FAF]  }
0x31: {  	[smem:$0x3FB8] =	sst s10  }
0x32: {  	s10 =	sld [smem:$0x3FB6];
	_ =	sdelay $0x3  }
0x33: {  	p0 =	seq.s32 s10, $0x1;
	s10 =	sld [smem:$0x3FB8];
	_ =	sdelay $0x3  }
0x34: {  	[smem:$0x3FB8] =	sst s10  }
0x35: {  	s10 =	sld [smem:$0x3FB7];
	_ =	sdelay $0x3  }
0x36: {  	p1 =	seq.s32 s10, $0x1;
	s10 =	sld [smem:$0x3FB8];
	_ =	sdelay $0x3  }
0x37: {  	[smem:$0x3FB8] =	sst s10  }
0x38: {  	s10 =	sld [smem:$0x3FB9]  }
0x39: {  	_ = 	snop;
	(pc) =	sbr.ind lr, $3  }
0x3a: {  	_ = 	snop  }
0x3b: {  	_ = 	snop  }
0x3c: {  	p2 =	seq.s32 s10, $0x1;
	s10 =	sld [smem:$0x3FB8]  }
0x3d: {  	_ =	shalt  }
0x3e: {  	_ =	shalt  }
0x3f: {  	_ =	shalt  }
0x40: {  	_ =	shalt  }
0x41: {  	_ =	shalt  }
0x42: {  	_ =	shalt  }
0x43: {  	_ =	shalt  }
0x44: {  	_ =	shalt  }
0x45: {  	_ =	shalt  }
0x46: {  	_ =	shalt  }
0x47: {  	_ =	shalt  }
0x48: {  	_ =	shalt  }
0x49: {  	_ =	shalt  }
0x4a: {  	_ =	shalt  }
0x4b: {  	_ =	shalt  }
0x4c: {  	_ =	shalt  }
0x4d: {  	_ =	shalt  }
0x4e: {  	_ =	shalt  }
0x4f: {  	_ =	shalt  }
0x50: {  	_ =	shalt  }
0x51: {  	_ =	shalt  }
0x52: {  	_ =	shalt  }
0x53: {  	_ =	shalt  }
0x54: {  	_ =	shalt  }
0x55: {  	_ =	shalt  }
0x56: {  	_ =	shalt  }
0x57: {  	_ =	shalt  }
0x58: {  	_ =	shalt  }
0x59: {  	_ =	shalt  }
0x5a: {  	_ =	shalt  }
0x5b: {  	_ =	shalt  }
0x5c: {  	_ =	shalt  }
0x5d: {  	_ =	shalt  }
0x5e: {  	_ =	shalt  }
0x5f: {  	_ =	shalt  }
0x60: {  	_ =	shalt  }
0x61: {  	_ =	shalt  }
0x62: {  	_ =	shalt  }
0x63: {  	_ =	shalt  }
0x64: {  	_ =	shalt  }
0x65: {  	_ =	shalt  }
0x66: {  	_ =	shalt  }
0x67: {  	_ =	shalt  }
0x68: {  	_ =	shalt  }
0x69: {  	_ =	shalt  }
0x6a: {  	_ =	shalt  }
0x6b: {  	_ =	shalt  }
0x6c: {  	_ =	shalt  }
0x6d: {  	_ =	shalt  }
0x6e: {  	_ =	shalt  }
0x6f: {  	_ =	shalt  }
0x70: {  	_ =	shalt  }
0x71: {  	_ =	shalt  }
0x72: {  	_ =	shalt  }
0x73: {  	_ =	shalt  }
0x74: {  	_ =	shalt  }
0x75: {  	_ =	shalt  }
0x76: {  	_ =	shalt  }
0x77: {  	_ =	shalt  }
0x78: {  	_ =	shalt  }
0x79: {  	_ =	shalt  }
0x7a: {  	_ =	shalt  }
0x7b: {  	_ =	shalt  }
0x7c: {  	_ =	shalt  }
0x7d: {  	_ =	shalt  }
0x7e: {  	_ =	shalt  }
0x7f: {  	_ =	shalt  }
0x80: {  	_ =	shalt  }
0x81: {  	_ =	shalt  }
0x82: {  	_ =	shalt  }
0x83: {  	_ =	shalt  }
0x84: {  	_ =	shalt  }
0x85: {  	_ =	shalt  }
0x86: {  	_ =	shalt  }
0x87: {  	_ =	shalt  }
.Lfunc_end0:
.L_simem_size_0:
called_computation_lowered:
.L_overlay_start_0:
0x88: {  	s2 =	sld [smem:$0x3FD9]  }
0x89: {  	s3 =	sld [smem:$0x3FFE];
	_ =	sdelay $0x1  }
0x8a: {  	s1 =	srdreg.scid  }
0x8b: {  	s0 =	sand.u32 $0x1, s1  }
0x8c: {  	s17 =	sshll.u32 s0, $0xA;
	s2 =	sadd.s32 s3, s2  }
0x8d: {  	s2 =	sadd.s32 s2, s17  }
0x8e: {  	[smem:$0x3FC4] =	sst s2  }
0x8f: {  	_ = 	snop  }
0x90: {  	s2 =	sld [smem:$0x3FC8]  }
0x91: {  	s18 =	sld [smem:$0x3FC7]  }
0x92: {  	s4 =	sld [smem:$0x3FD0];
	(tm) =	ssettm $0x1  }
0x93: {  	s5 =	sld [smem:$0x3FFB];
	_ =	sdelay $0x3  }
0x94: {  	_ =	strace s5  }
0x95: {  	s5 =	sld [smem:$0x3FFC];
	_ =	sdelay $0x3  }
0x96: {  	_ =	strace s5  }
0x97: {  	s5 =	sld [smem:$0x3FFD];
	_ =	sdelay $0x3  }
0x98: {  	_ =	strace s5  }
0x99: {  	_ =	strace $0x8FFFFFFF  }
0x9a: {  	s19 =	sld [smem:$0x3FDB];
	_ =	sdelay $0x1  }
0x9b: {  	s6 =	simm.s32 $_scs_section_size  }
0x9c: {  	s7 =	simm.s32 $_size__tile_overlayer_lowered;
	s8 =	simm.s32 $_tile_overlayer_lowered  }
0x9d: {  	s22 =	simm.s32 $0x1BFF;
	s21 =	sshll.u32 s8, $0x1;
	s5 =	sadd.s32 s6, s19  }
0x9e: {  	s9 =	simm.s32 $0x0;
	s20 =	sshll.u32 s7, $0x1;
	s7 =	sadd.s32 s21, s5  }
0x9f: {  	[timem:s9], [sflag:s22] =	dma.local [hbm:s7], s20  }
0xa0: {  	_ =	swait.ge [sflag:s22], s20  }
0xa1: {  	s6 =	ssub.s32 $0x0, s20;
	[sflag:s22] =	ssyncset.done $0x0  }
0xa2: {  	[sflag:s22] =	ssyncadd.s32 s6;
	_ =	sdelay $0x1  }
0xa3: {  	s23 =	simm.s32 $0x1B8B  }
0xa4: {  	_ =	swait.ge [sflag:s23], $0x1  }
0xa5: {  	[sflag:s23] =	ssyncset.done $0x0  }
0xa6: {  	s25 =	simm.s32 $0x1B8E;
	s24 =	sld [smem:$0x3FFE];
	[sflag:s23] =	ssyncadd.s32 $0xFFFFFFFF  }
0xa7: {  	s26 =	simm.s32 $execute0_lowered;
	[smem:$0x3FD2] =	sst s25  }
0xa8: {  	s7 =	sshll.u32 s26, $0x1;
	_ =	strace $0x80000046;
	[dreg:$0x1] =	wrdreg $0xFFFFFFFF  }
0xa9: {  	s28 =	simm.s32 $_size_execute0_lowered;
	s5 =	sadd.s32 s5, s7;
	[dreg:$0x0] =	wrdreg $0x0  }
0xaa: {  	s7 =	sshll.u32 s28, $0x1;
	[dreg:$0x2] =	wrdreg s5  }
0xab: {  	[dreg:$0x3] =	wrdreg s7  }
0xac: {  	[dreg:$0x4] =	wrdreg $0xC0  }
0xad: {  	_ =	task [dreg:s9], $0x5FFFF  }
0xae: {  	[dreg:$0x1] =	wrdreg $0xFFFFFFFF  }
0xaf: {  	[dreg:$0x0] =	wrdreg $0x60  }
0xb0: {  	[dreg:$0x2] =	wrdreg s24  }
0xb1: {  	[dreg:$0x3] =	wrdreg s18  }
0xb2: {  	[dreg:$0x4] =	wrdreg s4  }
0xb3: {  	[dreg:$0x5] =	wrdreg s2  }
0xb4: {  	[dreg:$0x6] =	wrdreg $0x1E7000  }
0xb5: {  	[dreg:$0x7] =	wrdreg $0x9  }
0xb6: {  	_ =	task.clear_ibuf [dreg:s9], $0x8FFFF;
	_ =	strace $0x90000046  }
0xb7: {  	s29 =	simm.s32 $0x9;
	_ =	strace $0x80000048  }
0xb8: {  	_ =	swait.ge [sflag:s29], $0x1  }
0xb9: {  	[sflag:s29] =	ssyncadd.s32 $0xFFFFFFFF  }
0xba: {  	_ =	strace $0x90000048  }
0xbb: {  	_ =	sfence  }
0xbc: {  	s30 =	sld [smem:$0x0];
	_ =	sdelay $0x2  }
0xbd: {  	s31 =	sshll.u32 s1, $0xD;
	s1 =	sshrl.u32 s1, $0x2  }
0xbe: {  	s3 =	sand.u32 $0x4000, s31;
	s1 =	sadd.s32 s1, s30  }
0xbf: {  	s0 =	sor.u32 s3, s0;
	s1 =	sshll.u32 s1, $0x11  }
0xc0: {  	s0 =	sor.u32 s1, s0  }
0xc1: {  	s0 =	sadd.s32 $0x8F2B, s0  }
0xc2: {  	[sflag:s0] =	ssyncadd.remote.s32 $0x1  }
0xc3: {  	_ =	sfence.sel $0xFFFF  }
0xc4: {  	[dreg:$0x0] =	wrdreg $0xFFFFFFFF;
	(pc) =	sbr.abs _section_cstart, $3  }
0xc5: {  	[dreg:$0x1] =	wrdreg $0xFFFFFFFF  }
0xc6: {  	_ =	task.clear_ibuf [dreg:s9], $0x2FFFF;
	_ =	strace $0x9FFFFFFF  }
0xc7: {  	(tm) =	ssettm $0x7FFFFFFF  }
tec
execute0_lowered:
.L_overlay_start_1:
0x0: {  	(tag) =	ssettag $0x1  }
0x1: {  	s2 =	rddreg [dreg:$0x0]  }
0x2: {  	s0 =	rddreg [dreg:$0x1]  }
0x3: {  	s1 =	rddreg [dreg:$0x2];
	s4 =	srdreg.scid  }
0x4: {  	s7 =	stileid.u32;
	s3 =	rddreg [dreg:$0x4];
	s30 =	simm.s32 $0x1  }
0x5: {  	s31 =	simm.s32 $0x1B700;
	s10 =	sand.u32 $0x1, s4;
	s5 =	sshll.u32 s7, $0x1  }
0x6: {  	s4 =	simm.s32 $0x0;
	s6 =	sadd.s32 $0x600, s2;
	s11 =	sadd.s32 $0x187200, s2  }
0x7: {  	s28 =	smul.u32 $0x1800, s7;
	s5 =	sor.u32 s10, s5;
	[smem:$0x7FF] =	sst s4  }
0x8: {  	s17 =	sshll.u32 s10, $0x4;
	s10 =	ssub.s32 $0x2, s10;
	s8 =	smul.u32 $0xC35, s5  }
0x9: {  	_ =	strace $0x80000047;
	s5 =	sadd.s32 $0xC3C00, s2;
	[dreg:$0x6] =	wrdreg s11  }
0xa: {  	s2 =	sadd.s32 s17, s2;
	s18 =	sshrl.u32 s10, $0x1;
	s17 =	sadd.s32 $0x800, s28  }
0xb: {  	s10 =	ssub.s32 s10, s18;
	s9 =	sadd.s32 $0xC35, s8;
	s8 =	sshrl.u32 s8, $0x5  }
0xc: {  	s18 =	sshrl.u32 s17, $0x3;
	s9 =	sshrl.u32 s9, $0x5;
	s19 =	sshll.u32 s8, $0x8  }
0xd: {  	s12 =	ssub.s32 s9, s8;
	s14 =	sadd.s32 s5, s19;
	s15 =	sadd.s32 s6, s19  }
0xe: {  	s21 =	sadd.s32 $0x100, s19;
	s11 =	sadd.s32 s0, s19;
	[dreg:$0x7] =	wrdreg s14  }
0xf: {  	s19 =	sadd.s32 $0x1000, s28;
	s13 =	sshll.u32 s12, $0x10;
	[dreg:$0x8] =	wrdreg s15  }
0x10: {  	s20 =	smul.u32 $0xFFFFAAAB, s12;
	[dreg:$0x9] =	wrdreg s11;
	s22 =	sadd.s32 s5, s21  }
0x11: {  	p0 =	slt.s32 s12, $0xFFFFFFFF;
	s25 =	sadd.s32 s6, s21;
	[dreg:$0xa] =	wrdreg s22  }
0x12: {  	s12 =	simm.s32 $0x1;
	s29 =	sadd.s32 s0, s21;
	[dreg:$0xb] =	wrdreg s25  }
0x13: {  	s14 =	sshrl.u32 s28, $0x3;
	s21 =	sadd.s32 s17, s3;
	[dreg:$0xc] =	wrdreg s29  }
0x14: {  	s15 =	sadd.s32 $0x18A400, s2;
	s2 =	sshrl.u32 s17, $0x2;
	[dreg:$0x11] =	wrdreg s21  }
0x15: {  	s13 =	sadd.s32 $0x20000, s13;
	s22 =	sadd.s32 s19, s3;
	[dreg:$0xf] =	wrdreg s15  }
0x16: {  	s29 =	sadd.s32 $0x18000, s3;
	s21 =	simm.s32 $0x100;
	s13 =	sshra.s32 s13, $0x10  }
0x17: {  	s23 =	sadd.s32 $0xFFFF8000, s20;
	s20 =	sshrl.u32 s19, $0x3;
	[dreg:$0x13] =	wrdreg s22  }
0x18: {  	[dreg:$0x19] =	wrdreg s29;
	s13 =	smul.u32 $0x5556, s13;
	s11 =	sand.u32 $0xFFFF, s23  }
0x19: {  	s22 =	simm.s32 $0x0;
	s23 =	sshrl.u32 s19, $0x2;
	p1 =	sgt.u32 s11, $0x5554  }
0x1a: {  	s24 =	sshrl.u32 s13, $0x1F;
	s13 =	sshrl.u32 s13, $0x10;
	p0 =	por !p0, !p1  }
0x1b: {  	s19 =	simm.s32 $0x7;
	s13 =	sadd.s32 s24, s13;
	p0 =	por !p0, !p0  }
0x1c: {  	s24 =	smax.u32 s10, $0x1;
	s10 =	simm.s32 $0x2;
	s26 =	sshll.u32 s13, $0x10  }
0x1d: {  	s12 =	simm.s32 @!p0 $0x0;
	p0 =	sne.s32 s7, $0x0;
	s7 =	smul.u32 $0x600, s7  }
0x1e: {  	[dreg:$0x15] =	wrdreg s24;
	s24 =	simm.s32 $0x19F00;
	s13 =	simm.s32 $0x1AF00  }
0x1f: {  	s11 =	sshra.s32 s26, $0x10;
	s26 =	sadd.s32 s2, s15;
	s2 =	simm.s32 $0x800  }
0x20: {  	s16 =	ssub.s32 s11, s12;
	s12 =	sadd.s32 s28, s3;
	[dreg:$0x17] =	wrdreg s26  }
0x21: {  	s11 =	sadd.s32 s1, s14;
	s25 =	sadd.s32 s7, s15;
	[dreg:$0xd] =	wrdreg s12  }
0x22: {  	s28 =	sadd.s32 s23, s15;
	s7 =	simm.s32 $0x1CF00;
	[dreg:$0xe] =	wrdreg s11  }
.Ltmp0:
0x23: {  	s14 =	simm.s32 $0x1DF00;
	[dreg:$0x16] =	wrdreg s25;
	(pc) =	sbr.rel .LBB2_1-.Ltmp0, $4  }
0x24: {  	s11 =	sadd.s32 s1, s18;
	p1 =	slt.s32 s16, $0x1;
	[dreg:$0x18] =	wrdreg s28  }
0x25: {  	s12 =	simm.s32 $0x3;
	[dreg:$0x10] =	wrdreg s11;
	s11 =	sadd.s32 s1, s20  }
0x26: {  	s1 =	sadd.s32 $0x3000, s1;
	s20 =	simm.s32 $0x80;
	[dreg:$0x12] =	wrdreg s11  }
0x27: {  	[dreg:$0x14] =	wrdreg s1;
	s1 =	simm.s32 $0x1A700;
	s11 =	simm.s32 $0x1D700  }
.LBB2_25:
0x28: {  	s22 =	sadd.s32 $0x1, s22;
	s15 =	rddreg [dreg:$0x15]  }
0x29: {  	p2 =	sne.s32 s22, s15  }
.Ltmp1:
0x2a: {  	_ = 	snop;
	(pc) =	sbr.rel @!p2 .LBB2_26-.Ltmp1, $1  }
0x2b: {  	_ =	sdelay $0x3  }
.LBB2_1:
0x2c: {  	s15 =	rddreg [dreg:$0x7];
	s17 =	simm.s32 $0x18700  }
0x2d: {  	[tilespmem:s17], [sflag:$0x1] =	stream.linear.gather [hbm4b:s15+s4], $0x800, $0x38;
	[tilespmem:$0x1FF80] =	vst v63  }
0x2e: {  	s29 =	rddreg [dreg:$0x8]  }
0x2f: {  	[tilespmem:s24], [sflag:$0x1] =	stream.linear.gather [hbm4b:s29+s4], $0x800, $0x38;
	[tilespmem:$0x1FF80] =	vst v63  }
0x30: {  	s17 =	rddreg [dreg:$0x9]  }
0x31: {  	[tilespmem:s31], [sflag:$0x1] =	stream.linear.gather [hbm4b:s17+s4], $0x800, $0x38;
	[tilespmem:$0x1FF80] =	vst v63  }
0x32: {  	s18 =	rddreg [dreg:$0xa];
	s23 =	simm.s32 $0x18F00  }
0x33: {  	[tilespmem:s23], [sflag:$0x2] =	stream.linear.gather [hbm4b:s18+s4], $0x800, $0x38;
	[tilespmem:$0x1FF80] =	vst v63  }
0x34: {  	s25 =	rddreg [dreg:$0xb]  }
0x35: {  	[tilespmem:s1], [sflag:$0x2] =	stream.linear.gather [hbm4b:s25+s4], $0x800, $0x38;
	[tilespmem:$0x1FF80] =	vst v63  }
0x36: {  	s26 =	rddreg [dreg:$0xc];
	s28 =	simm.s32 $0x1BF00  }
0x37: {  	[tilespmem:s28], [sflag:$0x2] =	stream.linear.gather [hbm4b:s26+s4], $0x800, $0x38;
	[tilespmem:$0x1FF80] =	vst v63  }
0x38: {  	s29 =	rddreg [dreg:$0x3]  }
0x39: {  	[tilespmem:s4], [sflag:$0x7] =	stream.linear.gather [hbm4b:s29+s4], $0x18700, $0x38;
	[tilespmem:$0x1FF80] =	vst v63  }
0x3a: {  	_ =	swait.ge [sflag:s19], $0x18700  }
0x3b: {  	s15 =	sshrl.u32 @!p0 s3, $0x3;
	[sflag:s19] =	ssyncset.done $0x0  }
0x3c: {  	s17 =	simm.s32 @!p0 $0x1C07;
	s18 =	rddreg [dreg:$0x6];
	[sflag:s19] =	ssyncadd.s32 $0xFFFE7900  }
0x3d: {  	[spmem:s15], [sflag:s17] =	dma.local @!p0 [hbm:s18], $0x3100  }
0x3e: {  	s15 =	simm.s32 @!p0 $0x7  }
.Ltmp2:
0x3f: {  	_ =	swait.ge @!p0 [sflag:s15], $0x3100;
	(pc) =	sbr.rel @!p1 .LBB2_2-.Ltmp2, $4  }
0x40: {  	[sflag:s15] =	ssyncset.done @!p0 $0x0  }
0x41: {  	[sflag:s15] =	ssyncadd.s32 @!p0 $0xFFFFCF00  }
0x42: {  	[bflag:$0x0] =	sbarrier.arrive $0xFFFF  }
0x43: {  	s23 =	simm.s32 $0x0  }
.LBB2_15:
0x44: {  	s15 =	simm.s32 $0x4  }
0x45: {  	_ =	swait.ge [sflag:s15], $0x800  }
0x46: {  	[sflag:s15] =	ssyncset.done $0x0  }
0x47: {  	s25 =	simm.s32 $0x5;
	[sflag:s15] =	ssyncadd.s32 $0xFFFFF800  }
0x48: {  	_ =	swait.ge [sflag:s25], $0x800  }
0x49: {  	[sflag:s25] =	ssyncset.done $0x0  }
0x4a: {  	s26 =	simm.s32 $0x6;
	[sflag:s25] =	ssyncadd.s32 $0xFFFFF800  }
0x4b: {  	_ =	swait.ge [sflag:s26], $0x800  }
0x4c: {  	[sflag:s26] =	ssyncset.done $0x0  }
0x4d: {  	[sflag:s26] =	ssyncadd.s32 $0xFFFFF800  }
0x4e: {  	[bflag:$0x0] =	sbarrier.arrive $0xFFFF  }
0x4f: {  	s28 =	rddreg [dreg:$0xd]  }
0x50: {  	[tilespmem:s7], [sflag:$0x7] =	stream.linear.gather [spmem:s28], $0x800, $0x38;
	[tilespmem:$0x1FF80] =	vst v63  }
0x51: {  	_ =	swait.ge [sflag:s19], $0x800  }
0x52: {  	[sflag:s19] =	ssyncset.done $0x0  }
0x53: {  	s29 =	rddreg [dreg:$0xe];
	[sflag:s19] =	ssyncadd.s32 $0xFFFFF800  }
0x54: {  	[tilespmem:s31], [sflag:$0x7] =	stream.linear.gather [hbm4b:s29+s4], $0x800, $0x38;
	[tilespmem:$0x1FF80] =	vst v63  }
0x55: {  	_ =	swait.ge [sflag:s19], $0x800  }
0x56: {  	[sflag:s19] =	ssyncset.done $0x0  }
0x57: {  	s15 =	simm.s32 $0x1CF20;
	[sflag:s19] =	ssyncadd.s32 $0xFFFFF800  }
0x58: {  	s17 =	simm.s32 $0x1B720;
	v5 =	vld [tilespmem:s15+$0x10]  }
0x59: {  	v6 =	vld [tilespmem:s17+$0x10]  }
0x5a: {  	v2 =	vld [tilespmem:s17+$0xFFFFFFE0]  }
0x5b: {  	v0 =	vld [tilespmem:s15+$0xFFFFFFF0]  }
0x5c: {  	v4 =	vld [tilespmem:s17+$0xFFFFFFF0]  }
0x5d: {  	v1 =	vld [tilespmem:s15+$0x0]  }
0x5e: {  	v3 =	vld [tilespmem:s17+$0x0];
	v6 =	vmul.f32 v6, v5  }
0x5f: {  	s18 =	simm.s32 $0x0;
	s23 =	simm.s32 $0x1CF60;
	v5 =	vld [tilespmem:s15+$0xFFFFFFE0]  }
.LBB2_16:
0x60: {  	v7 =	vld [tilespmem:s23+$0x10];
	[tilespmem:s15+$0x10] =	vst v6;
	s17 =	sadd.s32 $0x40, s17  }
0x61: {  	s18 =	sadd.s32 $0x40, s18;
	v6 =	vld [tilespmem:s17+$0x10];
	v4 =	vmul.f32 v4, v0  }
0x62: {  	p2 =	slt.u32 s18, $0x7C0;
	v8 =	vld [tilespmem:s17+$0xFFFFFFE0]  }
.Ltmp3:
0x63: {  	v0 =	vld [tilespmem:s23+$0xFFFFFFF0];
	[tilespmem:s15+$0xFFFFFFF0] =	vst v4;
	v3 =	vmul.f32 v3, v1;
	(pc) =	sbr.rel @p2 .LBB2_16-.Ltmp3, $4  }
0x64: {  	v4 =	vld [tilespmem:s17+$0xFFFFFFF0];
	v9 =	vmul.f32 v2, v5  }
0x65: {  	v1 =	vld [tilespmem:s23+$0x0];
	[tilespmem:s15+$0x0] =	vst v3  }
0x66: {  	v3 =	vld [tilespmem:s17+$0x0];
	v6 =	vmul.f32 v6, v7;
	[tilespmem:s15+$0xFFFFFFE0] =	vst v9;
	s15 =	smov.u32 s23  }
0x67: {  	s23 =	sadd.s32 $0x40, s23;
	v5 =	vld [tilespmem:s15+$0xFFFFFFE0];
	v2 =	vmov v8  }
0x68: {  	_ =	sdelay $0x1  }
0x69: {  	v0 =	vmul.f32 v4, v0  }
0x6a: {  	[tilespmem:s15+$0x10] =	vst v6;
	v1 =	vmul.f32 v3, v1  }
0x6b: {  	[tilespmem:s15+$0xFFFFFFF0] =	vst v0;
	v0 =	vmul.f32 v2, v5  }
0x6c: {  	[tilespmem:s15+$0x0] =	vst v1  }
0x6d: {  	[tilespmem:s15+$0xFFFFFFE0] =	vst v0  }
0x6e: {  	s15 =	rddreg [dreg:$0x16]  }
0x6f: {  	[hbm4b:s15+s20] =	stream.strided.scatter [tilespmem:s7], [sflag:$0x7], $0x800, s21, s20, $0x38;
	[tilespmem:$0x1FF80] =	vst v63  }
0x70: {  	_ =	swait.ge [sflag:s19], $0x800  }
0x71: {  	[sflag:s19] =	ssyncset.done $0x0  }
0x72: {  	s28 =	rddreg [dreg:$0x11];
	[sflag:s19] =	ssyncadd.s32 $0xFFFFF800  }
0x73: {  	[tilespmem:s7], [sflag:$0x7] =	stream.linear.gather [spmem:s28], $0x800, $0x38;
	[tilespmem:$0x1FF80] =	vst v63  }
0x74: {  	_ =	swait.ge [sflag:s19], $0x800  }
0x75: {  	[sflag:s19] =	ssyncset.done $0x0  }
0x76: {  	s29 =	rddreg [dreg:$0x10];
	[sflag:s19] =	ssyncadd.s32 $0xFFFFF800  }
0x77: {  	[tilespmem:s31], [sflag:$0x7] =	stream.linear.gather [hbm4b:s29+s4], $0x800, $0x38;
	[tilespmem:$0x1FF80] =	vst v63  }
0x78: {  	_ =	swait.ge [sflag:s19], $0x800  }
0x79: {  	[sflag:s19] =	ssyncset.done $0x0  }
0x7a: {  	s15 =	simm.s32 $0x1CF20;
	[sflag:s19] =	ssyncadd.s32 $0xFFFFF800  }
0x7b: {  	s17 =	simm.s32 $0x1B720;
	v5 =	vld [tilespmem:s15+$0x10]  }
0x7c: {  	v6 =	vld [tilespmem:s17+$0x10]  }
0x7d: {  	v2 =	vld [tilespmem:s17+$0xFFFFFFE0]  }
0x7e: {  	v0 =	vld [tilespmem:s15+$0xFFFFFFF0]  }
0x7f: {  	v4 =	vld [tilespmem:s17+$0xFFFFFFF0]  }
0x80: {  	v1 =	vld [tilespmem:s15+$0x0]  }
0x81: {  	v3 =	vld [tilespmem:s17+$0x0];
	v6 =	vmul.f32 v6, v5  }
0x82: {  	s18 =	simm.s32 $0x0;
	s23 =	simm.s32 $0x1CF60;
	v5 =	vld [tilespmem:s15+$0xFFFFFFE0]  }
.LBB2_18:
0x83: {  	v7 =	vld [tilespmem:s23+$0x10];
	[tilespmem:s15+$0x10] =	vst v6;
	s17 =	sadd.s32 $0x40, s17  }
0x84: {  	s18 =	sadd.s32 $0x40, s18;
	v6 =	vld [tilespmem:s17+$0x10];
	v4 =	vmul.f32 v4, v0  }
0x85: {  	p2 =	slt.u32 s18, $0x7C0;
	v8 =	vld [tilespmem:s17+$0xFFFFFFE0]  }
.Ltmp4:
0x86: {  	v0 =	vld [tilespmem:s23+$0xFFFFFFF0];
	[tilespmem:s15+$0xFFFFFFF0] =	vst v4;
	v3 =	vmul.f32 v3, v1;
	(pc) =	sbr.rel @p2 .LBB2_18-.Ltmp4, $4  }
0x87: {  	v4 =	vld [tilespmem:s17+$0xFFFFFFF0];
	v9 =	vmul.f32 v2, v5  }
0x88: {  	v1 =	vld [tilespmem:s23+$0x0];
	[tilespmem:s15+$0x0] =	vst v3  }
0x89: {  	v3 =	vld [tilespmem:s17+$0x0];
	v6 =	vmul.f32 v6, v7;
	[tilespmem:s15+$0xFFFFFFE0] =	vst v9;
	s15 =	smov.u32 s23  }
0x8a: {  	s23 =	sadd.s32 $0x40, s23;
	v5 =	vld [tilespmem:s15+$0xFFFFFFE0];
	v2 =	vmov v8  }
0x8b: {  	_ =	sdelay $0x1  }
0x8c: {  	v0 =	vmul.f32 v4, v0  }
0x8d: {  	[tilespmem:s15+$0x10] =	vst v6;
	v1 =	vmul.f32 v3, v1  }
0x8e: {  	[tilespmem:s15+$0xFFFFFFF0] =	vst v0;
	v0 =	vmul.f32 v2, v5  }
0x8f: {  	[tilespmem:s15+$0x0] =	vst v1  }
0x90: {  	[tilespmem:s15+$0xFFFFFFE0] =	vst v0  }
0x91: {  	s15 =	rddreg [dreg:$0x17]  }
0x92: {  	[hbm4b:s15+s20] =	stream.strided.scatter [tilespmem:s7], [sflag:$0x7], $0x800, s21, s20, $0x38;
	[tilespmem:$0x1FF80] =	vst v63  }
0x93: {  	_ =	swait.ge [sflag:s19], $0x800  }
0x94: {  	[sflag:s19] =	ssyncset.done $0x0  }
0x95: {  	s28 =	rddreg [dreg:$0x13];
	[sflag:s19] =	ssyncadd.s32 $0xFFFFF800  }
0x96: {  	[tilespmem:s7], [sflag:$0x7] =	stream.linear.gather [spmem:s28], $0x800, $0x38;
	[tilespmem:$0x1FF80] =	vst v63  }
0x97: {  	_ =	swait.ge [sflag:s19], $0x800  }
0x98: {  	[sflag:s19] =	ssyncset.done $0x0  }
0x99: {  	s29 =	rddreg [dreg:$0x12];
	[sflag:s19] =	ssyncadd.s32 $0xFFFFF800  }
0x9a: {  	[tilespmem:s31], [sflag:$0x7] =	stream.linear.gather [hbm4b:s29+s4], $0x800, $0x38;
	[tilespmem:$0x1FF80] =	vst v63  }
0x9b: {  	_ =	swait.ge [sflag:s19], $0x800  }
0x9c: {  	[sflag:s19] =	ssyncset.done $0x0  }
0x9d: {  	s15 =	simm.s32 $0x1CF20;
	[sflag:s19] =	ssyncadd.s32 $0xFFFFF800  }
0x9e: {  	s17 =	simm.s32 $0x1B720;
	v5 =	vld [tilespmem:s15+$0x10]  }
0x9f: {  	v6 =	vld [tilespmem:s17+$0x10]  }
0xa0: {  	v2 =	vld [tilespmem:s17+$0xFFFFFFE0]  }
0xa1: {  	v0 =	vld [tilespmem:s15+$0xFFFFFFF0]  }
0xa2: {  	v4 =	vld [tilespmem:s17+$0xFFFFFFF0]  }
0xa3: {  	v1 =	vld [tilespmem:s15+$0x0]  }
0xa4: {  	v3 =	vld [tilespmem:s17+$0x0];
	v6 =	vmul.f32 v6, v5  }
0xa5: {  	s18 =	simm.s32 $0x0;
	s23 =	simm.s32 $0x1CF60;
	v5 =	vld [tilespmem:s15+$0xFFFFFFE0]  }
.LBB2_20:
0xa6: {  	v7 =	vld [tilespmem:s23+$0x10];
	[tilespmem:s15+$0x10] =	vst v6;
	s17 =	sadd.s32 $0x40, s17  }
0xa7: {  	s18 =	sadd.s32 $0x40, s18;
	v6 =	vld [tilespmem:s17+$0x10];
	v4 =	vmul.f32 v4, v0  }
0xa8: {  	p2 =	slt.u32 s18, $0x7C0;
	v8 =	vld [tilespmem:s17+$0xFFFFFFE0]  }
.Ltmp5:
0xa9: {  	v0 =	vld [tilespmem:s23+$0xFFFFFFF0];
	[tilespmem:s15+$0xFFFFFFF0] =	vst v4;
	v3 =	vmul.f32 v3, v1;
	(pc) =	sbr.rel @p2 .LBB2_20-.Ltmp5, $4  }
0xaa: {  	v4 =	vld [tilespmem:s17+$0xFFFFFFF0];
	v9 =	vmul.f32 v2, v5  }
0xab: {  	v1 =	vld [tilespmem:s23+$0x0];
	[tilespmem:s15+$0x0] =	vst v3  }
0xac: {  	v3 =	vld [tilespmem:s17+$0x0];
	v6 =	vmul.f32 v6, v7;
	[tilespmem:s15+$0xFFFFFFE0] =	vst v9;
	s15 =	smov.u32 s23  }
0xad: {  	s23 =	sadd.s32 $0x40, s23;
	v5 =	vld [tilespmem:s15+$0xFFFFFFE0];
	v2 =	vmov v8  }
0xae: {  	_ =	sdelay $0x1  }
0xaf: {  	v0 =	vmul.f32 v4, v0  }
0xb0: {  	[tilespmem:s15+$0x10] =	vst v6;
	v1 =	vmul.f32 v3, v1  }
0xb1: {  	[tilespmem:s15+$0xFFFFFFF0] =	vst v0;
	v63 =	vmul.f32 v2, v5  }
0xb2: {  	[tilespmem:s15+$0x0] =	vst v1  }
0xb3: {  	[tilespmem:s15+$0xFFFFFFE0] =	vst v63  }
.Ltmp6:
0xb4: {  	s15 =	rddreg [dreg:$0x18];
	(pc) =	sbr.rel @p0 .LBB2_25-.Ltmp6, $4  }
0xb5: {  	[hbm4b:s15+s20] =	stream.strided.scatter [tilespmem:s7], [sflag:$0x7], $0x800, s21, s20, $0x38;
	[tilespmem:$0x1FF80] =	vst v63  }
0xb6: {  	_ =	swait.ge [sflag:s19], $0x800  }
0xb7: {  	[sflag:s19] =	ssyncset.done $0x0  }
0xb8: {  	[sflag:s19] =	ssyncadd.s32 $0xFFFFF800  }
0xb9: {  	s15 =	rddreg [dreg:$0x19]  }
0xba: {  	[tilespmem:s7], [sflag:$0x7] =	stream.linear.gather [spmem:s15], $0x800, $0x38;
	[tilespmem:$0x1FF80] =	vst v63  }
0xbb: {  	_ =	swait.ge [sflag:s19], $0x800  }
0xbc: {  	[sflag:s19] =	ssyncset.done $0x0  }
0xbd: {  	s29 =	rddreg [dreg:$0x14];
	[sflag:s19] =	ssyncadd.s32 $0xFFFFF800  }
0xbe: {  	[tilespmem:s31], [sflag:$0x7] =	stream.linear.gather [hbm4b:s29+s4], $0x800, $0x38;
	[tilespmem:$0x1FF80] =	vst v63  }
0xbf: {  	_ =	swait.ge [sflag:s19], $0x800  }
0xc0: {  	[sflag:s19] =	ssyncset.done $0x0  }
0xc1: {  	s15 =	simm.s32 $0x1CF20;
	[sflag:s19] =	ssyncadd.s32 $0xFFFFF800  }
0xc2: {  	s17 =	simm.s32 $0x1B720;
	v5 =	vld [tilespmem:s15+$0x10]  }
0xc3: {  	v6 =	vld [tilespmem:s17+$0x10]  }
0xc4: {  	v2 =	vld [tilespmem:s17+$0xFFFFFFE0]  }
0xc5: {  	v0 =	vld [tilespmem:s15+$0xFFFFFFF0]  }
0xc6: {  	v4 =	vld [tilespmem:s17+$0xFFFFFFF0]  }
0xc7: {  	v1 =	vld [tilespmem:s15+$0x0]  }
0xc8: {  	v3 =	vld [tilespmem:s17+$0x0];
	v6 =	vmul.f32 v6, v5  }
0xc9: {  	s18 =	simm.s32 $0x0;
	s23 =	simm.s32 $0x1CF60;
	v5 =	vld [tilespmem:s15+$0xFFFFFFE0]  }
.LBB2_23:
0xca: {  	v7 =	vld [tilespmem:s23+$0x10];
	[tilespmem:s15+$0x10] =	vst v6;
	s17 =	sadd.s32 $0x40, s17  }
0xcb: {  	s18 =	sadd.s32 $0x40, s18;
	v6 =	vld [tilespmem:s17+$0x10];
	v4 =	vmul.f32 v4, v0  }
0xcc: {  	p2 =	slt.u32 s18, $0x7C0;
	v8 =	vld [tilespmem:s17+$0xFFFFFFE0]  }
.Ltmp7:
0xcd: {  	v0 =	vld [tilespmem:s23+$0xFFFFFFF0];
	[tilespmem:s15+$0xFFFFFFF0] =	vst v4;
	v3 =	vmul.f32 v3, v1;
	(pc) =	sbr.rel @p2 .LBB2_23-.Ltmp7, $4  }
0xce: {  	v4 =	vld [tilespmem:s17+$0xFFFFFFF0];
	v9 =	vmul.f32 v2, v5  }
0xcf: {  	v1 =	vld [tilespmem:s23+$0x0];
	[tilespmem:s15+$0x0] =	vst v3  }
0xd0: {  	v3 =	vld [tilespmem:s17+$0x0];
	v6 =	vmul.f32 v6, v7;
	[tilespmem:s15+$0xFFFFFFE0] =	vst v9;
	s15 =	smov.u32 s23  }
0xd1: {  	s23 =	sadd.s32 $0x40, s23;
	v5 =	vld [tilespmem:s15+$0xFFFFFFE0];
	v2 =	vmov v8  }
0xd2: {  	_ =	sdelay $0x1  }
0xd3: {  	v0 =	vmul.f32 v4, v0  }
0xd4: {  	[tilespmem:s15+$0x10] =	vst v6;
	v1 =	vmul.f32 v3, v1  }
0xd5: {  	[tilespmem:s15+$0xFFFFFFF0] =	vst v0;
	v63 =	vmul.f32 v2, v5  }
0xd6: {  	[tilespmem:s15+$0x0] =	vst v1  }
0xd7: {  	[tilespmem:s15+$0xFFFFFFE0] =	vst v63  }
0xd8: {  	s15 =	rddreg [dreg:$0xf]  }
.Ltmp8:
0xd9: {  	s15 =	sadd.s32 $0x6000, s15;
	(pc) =	sbr.rel .LBB2_25-.Ltmp8, $4  }
0xda: {  	[hbm4b:s15+s20] =	stream.strided.scatter [tilespmem:s7], [sflag:$0x7], $0x800, s21, s20, $0x38;
	[tilespmem:$0x1FF80] =	vst v63  }
0xdb: {  	_ =	swait.ge [sflag:s19], $0x800  }
0xdc: {  	[sflag:s19] =	ssyncset.done $0x0  }
0xdd: {  	[sflag:s19] =	ssyncadd.s32 $0xFFFFF800  }
.LBB2_14:
0xde: {  	s23 =	sadd.s32 $0x1, s23  }
0xdf: {  	p2 =	sne.s32 s23, s16  }
.Ltmp9:
0xe0: {  	_ = 	snop;
	(pc) =	sbr.rel @!p2 .LBB2_15-.Ltmp9, $1  }
0xe1: {  	_ =	sdelay $0x3  }
.LBB2_2:
0xe2: {  	s15 =	smul.u32 $0x3, s23;
	_ =	sdelay $0x1  }
0xe3: {  	s25 =	sadd.s32 s8, s15  }
0xe4: {  	p3 =	sge.u32 s25, s9  }
.Ltmp10:
0xe5: {  	_ = 	snop;
	(pc) =	sbr.rel @p3 .LBB2_6-.Ltmp10, $3  }
0xe6: {  	_ =	sdelay $0x1  }
0xe7: {  	s15 =	sadd.s32 $0x2, s25  }
0xe8: {  	p2 =	sge.u32 s15, s9  }
0xe9: {  	p3 =	seq.s32 @!p2 s23, $0x0  }
0xea: {  	p3 =	por p3, p2  }
0xeb: {  	s17 =	simm.s32 @!p3 $0x6  }
0xec: {  	s15 =	sshll.u32 @!p2 s15, $0x8;
	_ =	swait.ge @!p3 [sflag:s17], $0x800  }
0xed: {  	s18 =	simm.s32 @!p2 $0x0;
	s15 =	sand.u32 @!p2 $0x1FFFFF00, s15;
	[sflag:s17] =	ssyncset.done @!p3 $0x0  }
0xee: {  	s26 =	simm.s32 @!p2 $0x19700;
	[sflag:s17] =	ssyncadd.s32 @!p3 $0xFFFFF800;
	s17 =	sadd.s32 @!p2 s5, s15  }
0xef: {  	[tilespmem:s26], [sflag:$0x3] =	stream.linear.gather @!p2 [hbm4b:s17+s18], $0x800, $0x38;
	[tilespmem:$0x1FF80] =	vst v63  }
0xf0: {  	s17 =	sadd.s32 @!p2 s6, s15;
	s26 =	simm.s32 @!p2 $0x1AF00  }
0xf1: {  	[tilespmem:s26], [sflag:$0x3] =	stream.linear.gather @!p2 [hbm4b:s17+s18], $0x800, $0x38;
	[tilespmem:$0x1FF80] =	vst v63  }
0xf2: {  	s15 =	sadd.s32 @!p2 s0, s15;
	s17 =	simm.s32 @!p2 $0x1C700  }
0xf3: {  	[tilespmem:s17], [sflag:$0x3] =	stream.linear.gather @!p2 [hbm4b:s15+s18], $0x800, $0x38;
	[tilespmem:$0x1FF80] =	vst v63  }
0xf4: {  	_ =	swait.ge [sflag:s30], $0x800  }
0xf5: {  	[sflag:s30] =	ssyncset.done $0x0  }
0xf6: {  	[sflag:s30] =	ssyncadd.s32 $0xFFFFF800  }
0xf7: {  	_ =	swait.ge [sflag:s30], $0x800  }
0xf8: {  	[sflag:s30] =	ssyncset.done $0x0  }
0xf9: {  	[sflag:s30] =	ssyncadd.s32 $0xFFFFF800  }
0xfa: {  	_ =	swait.ge [sflag:s30], $0x800  }
0xfb: {  	[sflag:s30] =	ssyncset.done $0x0  }
0xfc: {  	s18 =	simm.s32 $0x18740;
	[sflag:s30] =	ssyncadd.s32 $0xFFFFF800  }
0xfd: {  	s26 =	simm.s32 $0x19F40;
	v0 =	vld [tilespmem:s18+$0x30]  }
0xfe: {  	v1 =	vld [tilespmem:s26+$0x30];
	_ =	sdelay $0x1  }
0xff: {  	v2 =	vld [tilespmem:s26+$0xFFFFFFC0]  }
0x100: {  	v3 =	vld [tilespmem:s18+$0xFFFFFFD0]  }
0x101: {  	v4 =	vld [tilespmem:s26+$0xFFFFFFD0]  }
0x102: {  	v5 =	vld [tilespmem:s18+$0xFFFFFFE0]  }
0x103: {  	v6 =	vld [tilespmem:s26+$0xFFFFFFE0]  }
0x104: {  	v0 =	vld.idx.msk [tilespmem:v0+s4+$0x0], $0xffff  }
0x105: {  	v1 =	vld.idx.msk [tilespmem:v1+s4+$0x0], $0xffff  }
0x106: {  	v7 =	vld [tilespmem:s18+$0xFFFFFFF0]  }
0x107: {  	v8 =	vld [tilespmem:s26+$0xFFFFFFF0]  }
0x108: {  	v9 =	vld [tilespmem:s18+$0x0]  }
0x109: {  	v10 =	vld [tilespmem:s26+$0x0]  }
0x10a: {  	v11 =	vld [tilespmem:s18+$0x10];
	v0 =	vmul.f32 v0, v0;
	v1 =	vmul.f32 v1, v1  }
0x10b: {  	v15 =	vld [tilespmem:s18+$0xFFFFFFC0]  }
0x10c: {  	v12 =	vld [tilespmem:s26+$0x10];
	v0 =	vadd.f32 v1, v0  }
0x10d: {  	v3 =	vld.idx.msk [tilespmem:v3+s4+$0x0], $0xffff  }
0x10e: {  	v4 =	vld.idx.msk [tilespmem:v4+s4+$0x0], $0xffff;
	v14 =	vshrl.u32 v0, $0x1;
	v0 =	vmul.f32 $5.000000000e-01, v0  }
0x10f: {  	v5 =	vld.idx.msk [tilespmem:v5+s4+$0x0], $0xffff;
	v14 =	vsub.s32 $0x5F3759DF, v14  }
0x110: {  	v6 =	vld.idx.msk [tilespmem:v6+s4+$0x0], $0xffff;
	v16 =	vmul.f32 v14, v0  }
0x111: {  	v2 =	vld.idx.msk [tilespmem:v2+s4+$0x0], $0xffff  }
0x112: {  	v8 =	vld.idx.msk [tilespmem:v8+s4+$0x0], $0xffff;
	v16 =	vmul.f32 v14, v16  }
0x113: {  	v15 =	vld.idx.msk [tilespmem:v15+s4+$0x0], $0xffff  }
0x114: {  	v13 =	vld [tilespmem:s26+$0x20];
	v3 =	vmul.f32 v3, v3;
	v4 =	vmul.f32 v4, v4;
	v16 =	vsub.f32 $1.500000000e+00, v16  }
0x115: {  	v7 =	vld.idx.msk [tilespmem:v7+s4+$0x0], $0xffff;
	v5 =	vmul.f32 v5, v5;
	v6 =	vmul.f32 v6, v6  }
0x116: {  	v2 =	vmul.f32 v2, v2;
	v1 =	vld [tilespmem:s18+$0x20];
	v14 =	vmul.f32 v14, v16  }
0x117: {  	v3 =	vadd.f32 v4, v3;
	v4 =	vld.idx.msk [tilespmem:v10+s4+$0x0], $0xffff;
	v5 =	vadd.f32 v6, v5;
	v6 =	vmul.f32 v8, v8  }
0x118: {  	s28 =	simm.s32 $0x1B740;
	v10 =	vld.idx.msk [tilespmem:v11+s4+$0x0], $0xffff;
	v8 =	vmul.f32 v15, v15;
	v0 =	vmul.f32 v14, v0  }
0x119: {  	v11 =	vshrl.u32 v3, $0x1;
	v3 =	vmul.f32 $5.000000000e-01, v3;
	v16 =	vld [tilespmem:s28+$0x30]  }
0x11a: {  	v9 =	vld.idx.msk [tilespmem:v9+s4+$0x0], $0xffff;
	v2 =	vadd.f32 v2, v8;
	v11 =	vsub.s32 $0x5F3759DF, v11;
	v0 =	vmul.f32 v0, v14  }
0x11b: {  	v8 =	vshrl.u32 v5, $0x1;
	v5 =	vmul.f32 $5.000000000e-01, v5;
	v18 =	vmul.f32 v11, v3  }
0x11c: {  	v12 =	vld.idx.msk [tilespmem:v12+s4+$0x0], $0xffff;
	v7 =	vmul.f32 v7, v7;
	v8 =	vsub.s32 $0x5F3759DF, v8;
	v0 =	vsub.f32 $1.500000000e+00, v0  }
0x11d: {  	v19 =	vmul.f32 v8, v5;
	v18 =	vmul.f32 v11, v18  }
0x11e: {  	v6 =	vadd.f32 v6, v7;
	v1 =	vld.idx.msk [tilespmem:v1+s4+$0x0], $0xffff;
	v7 =	vmul.f32 $7.071067690e-01, v16;
	v0 =	vmul.f32 v0, v14  }
0x11f: {  	v13 =	vld.idx.msk [tilespmem:v13+s4+$0x0], $0xffff;
	v9 =	vmul.f32 v9, v9;
	v4 =	vmul.f32 v4, v4;
	v18 =	vsub.f32 $1.500000000e+00, v18  }
0x120: {  	v19 =	vmul.f32 v8, v19;
	v0 =	vmul.f32 v0, v7  }
0x121: {  	v4 =	vadd.f32 v4, v9;
	v9 =	vmul.f32 v12, v12;
	v11 =	vmul.f32 v11, v18  }
0x122: {  	v7 =	vmul.f32 v10, v10;
	v12 =	vmul.f32 $7.810799780e-02, v0  }
0x123: {  	v1 =	vmul.f32 v1, v1;
	v14 =	vshrl.u32 v6, $0x1;
	v10 =	vshrl.u32 v2, $0x1  }
0x124: {  	v7 =	vadd.f32 v9, v7;
	v9 =	vmul.f32 v13, v13;
	v12 =	vadd.f32 $9.720000090e-04, v12  }
0x125: {  	v6 =	vmul.f32 $5.000000000e-01, v6;
	v2 =	vmul.f32 $5.000000000e-01, v2;
	v10 =	vsub.s32 $0x5F3759DF, v10  }
0x126: {  	v13 =	vshrl.u32 v4, $0x1;
	v1 =	vadd.f32 v9, v1;
	v9 =	vmul.f32 v12, v0  }
0x127: {  	v4 =	vmul.f32 $5.000000000e-01, v4;
	v17 =	vmul.f32 v10, v2;
	v13 =	vsub.s32 $0x5F3759DF, v13  }
0x128: {  	v15 =	vshrl.u32 v7, $0x1;
	v7 =	vmul.f32 $5.000000000e-01, v7;
	v9 =	vadd.f32 $2.303889990e-01, v9  }
0x129: {  	v21 =	vmul.f32 v13, v4;
	v17 =	vmul.f32 v10, v17  }
0x12a: {  	v15 =	vsub.s32 $0x5F3759DF, v15;
	v12 =	vsub.s32 $0x5F3759DF, v14;
	v9 =	vmul.f32 v9, v0  }
0x12b: {  	v14 =	vshrl.u32 v1, $0x1;
	v1 =	vmul.f32 $5.000000000e-01, v1;
	v22 =	vmul.f32 v15, v7  }
0x12c: {  	v17 =	vsub.f32 $1.500000000e+00, v17;
	v14 =	vsub.s32 $0x5F3759DF, v14;
	v9 =	vadd.f32 $2.783930000e-01, v9  }
0x12d: {  	v20 =	vmul.f32 v12, v6;
	v23 =	vmul.f32 v14, v1  }
0x12e: {  	v10 =	vmul.f32 v10, v17;
	v17 =	vsub.f32 $1.500000000e+00, v19;
	v0 =	vmul.f32 v9, v0  }
0x12f: {  	v9 =	vmul.f32 v12, v20;
	v20 =	vmul.f32 v13, v21  }
0x130: {  	v8 =	vmul.f32 v8, v17;
	v21 =	vmul.f32 v15, v22;
	v22 =	vadd.f32 $1.000000000e+00, v0  }
0x131: {  	v0 =	vmul.f32 v14, v23;
	v9 =	vsub.f32 $1.500000000e+00, v9;
	v19 =	vsub.f32 $1.500000000e+00, v20  }
0x132: {  	v17 =	vsub.f32 $1.500000000e+00, v21;
	v20 =	vmul.f32 v16, v16;
	v18 =	vmul.f32 v22, v16  }
0x133: {  	v0 =	vsub.f32 $1.500000000e+00, v0;
	v9 =	vmul.f32 v12, v9;
	v12 =	vmul.f32 v13, v19  }
0x134: {  	v13 =	vmul.f32 v15, v17;
	(erf) = vrcp.f32 v18  }
0x135: {  	v14 =	vmul.f32 v14, v0;
	v0 =	vmul.f32 v10, v2  }
0x136: {  	v2 =	vmul.f32 v11, v3;
	v3 =	vmul.f32 v8, v5  }
0x137: {  	v5 =	vmul.f32 v9, v6;
	v4 =	vmul.f32 v12, v4  }
0x138: {  	v6 =	vmul.f32 v13, v7;
	v0 =	vmul.f32 v0, v10  }
0x139: {  	v1 =	vmul.f32 v14, v1;
	v2 =	vmul.f32 v2, v11  }
0x13a: {  	v3 =	vmul.f32 v3, v8;
	v5 =	vmul.f32 v5, v9  }
0x13b: {  	v4 =	vmul.f32 v4, v12;
	v7 =	vsub.f32 $1.500000000e+00, v0;
	v2 =	vsub.f32 $1.500000000e+00, v2  }
0x13c: {  	v15 =	vmul.f32 v1, v14;
	v1 =	vmul.f32 $6.000000000e+00, v16;
	v3 =	vsub.f32 $1.500000000e+00, v3  }
0x13d: {  	v6 =	vmul.f32 v6, v13;
	v5 =	vsub.f32 $1.500000000e+00, v5;
	v19 =	vsub.f32 $1.500000000e+00, v4  }
0x13e: {  	v7 =	vmul.f32 v7, v10;
	v10 =	vsub.f32 $1.500000000e+01, v1;
	v11 =	vmul.f32 v2, v11;
	v2 =	vld [tilespmem:s28+$0xFFFFFFE0]  }
0x13f: {  	v6 =	vsub.f32 $1.500000000e+00, v6;
	v8 =	vmul.f32 v3, v8;
	v9 =	vmul.f32 v5, v9;
	v17 =	vpop (erf)  }
0x140: {  	v0 =	vld [tilespmem:s28+$0xFFFFFFC0];
	v10 =	vmul.f32 v10, v16;
	v18 =	vmul.f32 v17, v16  }
0x141: {  	v3 =	vld [tilespmem:s28+$0xFFFFFFF0];
	v15 =	vsub.f32 $1.500000000e+00, v15;
	v12 =	vmul.f32 v19, v12;
	v13 =	vmul.f32 v6, v13  }
0x142: {  	v16 =	vmul.f32 v20, v16;
	v10 =	vadd.f32 $-1.000000000e+01, v10;
	v4 =	vmul.f32 v18, v18  }
0x143: {  	v6 =	vld [tilespmem:s28+$0x20];
	v14 =	vmul.f32 v15, v14;
	v19 =	vmul.f32 $7.071067690e-01, v2  }
0x144: {  	v1 =	vld [tilespmem:s28+$0xFFFFFFD0];
	v10 =	vmul.f32 v10, v16;
	v18 =	vmul.f32 v4, v4  }
0x145: {  	v16 =	vmul.f32 $7.071067690e-01, v0;
	v8 =	vmul.f32 v8, v19;
	v4 =	vld [tilespmem:s28+$0x0]  }
0x146: {  	v5 =	vld [tilespmem:s28+$0x10];
	v17 =	vmul.f32 v17, v22;
	v20 =	vmul.f32 $7.071067690e-01, v3;
	v15 =	vsub.f32 $1.000000000e+00, v18  }
0x147: {  	v7 =	vmul.f32 v7, v16;
	v16 =	vmul.f32 $7.810799780e-02, v8  }
0x148: {  	v22 =	vmul.f32 $7.071067690e-01, v6;
	v10 =	vadd.f32 $1.000000000e+00, v10;
	v15 =	vmul.f32 $1.439964580e+01, v15  }
0x149: {  	v9 =	vmul.f32 v9, v20;
	v18 =	vmul.f32 $7.071067690e-01, v1;
	v16 =	vadd.f32 $9.720000090e-04, v16  }
0x14a: {  	v23 =	vmul.f32 $7.071067690e-01, v4;
	v10 =	vmul.f32 v15, v10  }
0x14b: {  	v16 =	vmul.f32 v16, v8;
	v15 =	vmul.f32 $7.071067690e-01, v5  }
0x14c: {  	v21 =	vmul.f32 v10, v17;
	v10 =	vmul.f32 v11, v18  }
0x14d: {  	v11 =	vmul.f32 v12, v23;
	v12 =	vmul.f32 v13, v15  }
0x14e: {  	v16 =	vadd.f32 $2.303889990e-01, v16;
	v13 =	vmul.f32 v14, v22;
	v14 =	vmul.f32 $7.810799780e-02, v7  }
0x14f: {  	v35 =	vmul.f32 v1, v1;
	v17 =	vmul.f32 $7.810799780e-02, v9  }
0x150: {  	v16 =	vmul.f32 v16, v8;
	v15 =	vmul.f32 $7.810799780e-02, v10;
	v14 =	vadd.f32 $9.720000090e-04, v14  }
0x151: {  	v18 =	vmul.f32 $7.810799780e-02, v11;
	v19 =	vmul.f32 $7.810799780e-02, v12;
	v17 =	vadd.f32 $9.720000090e-04, v17  }
0x152: {  	v20 =	vmul.f32 $7.810799780e-02, v13;
	v16 =	vadd.f32 $2.783930000e-01, v16;
	v15 =	vadd.f32 $9.720000090e-04, v15  }
0x153: {  	v14 =	vmul.f32 v14, v7;
	v18 =	vadd.f32 $9.720000090e-04, v18;
	v19 =	vadd.f32 $9.720000090e-04, v19  }
0x154: {  	v20 =	vadd.f32 $9.720000090e-04, v20;
	v17 =	vmul.f32 v17, v9;
	v15 =	vmul.f32 v15, v10  }
0x155: {  	v8 =	vmul.f32 v16, v8;
	v14 =	vadd.f32 $2.303889990e-01, v14;
	v18 =	vmul.f32 v18, v11  }
0x156: {  	v19 =	vmul.f32 v19, v12;
	v17 =	vadd.f32 $2.303889990e-01, v17;
	v15 =	vadd.f32 $2.303889990e-01, v15  }
0x157: {  	v20 =	vmul.f32 v20, v13;
	v14 =	vmul.f32 v14, v7;
	v18 =	vadd.f32 $2.303889990e-01, v18  }
0x158: {  	v19 =	vadd.f32 $2.303889990e-01, v19;
	v17 =	vmul.f32 v17, v9;
	v15 =	vmul.f32 v15, v10  }
0x159: {  	v20 =	vadd.f32 $2.303889990e-01, v20;
	v14 =	vadd.f32 $2.783930000e-01, v14;
	v18 =	vmul.f32 v18, v11  }
0x15a: {  	v19 =	vmul.f32 v19, v12;
	v17 =	vadd.f32 $2.783930000e-01, v17;
	v15 =	vadd.f32 $2.783930000e-01, v15  }
0x15b: {  	v20 =	vmul.f32 v20, v13;
	v7 =	vmul.f32 v14, v7;
	v14 =	vadd.f32 $2.783930000e-01, v18  }
0x15c: {  	v16 =	vmul.f32 v17, v9;
	v10 =	vmul.f32 v15, v10;
	v15 =	vadd.f32 $2.783930000e-01, v19  }
0x15d: {  	v17 =	vadd.f32 $2.783930000e-01, v20;
	v9 =	vadd.f32 $1.000000000e+00, v7;
	v7 =	vmul.f32 v14, v11  }
0x15e: {  	v11 =	vadd.f32 $1.000000000e+00, v8;
	v14 =	vmul.f32 v15, v12;
	v12 =	vadd.f32 $1.000000000e+00, v10  }
0x15f: {  	v15 =	vmul.f32 v17, v13;
	v17 =	vmul.f32 v9, v0;
	v13 =	vadd.f32 $1.000000000e+00, v16  }
0x160: {  	v10 =	vadd.f32 $1.000000000e+00, v7;
	v16 =	vmul.f32 v12, v1;
	v8 =	vadd.f32 $1.000000000e+00, v14  }
0x161: {  	v7 =	vadd.f32 $1.000000000e+00, v15;
	v14 =	vmul.f32 v11, v2;
	v15 =	vmul.f32 v13, v3  }
0x162: {  	v18 =	vmul.f32 v10, v4;
	(erf) = vrcp.f32 v17  }
0x163: {  	v17 =	vmul.f32 $6.000000000e+00, v0;
	(erf) = vrcp.f32 v16  }
0x164: {  	v19 =	vmul.f32 v8, v5;
	(erf) = vrcp.f32 v14  }
0x165: {  	v16 =	vmul.f32 $6.000000000e+00, v1;
	v14 =	vsub.f32 $1.500000000e+01, v17;
	(erf) = vrcp.f32 v15  }
0x166: {  	(erf) = vrcp.f32 v18;
	v18 =	vmul.f32 $6.000000000e+00, v4  }
0x167: {  	v15 =	vsub.f32 $1.500000000e+01, v16;
	v16 =	vmul.f32 $6.000000000e+00, v3;
	v22 =	vmul.f32 v14, v0  }
0x168: {  	(erf) = vrcp.f32 v19;
	v19 =	vmul.f32 $6.000000000e+00, v5;
	v14 =	vsub.f32 $1.500000000e+01, v18  }
0x169: {  	v17 =	vmul.f32 $6.000000000e+00, v2;
	v16 =	vsub.f32 $1.500000000e+01, v16;
	v18 =	vmul.f32 $6.000000000e+00, v6  }
0x16a: {  	v20 =	vmul.f32 v7, v6;
	v23 =	vmul.f32 v15, v1;
	v15 =	vsub.f32 $1.500000000e+01, v19  }
0x16b: {  	v17 =	vsub.f32 $1.500000000e+01, v17;
	v25 =	vmul.f32 v16, v3;
	v16 =	vsub.f32 $1.500000000e+01, v18  }
0x16c: {  	(erf) = vrcp.f32 v20;
	v26 =	vmul.f32 v14, v4;
	v14 =	vpop (erf)  }
0x16d: {  	v24 =	vmul.f32 v17, v2;
	v17 =	vmul.f32 v14, v0  }
0x16e: {  	v34 =	vmul.f32 v2, v2;
	v27 =	vmul.f32 v15, v5;
	v15 =	vpop (erf)  }
0x16f: {  	v28 =	vmul.f32 v16, v6;
	v18 =	vmul.f32 v15, v1;
	v16 =	vpop (erf)  }
0x170: {  	v33 =	vmul.f32 v3, v3;
	v19 =	vmul.f32 v16, v2  }
0x171: {  	v29 =	vmul.f32 v17, v17;
	v38 =	vmul.f32 v18, v18;
	v17 =	vpop (erf)  }
0x172: {  	v39 =	vmul.f32 v19, v19;
	v20 =	vmul.f32 v17, v3  }
0x173: {  	v22 =	vadd.f32 $-1.000000000e+01, v22;
	v44 =	vmul.f32 v29, v29;
	v29 =	vmul.f32 v6, v6;
	v18 =	vpop (erf)  }
0x174: {  	v23 =	vadd.f32 $-1.000000000e+01, v23;
	v41 =	vmul.f32 v38, v38;
	v30 =	vmul.f32 v18, v4  }
0x175: {  	v24 =	vadd.f32 $-1.000000000e+01, v24;
	v19 =	vpop (erf);
	v40 =	vmul.f32 v39, v39;
	v42 =	vmul.f32 v20, v20  }
0x176: {  	v25 =	vadd.f32 $-1.000000000e+01, v25;
	v31 =	vmul.f32 v19, v5;
	v43 =	vmul.f32 v30, v30;
	v20 =	vpop (erf)  }
0x177: {  	v26 =	vadd.f32 $-1.000000000e+01, v26;
	v30 =	vmul.f32 v0, v0;
	v32 =	vmul.f32 v20, v6  }
0x178: {  	v27 =	vadd.f32 $-1.000000000e+01, v27;
	v36 =	vmul.f32 v31, v31;
	v31 =	vmul.f32 v4, v4  }
0x179: {  	s29 =	simm.s32 $0x1CF40;
	v28 =	vadd.f32 $-1.000000000e+01, v28;
	v39 =	vmul.f32 v42, v42;
	v37 =	vmul.f32 v32, v32  }
0x17a: {  	s15 =	simm.s32 $0x0;
	s17 =	simm.s32 $0x187C0;
	[tilespmem:s29+$0x30] =	vst v21;
	v21 =	vsub.f32 $1.000000000e+00, v44;
	v38 =	vmul.f32 v43, v43;
	v32 =	vmul.f32 v5, v5  }
.LBB2_4:
0x17b: {  	v42 =	vld [tilespmem:s17+$0x30];
	v41 =	vsub.f32 $1.000000000e+00, v41;
	v36 =	vmul.f32 v36, v36;
	v37 =	vmul.f32 v37, v37;
	s26 =	sadd.s32 $0x80, s26  }
0x17c: {  	s15 =	sadd.s32 $0x80, s15;
	v0 =	vmul.f32 v30, v0;
	v1 =	vmul.f32 v35, v1;
	v30 =	vsub.f32 $1.000000000e+00, v40;
	v43 =	vld [tilespmem:s26+$0x30]  }
0x17d: {  	v2 =	vmul.f32 v34, v2;
	v3 =	vmul.f32 v33, v3;
	p3 =	slt.u32 s15, $0x780;
	v34 =	vsub.f32 $1.000000000e+00, v39;
	v35 =	vld [tilespmem:s26+$0xFFFFFFC0]  }
0x17e: {  	v4 =	vmul.f32 v31, v4;
	v5 =	vmul.f32 v32, v5;
	v38 =	vsub.f32 $1.000000000e+00, v38;
	v33 =	vld [tilespmem:s17+$0xFFFFFFD0]  }
0x17f: {  	v6 =	vmul.f32 v29, v6;
	v32 =	vsub.f32 $1.000000000e+00, v36;
	v36 =	vsub.f32 $1.000000000e+00, v37;
	v31 =	vld [tilespmem:s26+$0xFFFFFFD0]  }
0x180: {  	v0 =	vmul.f32 v22, v0;
	v1 =	vmul.f32 v23, v1;
	v29 =	vld [tilespmem:s17+$0xFFFFFFE0]  }
0x181: {  	v2 =	vmul.f32 v24, v2;
	v3 =	vmul.f32 v25, v3;
	v22 =	vld [tilespmem:s26+$0xFFFFFFE0]  }
0x182: {  	v4 =	vmul.f32 v26, v4;
	v5 =	vmul.f32 v27, v5;
	v0 =	vadd.f32 $1.000000000e+00, v0;
	v23 =	vld [tilespmem:s17+$0xFFFFFFF0]  }
0x183: {  	v21 =	vmul.f32 $1.439964580e+01, v21;
	v6 =	vmul.f32 v28, v6;
	v1 =	vadd.f32 $1.000000000e+00, v1;
	v24 =	vld.idx.msk [tilespmem:v42+s4+$0x0], $0xffff  }
0x184: {  	v26 =	vmul.f32 $1.439964580e+01, v41;
	v27 =	vmul.f32 $1.439964580e+01, v30;
	v2 =	vadd.f32 $1.000000000e+00, v2;
	v25 =	vld.idx.msk [tilespmem:v43+s4+$0x0], $0xffff  }
0x185: {  	v30 =	vmul.f32 $1.439964580e+01, v34;
	v34 =	vmul.f32 $1.439964580e+01, v38;
	v3 =	vadd.f32 $1.000000000e+00, v3;
	v28 =	vld [tilespmem:s26+$0xFFFFFFF0]  }
0x186: {  	v4 =	vadd.f32 $1.000000000e+00, v4;
	v32 =	vmul.f32 $1.439964580e+01, v32;
	v36 =	vmul.f32 $1.439964580e+01, v36;
	v37 =	vld [tilespmem:s17+$0x0]  }
0x187: {  	v5 =	vadd.f32 $1.000000000e+00, v5;
	v6 =	vadd.f32 $1.000000000e+00, v6;
	v0 =	vmul.f32 v21, v0;
	v38 =	vld [tilespmem:s26+$0x0]  }
0x188: {  	v1 =	vmul.f32 v26, v1;
	v2 =	vmul.f32 v27, v2;
	v21 =	vld [tilespmem:s17+$0x10]  }
0x189: {  	v3 =	vmul.f32 v30, v3;
	v4 =	vmul.f32 v34, v4;
	v26 =	vld [tilespmem:s26+$0x10]  }
0x18a: {  	v24 =	vmul.f32 v24, v24;
	v25 =	vmul.f32 v25, v25;
	v27 =	vld [tilespmem:s17+$0x20]  }
0x18b: {  	v5 =	vmul.f32 v32, v5;
	v6 =	vmul.f32 v36, v6;
	v30 =	vld [tilespmem:s26+$0x20]  }
0x18c: {  	v9 =	vmul.f32 v14, v9;
	v12 =	vmul.f32 v15, v12;
	v24 =	vadd.f32 v25, v24;
	v32 =	vld [tilespmem:s17+$0xFFFFFFC0]  }
0x18d: {  	v11 =	vmul.f32 v16, v11;
	v13 =	vmul.f32 v17, v13;
	v14 =	vld.idx.msk [tilespmem:v35+s4+$0x0], $0xffff  }
0x18e: {  	v10 =	vmul.f32 v18, v10;
	v16 =	vshrl.u32 v24, $0x1;
	v17 =	vmul.f32 $5.000000000e-01, v24;
	v15 =	vld.idx.msk [tilespmem:v33+s4+$0x0], $0xffff  }
0x18f: {  	v8 =	vmul.f32 v19, v8;
	v7 =	vmul.f32 v20, v7;
	v16 =	vsub.s32 $0x5F3759DF, v16;
	v18 =	vld.idx.msk [tilespmem:v31+s4+$0x0], $0xffff  }
0x190: {  	v0 =	vmul.f32 v0, v9;
	v20 =	vmul.f32 v16, v17;
	v19 =	vld.idx.msk [tilespmem:v29+s4+$0x0], $0xffff  }
0x191: {  	v1 =	vmul.f32 v1, v12;
	v2 =	vmul.f32 v2, v11;
	v9 =	vld.idx.msk [tilespmem:v22+s4+$0x0], $0xffff  }
0x192: {  	v12 =	vmul.f32 v16, v20;
	v11 =	vld.idx.msk [tilespmem:v23+s4+$0x0], $0xffff;
	[tilespmem:s29+$0xFFFFFFC0] =	vst v0;
	v0 =	vmul.f32 v3, v13  }
0x193: {  	v3 =	vmul.f32 v14, v14;
	v13 =	vld.idx.msk [tilespmem:v28+s4+$0x0], $0xffff;
	[tilespmem:s29+$0xFFFFFFD0] =	vst v1;
	v1 =	vmul.f32 v4, v10  }
0x194: {  	v10 =	vmul.f32 v15, v15;
	v12 =	vsub.f32 $1.500000000e+00, v12;
	v4 =	vld.idx.msk [tilespmem:v32+s4+$0x0], $0xffff;
	[tilespmem:s29+$0xFFFFFFE0] =	vst v2;
	v2 =	vmul.f32 v5, v8  }
0x195: {  	v5 =	vmul.f32 v18, v18;
	v8 =	vld.idx.msk [tilespmem:v37+s4+$0x0], $0xffff;
	[tilespmem:s29+$0xFFFFFFF0] =	vst v0;
	v0 =	vmul.f32 v6, v7  }
0x196: {  	v6 =	vmul.f32 v19, v19;
	v12 =	vmul.f32 v16, v12;
	v14 =	vld.idx.msk [tilespmem:v38+s4+$0x0], $0xffff;
	[tilespmem:s29+$0x0] =	vst v1  }
0x197: {  	v1 =	vadd.f32 v5, v10;
	v5 =	vmul.f32 v9, v9;
	v9 =	vld.idx.msk [tilespmem:v21+s4+$0x0], $0xffff;
	[tilespmem:s29+$0x10] =	vst v2  }
0x198: {  	s28 =	sadd.s32 $0x80, s28;
	v2 =	vmul.f32 v11, v11;
	v11 =	vmul.f32 v12, v17;
	v10 =	vld.idx.msk [tilespmem:v26+s4+$0x0], $0xffff;
	[tilespmem:s29+$0x20] =	vst v0  }
0x199: {  	v0 =	vshrl.u32 v1, $0x1;
	v5 =	vadd.f32 v5, v6;
	v6 =	vmul.f32 v13, v13;
	v7 =	vld [tilespmem:s28+$0x30]  }
0x19a: {  	v4 =	vmul.f32 v4, v4;
	v13 =	vsub.s32 $0x5F3759DF, v0;
	v11 =	vmul.f32 v11, v12;
	v15 =	vld.idx.msk [tilespmem:v27+s4+$0x0], $0xffff  }
0x19b: {  	v16 =	vmul.f32 $5.000000000e-01, v1;
	v6 =	vadd.f32 v6, v2;
	v8 =	vmul.f32 v8, v8;
	v17 =	vld.idx.msk [tilespmem:v30+s4+$0x0], $0xffff  }
0x19c: {  	v3 =	vadd.f32 v3, v4;
	v4 =	vmul.f32 v14, v14;
	v11 =	vsub.f32 $1.500000000e+00, v11;
	v0 =	vld [tilespmem:s28+$0xFFFFFFC0]  }
0x19d: {  	v18 =	vmul.f32 $5.000000000e-01, v5;
	v14 =	vshrl.u32 v5, $0x1;
	v9 =	vmul.f32 v9, v9;
	v1 =	vld [tilespmem:s28+$0xFFFFFFD0]  }
0x19e: {  	v8 =	vadd.f32 v4, v8;
	v5 =	vmul.f32 v11, v12;
	v2 =	vld [tilespmem:s28+$0xFFFFFFE0];
	v11 =	vmul.f32 $7.071067690e-01, v7  }
0x19f: {  	v12 =	vshrl.u32 v3, $0x1;
	v19 =	vmul.f32 $5.000000000e-01, v3;
	v10 =	vmul.f32 v10, v10;
	v3 =	vld [tilespmem:s28+$0xFFFFFFF0]  }
0x1a0: {  	v20 =	vshrl.u32 v6, $0x1;
	v15 =	vmul.f32 v15, v15;
	v4 =	vld [tilespmem:s28+$0x0];
	v11 =	vmul.f32 v5, v11  }
0x1a1: {  	v21 =	vmul.f32 $5.000000000e-01, v6;
	v9 =	vadd.f32 v10, v9;
	v10 =	vmul.f32 v17, v17;
	v5 =	vld [tilespmem:s28+$0x10]  }
0x1a2: {  	v17 =	vshrl.u32 v8, $0x1;
	v8 =	vmul.f32 $5.000000000e-01, v8;
	v6 =	vld [tilespmem:s28+$0x20];
	v22 =	vmul.f32 $7.810799780e-02, v11  }
0x1a3: {  	v23 =	vshrl.u32 v9, $0x1;
	v9 =	vmul.f32 $5.000000000e-01, v9;
	v10 =	vadd.f32 v10, v15  }
0x1a4: {  	v14 =	vsub.s32 $0x5F3759DF, v14;
	v12 =	vsub.s32 $0x5F3759DF, v12;
	v15 =	vadd.f32 $9.720000090e-04, v22  }
0x1a5: {  	v20 =	vsub.s32 $0x5F3759DF, v20;
	v22 =	vshrl.u32 v10, $0x1;
	v10 =	vmul.f32 $5.000000000e-01, v10  }
0x1a6: {  	v17 =	vsub.s32 $0x5F3759DF, v17;
	v23 =	vsub.s32 $0x5F3759DF, v23;
	v15 =	vmul.f32 v15, v11  }
0x1a7: {  	v25 =	vmul.f32 v13, v16;
	v24 =	vmul.f32 v12, v19;
	v22 =	vsub.s32 $0x5F3759DF, v22  }
0x1a8: {  	v26 =	vmul.f32 v14, v18;
	v27 =	vmul.f32 v20, v21;
	v15 =	vadd.f32 $2.303889990e-01, v15  }
0x1a9: {  	v28 =	vmul.f32 v17, v8;
	v29 =	vmul.f32 v23, v9  }
0x1aa: {  	v30 =	vmul.f32 v22, v10;
	v15 =	vmul.f32 v15, v11  }
0x1ab: {  	v25 =	vmul.f32 v13, v25;
	v24 =	vmul.f32 v12, v24  }
0x1ac: {  	v26 =	vmul.f32 v14, v26;
	v27 =	vmul.f32 v20, v27;
	v15 =	vadd.f32 $2.783930000e-01, v15  }
0x1ad: {  	v24 =	vsub.f32 $1.500000000e+00, v24;
	v28 =	vmul.f32 v17, v28;
	v29 =	vmul.f32 v23, v29  }
0x1ae: {  	v25 =	vsub.f32 $1.500000000e+00, v25;
	v30 =	vmul.f32 v22, v30;
	v11 =	vmul.f32 v15, v11  }
0x1af: {  	v12 =	vmul.f32 v12, v24;
	v24 =	vsub.f32 $1.500000000e+00, v27;
	v15 =	vsub.f32 $1.500000000e+00, v26  }
0x1b0: {  	v13 =	vmul.f32 v13, v25;
	v25 =	vsub.f32 $1.500000000e+00, v28;
	v11 =	vadd.f32 $1.000000000e+00, v11  }
0x1b1: {  	v26 =	vsub.f32 $1.500000000e+00, v30;
	v14 =	vmul.f32 v14, v15;
	v15 =	vsub.f32 $1.500000000e+00, v29  }
0x1b2: {  	v20 =	vmul.f32 v20, v24;
	v24 =	vmul.f32 v11, v7  }
0x1b3: {  	v17 =	vmul.f32 v17, v25;
	v15 =	vmul.f32 v23, v15  }
0x1b4: {  	v22 =	vmul.f32 v22, v26;
	(erf) = vrcp.f32 v24  }
0x1b5: {  	v16 =	vmul.f32 v13, v16;
	v19 =	vmul.f32 v12, v19  }
0x1b6: {  	v21 =	vmul.f32 v20, v21;
	v18 =	vmul.f32 v14, v18  }
0x1b7: {  	v8 =	vmul.f32 v17, v8;
	v9 =	vmul.f32 v15, v9  }
0x1b8: {  	v19 =	vmul.f32 v19, v12;
	v10 =	vmul.f32 v22, v10  }
0x1b9: {  	v16 =	vmul.f32 v16, v13;
	v18 =	vmul.f32 v18, v14  }
0x1ba: {  	v21 =	vmul.f32 v21, v20;
	v8 =	vmul.f32 v8, v17;
	v24 =	vsub.f32 $1.500000000e+00, v19  }
0x1bb: {  	v16 =	vsub.f32 $1.500000000e+00, v16;
	v10 =	vmul.f32 v10, v22;
	v9 =	vmul.f32 v9, v15  }
0x1bc: {  	v21 =	vsub.f32 $1.500000000e+00, v21;
	v23 =	vmul.f32 $6.000000000e+00, v7;
	v18 =	vsub.f32 $1.500000000e+00, v18  }
0x1bd: {  	v8 =	vsub.f32 $1.500000000e+00, v8;
	v12 =	vmul.f32 v24, v12;
	v9 =	vsub.f32 $1.500000000e+00, v9;
	v19 =	vpop (erf)  }
0x1be: {  	v23 =	vsub.f32 $1.500000000e+01, v23;
	v10 =	vsub.f32 $1.500000000e+00, v10;
	v24 =	vmul.f32 v19, v7  }
0x1bf: {  	v13 =	vmul.f32 v16, v13;
	v16 =	vmul.f32 v7, v7  }
0x1c0: {  	v23 =	vmul.f32 v23, v7;
	v24 =	vmul.f32 v24, v24  }
0x1c1: {  	v14 =	vmul.f32 v18, v14;
	v18 =	vmul.f32 v21, v20  }
0x1c2: {  	v7 =	vmul.f32 v16, v7;
	v16 =	vadd.f32 $-1.000000000e+01, v23;
	v20 =	vmul.f32 v24, v24  }
0x1c3: {  	v8 =	vmul.f32 v8, v17;
	v9 =	vmul.f32 v9, v15  }
0x1c4: {  	v10 =	vmul.f32 v10, v22;
	v7 =	vmul.f32 v16, v7;
	v15 =	vsub.f32 $1.000000000e+00, v20  }
0x1c5: {  	v17 =	vmul.f32 $7.071067690e-01, v1;
	v16 =	vmul.f32 $7.071067690e-01, v0  }
0x1c6: {  	v7 =	vadd.f32 $1.000000000e+00, v7;
	v20 =	vmul.f32 $7.071067690e-01, v2;
	v15 =	vmul.f32 $1.439964580e+01, v15  }
0x1c7: {  	v21 =	vmul.f32 $7.071067690e-01, v3;
	v22 =	vmul.f32 $7.071067690e-01, v4  }
0x1c8: {  	v11 =	vmul.f32 v19, v11;
	v7 =	vmul.f32 v15, v7  }
0x1c9: {  	v19 =	vmul.f32 $7.071067690e-01, v6;
	v15 =	vmul.f32 $7.071067690e-01, v5  }
0x1ca: {  	v12 =	vmul.f32 v12, v16;
	v7 =	vmul.f32 v7, v11  }
0x1cb: {  	s29 =	sadd.s32 $0x80, s29;
	v11 =	vmul.f32 v13, v17;
	v13 =	vmul.f32 v14, v20  }
0x1cc: {  	v8 =	vmul.f32 v8, v22;
	v14 =	vmul.f32 v18, v21;
	[tilespmem:s29+$0x30] =	vst v7  }
0x1cd: {  	v10 =	vmul.f32 v10, v19;
	v7 =	vmul.f32 v9, v15  }
0x1ce: {  	v9 =	vmul.f32 $7.810799780e-02, v12;
	v15 =	vmul.f32 $7.810799780e-02, v11  }
0x1cf: {  	v16 =	vmul.f32 $7.810799780e-02, v13;
	v17 =	vmul.f32 $7.810799780e-02, v14  }
0x1d0: {  	v18 =	vmul.f32 $7.810799780e-02, v8;
	v9 =	vadd.f32 $9.720000090e-04, v9;
	v19 =	vmul.f32 $7.810799780e-02, v7  }
0x1d1: {  	v20 =	vmul.f32 $7.810799780e-02, v10;
	v15 =	vadd.f32 $9.720000090e-04, v15;
	v16 =	vadd.f32 $9.720000090e-04, v16  }
0x1d2: {  	v18 =	vadd.f32 $9.720000090e-04, v18;
	v17 =	vadd.f32 $9.720000090e-04, v17;
	v9 =	vmul.f32 v9, v12  }
0x1d3: {  	v20 =	vadd.f32 $9.720000090e-04, v20;
	v15 =	vmul.f32 v15, v11;
	v19 =	vadd.f32 $9.720000090e-04, v19  }
0x1d4: {  	v16 =	vmul.f32 v16, v13;
	v17 =	vmul.f32 v17, v14;
	v9 =	vadd.f32 $2.303889990e-01, v9  }
0x1d5: {  	v18 =	vmul.f32 v18, v8;
	v15 =	vadd.f32 $2.303889990e-01, v15;
	v19 =	vmul.f32 v19, v7  }
0x1d6: {  	v20 =	vmul.f32 v20, v10;
	v16 =	vadd.f32 $2.303889990e-01, v16;
	v17 =	vadd.f32 $2.303889990e-01, v17  }
0x1d7: {  	v18 =	vadd.f32 $2.303889990e-01, v18;
	v9 =	vmul.f32 v9, v12;
	v19 =	vadd.f32 $2.303889990e-01, v19  }
0x1d8: {  	v20 =	vadd.f32 $2.303889990e-01, v20;
	v15 =	vmul.f32 v15, v11;
	v16 =	vmul.f32 v16, v13  }
0x1d9: {  	v18 =	vmul.f32 v18, v8;
	v17 =	vmul.f32 v17, v14;
	v9 =	vadd.f32 $2.783930000e-01, v9  }
0x1da: {  	v20 =	vmul.f32 v20, v10;
	v15 =	vadd.f32 $2.783930000e-01, v15;
	v19 =	vmul.f32 v19, v7  }
0x1db: {  	v9 =	vmul.f32 v9, v12;
	v12 =	vadd.f32 $2.783930000e-01, v16;
	v16 =	vadd.f32 $2.783930000e-01, v17  }
0x1dc: {  	v11 =	vmul.f32 v15, v11;
	v15 =	vadd.f32 $2.783930000e-01, v18;
	v17 =	vadd.f32 $2.783930000e-01, v19  }
0x1dd: {  	v13 =	vmul.f32 v12, v13;
	v14 =	vmul.f32 v16, v14;
	v16 =	vadd.f32 $2.783930000e-01, v20  }
0x1de: {  	v9 =	vadd.f32 $1.000000000e+00, v9;
	v8 =	vmul.f32 v15, v8;
	v7 =	vmul.f32 v17, v7  }
0x1df: {  	v12 =	vadd.f32 $1.000000000e+00, v11;
	v11 =	vadd.f32 $1.000000000e+00, v13;
	v15 =	vmul.f32 v16, v10  }
0x1e0: {  	v16 =	vmul.f32 v9, v0;
	v13 =	vadd.f32 $1.000000000e+00, v14;
	v10 =	vadd.f32 $1.000000000e+00, v8  }
0x1e1: {  	v14 =	vmul.f32 v12, v1;
	v8 =	vadd.f32 $1.000000000e+00, v7;
	v7 =	vadd.f32 $1.000000000e+00, v15  }
0x1e2: {  	v15 =	vmul.f32 v11, v2;
	v17 =	vmul.f32 v13, v3  }
0x1e3: {  	v18 =	vmul.f32 v10, v4;
	v19 =	vmul.f32 v8, v5  }
0x1e4: {  	v20 =	vmul.f32 v7, v6;
	(erf) = vrcp.f32 v16  }
0x1e5: {  	v16 =	vmul.f32 $6.000000000e+00, v0;
	(erf) = vrcp.f32 v14  }
0x1e6: {  	v14 =	vmul.f32 $6.000000000e+00, v1;
	(erf) = vrcp.f32 v15  }
0x1e7: {  	v15 =	vsub.f32 $1.500000000e+01, v16;
	v16 =	vmul.f32 $6.000000000e+00, v2;
	(erf) = vrcp.f32 v17  }
0x1e8: {  	v14 =	vsub.f32 $1.500000000e+01, v14;
	v17 =	vmul.f32 $6.000000000e+00, v3;
	(erf) = vrcp.f32 v18  }
0x1e9: {  	v16 =	vsub.f32 $1.500000000e+01, v16;
	v18 =	vmul.f32 $6.000000000e+00, v4;
	(erf) = vrcp.f32 v19  }
0x1ea: {  	v17 =	vsub.f32 $1.500000000e+01, v17;
	v19 =	vmul.f32 $6.000000000e+00, v5;
	(erf) = vrcp.f32 v20  }
0x1eb: {  	v23 =	vmul.f32 v15, v0;
	v18 =	vsub.f32 $1.500000000e+01, v18;
	v20 =	vmul.f32 $6.000000000e+00, v6  }
0x1ec: {  	v21 =	vmul.f32 v14, v1;
	v24 =	vmul.f32 v16, v2;
	v27 =	vsub.f32 $1.500000000e+01, v19  }
0x1ed: {  	v19 =	vmul.f32 v17, v3;
	v26 =	vmul.f32 v18, v4;
	v28 =	vsub.f32 $1.500000000e+01, v20;
	v14 =	vpop (erf)  }
0x1ee: {  	v22 =	vadd.f32 $-1.000000000e+01, v23;
	v20 =	vmul.f32 v27, v5;
	v30 =	vmul.f32 v14, v0;
	v15 =	vpop (erf)  }
0x1ef: {  	v23 =	vadd.f32 $-1.000000000e+01, v21;
	v21 =	vmul.f32 v28, v6;
	v25 =	vmul.f32 v15, v1;
	v16 =	vpop (erf)  }
0x1f0: {  	v24 =	vadd.f32 $-1.000000000e+01, v24;
	v29 =	vmul.f32 v30, v30;
	v27 =	vmul.f32 v16, v2;
	v17 =	vpop (erf)  }
0x1f1: {  	v38 =	vmul.f32 v25, v25;
	v28 =	vmul.f32 v17, v3;
	v25 =	vadd.f32 $-1.000000000e+01, v19;
	v18 =	vpop (erf)  }
0x1f2: {  	v26 =	vadd.f32 $-1.000000000e+01, v26;
	v39 =	vmul.f32 v27, v27;
	v30 =	vmul.f32 v18, v4;
	v19 =	vpop (erf)  }
0x1f3: {  	v27 =	vadd.f32 $-1.000000000e+01, v20;
	v42 =	vmul.f32 v28, v28;
	v31 =	vmul.f32 v19, v5;
	v20 =	vpop (erf)  }
0x1f4: {  	v28 =	vadd.f32 $-1.000000000e+01, v21;
	v43 =	vmul.f32 v30, v30;
	v32 =	vmul.f32 v20, v6  }
0x1f5: {  	v30 =	vmul.f32 v0, v0;
	v36 =	vmul.f32 v31, v31  }
0x1f6: {  	v35 =	vmul.f32 v1, v1;
	v37 =	vmul.f32 v32, v32  }
.Ltmp11:
0x1f7: {  	v34 =	vmul.f32 v2, v2;
	v33 =	vmul.f32 v3, v3;
	(pc) =	sbr.rel @p3 .LBB2_4-.Ltmp11, $4  }
0x1f8: {  	v31 =	vmul.f32 v4, v4;
	v32 =	vmul.f32 v5, v5  }
0x1f9: {  	v21 =	vmul.f32 v29, v29;
	v29 =	vmul.f32 v6, v6  }
0x1fa: {  	v41 =	vmul.f32 v38, v38;
	v40 =	vmul.f32 v39, v39  }
0x1fb: {  	s17 =	sadd.s32 $0x80, s17;
	v21 =	vsub.f32 $1.000000000e+00, v21;
	v39 =	vmul.f32 v42, v42;
	v38 =	vmul.f32 v43, v43  }
0x1fc: {  	v36 =	vmul.f32 v36, v36;
	v37 =	vmul.f32 v37, v37  }
0x1fd: {  	v0 =	vmul.f32 v30, v0;
	v1 =	vmul.f32 v35, v1  }
0x1fe: {  	v2 =	vmul.f32 v34, v2;
	v3 =	vmul.f32 v33, v3  }
0x1ff: {  	v4 =	vmul.f32 v31, v4;
	v5 =	vmul.f32 v32, v5  }
0x200: {  	v6 =	vmul.f32 v29, v6;
	v9 =	vmul.f32 v14, v9  }
0x201: {  	v12 =	vmul.f32 v15, v12;
	v11 =	vmul.f32 v16, v11  }
0x202: {  	v41 =	vsub.f32 $1.000000000e+00, v41;
	v61 =	vmul.f32 v17, v13;
	v10 =	vmul.f32 v18, v10  }
0x203: {  	v52 =	vsub.f32 $1.000000000e+00, v40;
	v62 =	vmul.f32 v19, v8;
	v63 =	vmul.f32 v20, v7  }
0x204: {  	v53 =	vsub.f32 $1.000000000e+00, v39;
	v21 =	vmul.f32 $1.439964580e+01, v21;
	v0 =	vmul.f32 v22, v0  }
0x205: {  	v54 =	vsub.f32 $1.000000000e+00, v38;
	v1 =	vmul.f32 v23, v1;
	v2 =	vmul.f32 v24, v2  }
0x206: {  	v55 =	vsub.f32 $1.000000000e+00, v36;
	v3 =	vmul.f32 v25, v3;
	v4 =	vmul.f32 v26, v4  }
0x207: {  	v56 =	vsub.f32 $1.000000000e+00, v37;
	v5 =	vmul.f32 v27, v5;
	v6 =	vmul.f32 v28, v6  }
0x208: {  	v57 =	vmul.f32 $1.439964580e+01, v41;
	v58 =	vmul.f32 $1.439964580e+01, v52;
	v0 =	vadd.f32 $1.000000000e+00, v0  }
0x209: {  	v59 =	vmul.f32 $1.439964580e+01, v53;
	v60 =	vmul.f32 $1.439964580e+01, v54;
	v1 =	vadd.f32 $1.000000000e+00, v1  }
0x20a: {  	v2 =	vadd.f32 $1.000000000e+00, v2;
	v22 =	vmul.f32 $1.439964580e+01, v55;
	v0 =	vmul.f32 v21, v0  }
0x20b: {  	v3 =	vadd.f32 $1.000000000e+00, v3;
	v23 =	vmul.f32 $1.439964580e+01, v56;
	v1 =	vmul.f32 v57, v1  }
0x20c: {  	v4 =	vadd.f32 $1.000000000e+00, v4;
	v2 =	vmul.f32 v58, v2;
	v0 =	vmul.f32 v0, v9  }
0x20d: {  	v5 =	vadd.f32 $1.000000000e+00, v5;
	v3 =	vmul.f32 v59, v3;
	v1 =	vmul.f32 v1, v12  }
0x20e: {  	v6 =	vadd.f32 $1.000000000e+00, v6;
	v4 =	vmul.f32 v60, v4;
	v2 =	vmul.f32 v2, v11;
	[tilespmem:s29+$0xFFFFFFC0] =	vst v0  }
0x20f: {  	v5 =	vmul.f32 v22, v5;
	v3 =	vmul.f32 v3, v61;
	[tilespmem:s29+$0xFFFFFFD0] =	vst v1  }
0x210: {  	v6 =	vmul.f32 v23, v6;
	v4 =	vmul.f32 v4, v10;
	[tilespmem:s29+$0xFFFFFFE0] =	vst v2  }
0x211: {  	v0 =	vmul.f32 v5, v62;
	[tilespmem:s29+$0xFFFFFFF0] =	vst v3  }
0x212: {  	v1 =	vmul.f32 v6, v63;
	[tilespmem:s29+$0x0] =	vst v4  }
0x213: {  	[tilespmem:s29+$0x10] =	vst v0  }
0x214: {  	[tilespmem:s29+$0x20] =	vst v1  }
0x215: {  	[spmem:s3] =	stream.indirect.scatter.add.f32 [tilespmem:s7], [sflag:$0x4], $0x1, s24, s2, $0xb8;
	[tilespmem:$0x1FF80] =	vst v63  }
.LBB2_6:
0x216: {  	s26 =	sadd.s32 $0x1, s25  }
0x217: {  	p3 =	sge.u32 s26, s9  }
.Ltmp12:
0x218: {  	_ = 	snop;
	(pc) =	sbr.rel @p3 .LBB2_10-.Ltmp12, $1  }
0x219: {  	_ =	sdelay $0x3  }
0x21a: {  	s15 =	sadd.s32 $0x3, s25  }
0x21b: {  	p3 =	sge.u32 s15, s9  }
0x21c: {  	s17 =	simm.s32 @!p3 $0x4  }
0x21d: {  	s15 =	sshll.u32 @!p3 s15, $0x8;
	_ =	swait.ge @!p3 [sflag:s17], $0x800  }
0x21e: {  	s18 =	simm.s32 @!p3 $0x0;
	s15 =	sand.u32 @!p3 $0x1FFFFF00, s15;
	[sflag:s17] =	ssyncset.done @!p3 $0x0  }
0x21f: {  	s28 =	simm.s32 @!p3 $0x18700;
	[sflag:s17] =	ssyncadd.s32 @!p3 $0xFFFFF800;
	s17 =	sadd.s32 @!p3 s5, s15  }
0x220: {  	[tilespmem:s28], [sflag:$0x1] =	stream.linear.gather @!p3 [hbm4b:s17+s18], $0x800, $0x38;
	[tilespmem:$0x1FF80] =	vst v63  }
0x221: {  	s17 =	sadd.s32 @!p3 s6, s15;
	s28 =	simm.s32 @!p3 $0x19F00  }
0x222: {  	[tilespmem:s28], [sflag:$0x1] =	stream.linear.gather @!p3 [hbm4b:s17+s18], $0x800, $0x38;
	[tilespmem:$0x1FF80] =	vst v63  }
0x223: {  	s15 =	sadd.s32 @!p3 s0, s15;
	s17 =	simm.s32 @!p3 $0x1B700  }
0x224: {  	[tilespmem:s17], [sflag:$0x1] =	stream.linear.gather @!p3 [hbm4b:s15+s18], $0x800, $0x38;
	[tilespmem:$0x1FF80] =	vst v63  }
0x225: {  	_ =	swait.ge [sflag:s10], $0x800  }
0x226: {  	[sflag:s10] =	ssyncset.done $0x0  }
0x227: {  	[sflag:s10] =	ssyncadd.s32 $0xFFFFF800  }
0x228: {  	_ =	swait.ge [sflag:s10], $0x800  }
0x229: {  	[sflag:s10] =	ssyncset.done $0x0  }
0x22a: {  	[sflag:s10] =	ssyncadd.s32 $0xFFFFF800  }
0x22b: {  	_ =	swait.ge [sflag:s10], $0x800  }
0x22c: {  	[sflag:s10] =	ssyncset.done $0x0  }
0x22d: {  	s18 =	simm.s32 $0x18F40;
	[sflag:s10] =	ssyncadd.s32 $0xFFFFF800  }
0x22e: {  	s28 =	simm.s32 $0x1A740;
	v0 =	vld [tilespmem:s18+$0x30]  }
0x22f: {  	v1 =	vld [tilespmem:s28+$0x30];
	_ =	sdelay $0x1  }
0x230: {  	v2 =	vld [tilespmem:s28+$0xFFFFFFC0]  }
0x231: {  	v3 =	vld [tilespmem:s18+$0xFFFFFFD0]  }
0x232: {  	v4 =	vld [tilespmem:s28+$0xFFFFFFD0]  }
0x233: {  	v5 =	vld [tilespmem:s18+$0xFFFFFFE0]  }
0x234: {  	v6 =	vld [tilespmem:s28+$0xFFFFFFE0]  }
0x235: {  	v0 =	vld.idx.msk [tilespmem:v0+s4+$0x0], $0xffff  }
0x236: {  	v1 =	vld.idx.msk [tilespmem:v1+s4+$0x0], $0xffff  }
0x237: {  	v7 =	vld [tilespmem:s18+$0xFFFFFFF0]  }
0x238: {  	v8 =	vld [tilespmem:s28+$0xFFFFFFF0]  }
0x239: {  	v9 =	vld [tilespmem:s18+$0x0]  }
0x23a: {  	v10 =	vld [tilespmem:s28+$0x0]  }
0x23b: {  	v11 =	vld [tilespmem:s18+$0x10];
	v0 =	vmul.f32 v0, v0;
	v1 =	vmul.f32 v1, v1  }
0x23c: {  	v15 =	vld [tilespmem:s18+$0xFFFFFFC0]  }
0x23d: {  	v12 =	vld [tilespmem:s28+$0x10];
	v0 =	vadd.f32 v1, v0  }
0x23e: {  	v3 =	vld.idx.msk [tilespmem:v3+s4+$0x0], $0xffff  }
0x23f: {  	v4 =	vld.idx.msk [tilespmem:v4+s4+$0x0], $0xffff;
	v14 =	vshrl.u32 v0, $0x1;
	v0 =	vmul.f32 $5.000000000e-01, v0  }
0x240: {  	v5 =	vld.idx.msk [tilespmem:v5+s4+$0x0], $0xffff;
	v14 =	vsub.s32 $0x5F3759DF, v14  }
0x241: {  	v6 =	vld.idx.msk [tilespmem:v6+s4+$0x0], $0xffff;
	v16 =	vmul.f32 v14, v0  }
0x242: {  	v2 =	vld.idx.msk [tilespmem:v2+s4+$0x0], $0xffff  }
0x243: {  	v8 =	vld.idx.msk [tilespmem:v8+s4+$0x0], $0xffff;
	v16 =	vmul.f32 v14, v16  }
0x244: {  	v15 =	vld.idx.msk [tilespmem:v15+s4+$0x0], $0xffff  }
0x245: {  	v13 =	vld [tilespmem:s28+$0x20];
	v3 =	vmul.f32 v3, v3;
	v4 =	vmul.f32 v4, v4;
	v16 =	vsub.f32 $1.500000000e+00, v16  }
0x246: {  	v7 =	vld.idx.msk [tilespmem:v7+s4+$0x0], $0xffff;
	v5 =	vmul.f32 v5, v5;
	v6 =	vmul.f32 v6, v6  }
0x247: {  	v2 =	vmul.f32 v2, v2;
	v1 =	vld [tilespmem:s18+$0x20];
	v14 =	vmul.f32 v14, v16  }
0x248: {  	v3 =	vadd.f32 v4, v3;
	v4 =	vld.idx.msk [tilespmem:v10+s4+$0x0], $0xffff;
	v5 =	vadd.f32 v6, v5;
	v6 =	vmul.f32 v8, v8  }
0x249: {  	s29 =	simm.s32 $0x1BF40;
	v10 =	vld.idx.msk [tilespmem:v11+s4+$0x0], $0xffff;
	v8 =	vmul.f32 v15, v15;
	v0 =	vmul.f32 v14, v0  }
0x24a: {  	v11 =	vshrl.u32 v3, $0x1;
	v3 =	vmul.f32 $5.000000000e-01, v3;
	v16 =	vld [tilespmem:s29+$0x30]  }
0x24b: {  	v9 =	vld.idx.msk [tilespmem:v9+s4+$0x0], $0xffff;
	v2 =	vadd.f32 v2, v8;
	v11 =	vsub.s32 $0x5F3759DF, v11;
	v0 =	vmul.f32 v0, v14  }
0x24c: {  	v8 =	vshrl.u32 v5, $0x1;
	v5 =	vmul.f32 $5.000000000e-01, v5;
	v18 =	vmul.f32 v11, v3  }
0x24d: {  	v12 =	vld.idx.msk [tilespmem:v12+s4+$0x0], $0xffff;
	v7 =	vmul.f32 v7, v7;
	v8 =	vsub.s32 $0x5F3759DF, v8;
	v0 =	vsub.f32 $1.500000000e+00, v0  }
0x24e: {  	v19 =	vmul.f32 v8, v5;
	v18 =	vmul.f32 v11, v18  }
0x24f: {  	v6 =	vadd.f32 v6, v7;
	v1 =	vld.idx.msk [tilespmem:v1+s4+$0x0], $0xffff;
	v7 =	vmul.f32 $7.071067690e-01, v16;
	v0 =	vmul.f32 v0, v14  }
0x250: {  	v13 =	vld.idx.msk [tilespmem:v13+s4+$0x0], $0xffff;
	v9 =	vmul.f32 v9, v9;
	v4 =	vmul.f32 v4, v4;
	v18 =	vsub.f32 $1.500000000e+00, v18  }
0x251: {  	v19 =	vmul.f32 v8, v19;
	v0 =	vmul.f32 v0, v7  }
0x252: {  	v4 =	vadd.f32 v4, v9;
	v9 =	vmul.f32 v12, v12;
	v11 =	vmul.f32 v11, v18  }
0x253: {  	v7 =	vmul.f32 v10, v10;
	v12 =	vmul.f32 $7.810799780e-02, v0  }
0x254: {  	v1 =	vmul.f32 v1, v1;
	v14 =	vshrl.u32 v6, $0x1;
	v10 =	vshrl.u32 v2, $0x1  }
0x255: {  	v7 =	vadd.f32 v9, v7;
	v9 =	vmul.f32 v13, v13;
	v12 =	vadd.f32 $9.720000090e-04, v12  }
0x256: {  	v6 =	vmul.f32 $5.000000000e-01, v6;
	v2 =	vmul.f32 $5.000000000e-01, v2;
	v10 =	vsub.s32 $0x5F3759DF, v10  }
0x257: {  	v13 =	vshrl.u32 v4, $0x1;
	v1 =	vadd.f32 v9, v1;
	v9 =	vmul.f32 v12, v0  }
0x258: {  	v4 =	vmul.f32 $5.000000000e-01, v4;
	v17 =	vmul.f32 v10, v2;
	v13 =	vsub.s32 $0x5F3759DF, v13  }
0x259: {  	v15 =	vshrl.u32 v7, $0x1;
	v7 =	vmul.f32 $5.000000000e-01, v7;
	v9 =	vadd.f32 $2.303889990e-01, v9  }
0x25a: {  	v21 =	vmul.f32 v13, v4;
	v17 =	vmul.f32 v10, v17  }
0x25b: {  	v15 =	vsub.s32 $0x5F3759DF, v15;
	v12 =	vsub.s32 $0x5F3759DF, v14;
	v9 =	vmul.f32 v9, v0  }
0x25c: {  	v14 =	vshrl.u32 v1, $0x1;
	v1 =	vmul.f32 $5.000000000e-01, v1;
	v22 =	vmul.f32 v15, v7  }
0x25d: {  	v17 =	vsub.f32 $1.500000000e+00, v17;
	v14 =	vsub.s32 $0x5F3759DF, v14;
	v9 =	vadd.f32 $2.783930000e-01, v9  }
0x25e: {  	v20 =	vmul.f32 v12, v6;
	v23 =	vmul.f32 v14, v1  }
0x25f: {  	v10 =	vmul.f32 v10, v17;
	v17 =	vsub.f32 $1.500000000e+00, v19;
	v0 =	vmul.f32 v9, v0  }
0x260: {  	v9 =	vmul.f32 v12, v20;
	v20 =	vmul.f32 v13, v21  }
0x261: {  	v8 =	vmul.f32 v8, v17;
	v21 =	vmul.f32 v15, v22;
	v22 =	vadd.f32 $1.000000000e+00, v0  }
0x262: {  	v0 =	vmul.f32 v14, v23;
	v9 =	vsub.f32 $1.500000000e+00, v9;
	v19 =	vsub.f32 $1.500000000e+00, v20  }
0x263: {  	v17 =	vsub.f32 $1.500000000e+00, v21;
	v20 =	vmul.f32 v16, v16;
	v18 =	vmul.f32 v22, v16  }
0x264: {  	v0 =	vsub.f32 $1.500000000e+00, v0;
	v9 =	vmul.f32 v12, v9;
	v12 =	vmul.f32 v13, v19  }
0x265: {  	v13 =	vmul.f32 v15, v17;
	(erf) = vrcp.f32 v18  }
0x266: {  	v14 =	vmul.f32 v14, v0;
	v0 =	vmul.f32 v10, v2  }
0x267: {  	v2 =	vmul.f32 v11, v3;
	v3 =	vmul.f32 v8, v5  }
0x268: {  	v5 =	vmul.f32 v9, v6;
	v4 =	vmul.f32 v12, v4  }
0x269: {  	v6 =	vmul.f32 v13, v7;
	v0 =	vmul.f32 v0, v10  }
0x26a: {  	v1 =	vmul.f32 v14, v1;
	v2 =	vmul.f32 v2, v11  }
0x26b: {  	v3 =	vmul.f32 v3, v8;
	v5 =	vmul.f32 v5, v9  }
0x26c: {  	v4 =	vmul.f32 v4, v12;
	v7 =	vsub.f32 $1.500000000e+00, v0;
	v2 =	vsub.f32 $1.500000000e+00, v2  }
0x26d: {  	v15 =	vmul.f32 v1, v14;
	v1 =	vmul.f32 $6.000000000e+00, v16;
	v3 =	vsub.f32 $1.500000000e+00, v3  }
0x26e: {  	v6 =	vmul.f32 v6, v13;
	v5 =	vsub.f32 $1.500000000e+00, v5;
	v19 =	vsub.f32 $1.500000000e+00, v4  }
0x26f: {  	v7 =	vmul.f32 v7, v10;
	v10 =	vsub.f32 $1.500000000e+01, v1;
	v11 =	vmul.f32 v2, v11;
	v2 =	vld [tilespmem:s29+$0xFFFFFFE0]  }
0x270: {  	v6 =	vsub.f32 $1.500000000e+00, v6;
	v8 =	vmul.f32 v3, v8;
	v9 =	vmul.f32 v5, v9;
	v17 =	vpop (erf)  }
0x271: {  	v0 =	vld [tilespmem:s29+$0xFFFFFFC0];
	v10 =	vmul.f32 v10, v16;
	v18 =	vmul.f32 v17, v16  }
0x272: {  	v3 =	vld [tilespmem:s29+$0xFFFFFFF0];
	v15 =	vsub.f32 $1.500000000e+00, v15;
	v12 =	vmul.f32 v19, v12;
	v13 =	vmul.f32 v6, v13  }
0x273: {  	v16 =	vmul.f32 v20, v16;
	v10 =	vadd.f32 $-1.000000000e+01, v10;
	v4 =	vmul.f32 v18, v18  }
0x274: {  	v6 =	vld [tilespmem:s29+$0x20];
	v14 =	vmul.f32 v15, v14;
	v19 =	vmul.f32 $7.071067690e-01, v2  }
0x275: {  	v1 =	vld [tilespmem:s29+$0xFFFFFFD0];
	v10 =	vmul.f32 v10, v16;
	v18 =	vmul.f32 v4, v4  }
0x276: {  	v16 =	vmul.f32 $7.071067690e-01, v0;
	v8 =	vmul.f32 v8, v19;
	v4 =	vld [tilespmem:s29+$0x0]  }
0x277: {  	v5 =	vld [tilespmem:s29+$0x10];
	v17 =	vmul.f32 v17, v22;
	v20 =	vmul.f32 $7.071067690e-01, v3;
	v15 =	vsub.f32 $1.000000000e+00, v18  }
0x278: {  	v7 =	vmul.f32 v7, v16;
	v16 =	vmul.f32 $7.810799780e-02, v8  }
0x279: {  	v22 =	vmul.f32 $7.071067690e-01, v6;
	v10 =	vadd.f32 $1.000000000e+00, v10;
	v15 =	vmul.f32 $1.439964580e+01, v15  }
0x27a: {  	v9 =	vmul.f32 v9, v20;
	v18 =	vmul.f32 $7.071067690e-01, v1;
	v16 =	vadd.f32 $9.720000090e-04, v16  }
0x27b: {  	v23 =	vmul.f32 $7.071067690e-01, v4;
	v10 =	vmul.f32 v15, v10  }
0x27c: {  	v16 =	vmul.f32 v16, v8;
	v15 =	vmul.f32 $7.071067690e-01, v5  }
0x27d: {  	v21 =	vmul.f32 v10, v17;
	v10 =	vmul.f32 v11, v18  }
0x27e: {  	v11 =	vmul.f32 v12, v23;
	v12 =	vmul.f32 v13, v15  }
0x27f: {  	v16 =	vadd.f32 $2.303889990e-01, v16;
	v13 =	vmul.f32 v14, v22;
	v14 =	vmul.f32 $7.810799780e-02, v7  }
0x280: {  	v35 =	vmul.f32 v1, v1;
	v17 =	vmul.f32 $7.810799780e-02, v9  }
0x281: {  	v16 =	vmul.f32 v16, v8;
	v15 =	vmul.f32 $7.810799780e-02, v10;
	v14 =	vadd.f32 $9.720000090e-04, v14  }
0x282: {  	v18 =	vmul.f32 $7.810799780e-02, v11;
	v19 =	vmul.f32 $7.810799780e-02, v12;
	v17 =	vadd.f32 $9.720000090e-04, v17  }
0x283: {  	v20 =	vmul.f32 $7.810799780e-02, v13;
	v16 =	vadd.f32 $2.783930000e-01, v16;
	v15 =	vadd.f32 $9.720000090e-04, v15  }
0x284: {  	v14 =	vmul.f32 v14, v7;
	v18 =	vadd.f32 $9.720000090e-04, v18;
	v19 =	vadd.f32 $9.720000090e-04, v19  }
0x285: {  	v20 =	vadd.f32 $9.720000090e-04, v20;
	v17 =	vmul.f32 v17, v9;
	v15 =	vmul.f32 v15, v10  }
0x286: {  	v8 =	vmul.f32 v16, v8;
	v14 =	vadd.f32 $2.303889990e-01, v14;
	v18 =	vmul.f32 v18, v11  }
0x287: {  	v19 =	vmul.f32 v19, v12;
	v17 =	vadd.f32 $2.303889990e-01, v17;
	v15 =	vadd.f32 $2.303889990e-01, v15  }
0x288: {  	v20 =	vmul.f32 v20, v13;
	v14 =	vmul.f32 v14, v7;
	v18 =	vadd.f32 $2.303889990e-01, v18  }
0x289: {  	v19 =	vadd.f32 $2.303889990e-01, v19;
	v17 =	vmul.f32 v17, v9;
	v15 =	vmul.f32 v15, v10  }
0x28a: {  	v20 =	vadd.f32 $2.303889990e-01, v20;
	v14 =	vadd.f32 $2.783930000e-01, v14;
	v18 =	vmul.f32 v18, v11  }
0x28b: {  	v19 =	vmul.f32 v19, v12;
	v17 =	vadd.f32 $2.783930000e-01, v17;
	v15 =	vadd.f32 $2.783930000e-01, v15  }
0x28c: {  	v20 =	vmul.f32 v20, v13;
	v7 =	vmul.f32 v14, v7;
	v14 =	vadd.f32 $2.783930000e-01, v18  }
0x28d: {  	v16 =	vmul.f32 v17, v9;
	v10 =	vmul.f32 v15, v10;
	v15 =	vadd.f32 $2.783930000e-01, v19  }
0x28e: {  	v17 =	vadd.f32 $2.783930000e-01, v20;
	v9 =	vadd.f32 $1.000000000e+00, v7;
	v7 =	vmul.f32 v14, v11  }
0x28f: {  	v11 =	vadd.f32 $1.000000000e+00, v8;
	v14 =	vmul.f32 v15, v12;
	v12 =	vadd.f32 $1.000000000e+00, v10  }
0x290: {  	v15 =	vmul.f32 v17, v13;
	v17 =	vmul.f32 v9, v0;
	v13 =	vadd.f32 $1.000000000e+00, v16  }
0x291: {  	v10 =	vadd.f32 $1.000000000e+00, v7;
	v16 =	vmul.f32 v12, v1;
	v8 =	vadd.f32 $1.000000000e+00, v14  }
0x292: {  	v7 =	vadd.f32 $1.000000000e+00, v15;
	v14 =	vmul.f32 v11, v2;
	v15 =	vmul.f32 v13, v3  }
0x293: {  	v18 =	vmul.f32 v10, v4;
	(erf) = vrcp.f32 v17  }
0x294: {  	v17 =	vmul.f32 $6.000000000e+00, v0;
	(erf) = vrcp.f32 v16  }
0x295: {  	v19 =	vmul.f32 v8, v5;
	(erf) = vrcp.f32 v14  }
0x296: {  	v16 =	vmul.f32 $6.000000000e+00, v1;
	v14 =	vsub.f32 $1.500000000e+01, v17;
	(erf) = vrcp.f32 v15  }
0x297: {  	(erf) = vrcp.f32 v18;
	v18 =	vmul.f32 $6.000000000e+00, v4  }
0x298: {  	v15 =	vsub.f32 $1.500000000e+01, v16;
	v16 =	vmul.f32 $6.000000000e+00, v3;
	v22 =	vmul.f32 v14, v0  }
0x299: {  	(erf) = vrcp.f32 v19;
	v19 =	vmul.f32 $6.000000000e+00, v5;
	v14 =	vsub.f32 $1.500000000e+01, v18  }
0x29a: {  	v17 =	vmul.f32 $6.000000000e+00, v2;
	v16 =	vsub.f32 $1.500000000e+01, v16;
	v18 =	vmul.f32 $6.000000000e+00, v6  }
0x29b: {  	v20 =	vmul.f32 v7, v6;
	v23 =	vmul.f32 v15, v1;
	v15 =	vsub.f32 $1.500000000e+01, v19  }
0x29c: {  	v17 =	vsub.f32 $1.500000000e+01, v17;
	v25 =	vmul.f32 v16, v3;
	v16 =	vsub.f32 $1.500000000e+01, v18  }
0x29d: {  	(erf) = vrcp.f32 v20;
	v26 =	vmul.f32 v14, v4;
	v14 =	vpop (erf)  }
0x29e: {  	v24 =	vmul.f32 v17, v2;
	v17 =	vmul.f32 v14, v0  }
0x29f: {  	v34 =	vmul.f32 v2, v2;
	v27 =	vmul.f32 v15, v5;
	v15 =	vpop (erf)  }
0x2a0: {  	v28 =	vmul.f32 v16, v6;
	v18 =	vmul.f32 v15, v1;
	v16 =	vpop (erf)  }
0x2a1: {  	v33 =	vmul.f32 v3, v3;
	v19 =	vmul.f32 v16, v2  }
0x2a2: {  	v29 =	vmul.f32 v17, v17;
	v38 =	vmul.f32 v18, v18;
	v17 =	vpop (erf)  }
0x2a3: {  	v39 =	vmul.f32 v19, v19;
	v20 =	vmul.f32 v17, v3  }
0x2a4: {  	v22 =	vadd.f32 $-1.000000000e+01, v22;
	v44 =	vmul.f32 v29, v29;
	v29 =	vmul.f32 v6, v6;
	v18 =	vpop (erf)  }
0x2a5: {  	v23 =	vadd.f32 $-1.000000000e+01, v23;
	v41 =	vmul.f32 v38, v38;
	v30 =	vmul.f32 v18, v4  }
0x2a6: {  	v24 =	vadd.f32 $-1.000000000e+01, v24;
	v19 =	vpop (erf);
	v40 =	vmul.f32 v39, v39;
	v42 =	vmul.f32 v20, v20  }
0x2a7: {  	v25 =	vadd.f32 $-1.000000000e+01, v25;
	v31 =	vmul.f32 v19, v5;
	v43 =	vmul.f32 v30, v30;
	v20 =	vpop (erf)  }
0x2a8: {  	v26 =	vadd.f32 $-1.000000000e+01, v26;
	v30 =	vmul.f32 v0, v0;
	v32 =	vmul.f32 v20, v6  }
0x2a9: {  	v27 =	vadd.f32 $-1.000000000e+01, v27;
	v36 =	vmul.f32 v31, v31;
	v31 =	vmul.f32 v4, v4  }
0x2aa: {  	s15 =	simm.s32 $0x1D740;
	v28 =	vadd.f32 $-1.000000000e+01, v28;
	v39 =	vmul.f32 v42, v42;
	v37 =	vmul.f32 v32, v32  }
0x2ab: {  	s17 =	simm.s32 $0x0;
	s18 =	simm.s32 $0x18FC0;
	[tilespmem:s15+$0x30] =	vst v21;
	v21 =	vsub.f32 $1.000000000e+00, v44;
	v38 =	vmul.f32 v43, v43;
	v32 =	vmul.f32 v5, v5  }
.LBB2_8:
0x2ac: {  	v42 =	vld [tilespmem:s18+$0x30];
	v41 =	vsub.f32 $1.000000000e+00, v41;
	v36 =	vmul.f32 v36, v36;
	v37 =	vmul.f32 v37, v37;
	s28 =	sadd.s32 $0x80, s28  }
0x2ad: {  	s17 =	sadd.s32 $0x80, s17;
	v0 =	vmul.f32 v30, v0;
	v1 =	vmul.f32 v35, v1;
	v30 =	vsub.f32 $1.000000000e+00, v40;
	v43 =	vld [tilespmem:s28+$0x30]  }
0x2ae: {  	v2 =	vmul.f32 v34, v2;
	v3 =	vmul.f32 v33, v3;
	p3 =	slt.u32 s17, $0x780;
	v34 =	vsub.f32 $1.000000000e+00, v39;
	v35 =	vld [tilespmem:s28+$0xFFFFFFC0]  }
0x2af: {  	v4 =	vmul.f32 v31, v4;
	v5 =	vmul.f32 v32, v5;
	v38 =	vsub.f32 $1.000000000e+00, v38;
	v33 =	vld [tilespmem:s18+$0xFFFFFFD0]  }
0x2b0: {  	v6 =	vmul.f32 v29, v6;
	v32 =	vsub.f32 $1.000000000e+00, v36;
	v36 =	vsub.f32 $1.000000000e+00, v37;
	v31 =	vld [tilespmem:s28+$0xFFFFFFD0]  }
0x2b1: {  	v0 =	vmul.f32 v22, v0;
	v1 =	vmul.f32 v23, v1;
	v29 =	vld [tilespmem:s18+$0xFFFFFFE0]  }
0x2b2: {  	v2 =	vmul.f32 v24, v2;
	v3 =	vmul.f32 v25, v3;
	v22 =	vld [tilespmem:s28+$0xFFFFFFE0]  }
0x2b3: {  	v4 =	vmul.f32 v26, v4;
	v5 =	vmul.f32 v27, v5;
	v0 =	vadd.f32 $1.000000000e+00, v0;
	v23 =	vld [tilespmem:s18+$0xFFFFFFF0]  }
0x2b4: {  	v21 =	vmul.f32 $1.439964580e+01, v21;
	v6 =	vmul.f32 v28, v6;
	v1 =	vadd.f32 $1.000000000e+00, v1;
	v24 =	vld.idx.msk [tilespmem:v42+s4+$0x0], $0xffff  }
0x2b5: {  	v26 =	vmul.f32 $1.439964580e+01, v41;
	v27 =	vmul.f32 $1.439964580e+01, v30;
	v2 =	vadd.f32 $1.000000000e+00, v2;
	v25 =	vld.idx.msk [tilespmem:v43+s4+$0x0], $0xffff  }
0x2b6: {  	v30 =	vmul.f32 $1.439964580e+01, v34;
	v34 =	vmul.f32 $1.439964580e+01, v38;
	v3 =	vadd.f32 $1.000000000e+00, v3;
	v28 =	vld [tilespmem:s28+$0xFFFFFFF0]  }
0x2b7: {  	v4 =	vadd.f32 $1.000000000e+00, v4;
	v32 =	vmul.f32 $1.439964580e+01, v32;
	v36 =	vmul.f32 $1.439964580e+01, v36;
	v37 =	vld [tilespmem:s18+$0x0]  }
0x2b8: {  	v5 =	vadd.f32 $1.000000000e+00, v5;
	v6 =	vadd.f32 $1.000000000e+00, v6;
	v0 =	vmul.f32 v21, v0;
	v38 =	vld [tilespmem:s28+$0x0]  }
0x2b9: {  	v1 =	vmul.f32 v26, v1;
	v2 =	vmul.f32 v27, v2;
	v21 =	vld [tilespmem:s18+$0x10]  }
0x2ba: {  	v3 =	vmul.f32 v30, v3;
	v4 =	vmul.f32 v34, v4;
	v26 =	vld [tilespmem:s28+$0x10]  }
0x2bb: {  	v24 =	vmul.f32 v24, v24;
	v25 =	vmul.f32 v25, v25;
	v27 =	vld [tilespmem:s18+$0x20]  }
0x2bc: {  	v5 =	vmul.f32 v32, v5;
	v6 =	vmul.f32 v36, v6;
	v30 =	vld [tilespmem:s28+$0x20]  }
0x2bd: {  	v9 =	vmul.f32 v14, v9;
	v12 =	vmul.f32 v15, v12;
	v24 =	vadd.f32 v25, v24;
	v32 =	vld [tilespmem:s18+$0xFFFFFFC0]  }
0x2be: {  	v11 =	vmul.f32 v16, v11;
	v13 =	vmul.f32 v17, v13;
	v14 =	vld.idx.msk [tilespmem:v35+s4+$0x0], $0xffff  }
0x2bf: {  	v10 =	vmul.f32 v18, v10;
	v16 =	vshrl.u32 v24, $0x1;
	v17 =	vmul.f32 $5.000000000e-01, v24;
	v15 =	vld.idx.msk [tilespmem:v33+s4+$0x0], $0xffff  }
0x2c0: {  	v8 =	vmul.f32 v19, v8;
	v7 =	vmul.f32 v20, v7;
	v16 =	vsub.s32 $0x5F3759DF, v16;
	v18 =	vld.idx.msk [tilespmem:v31+s4+$0x0], $0xffff  }
0x2c1: {  	v0 =	vmul.f32 v0, v9;
	v20 =	vmul.f32 v16, v17;
	v19 =	vld.idx.msk [tilespmem:v29+s4+$0x0], $0xffff  }
0x2c2: {  	v1 =	vmul.f32 v1, v12;
	v2 =	vmul.f32 v2, v11;
	v9 =	vld.idx.msk [tilespmem:v22+s4+$0x0], $0xffff  }
0x2c3: {  	v12 =	vmul.f32 v16, v20;
	v11 =	vld.idx.msk [tilespmem:v23+s4+$0x0], $0xffff;
	[tilespmem:s15+$0xFFFFFFC0] =	vst v0;
	v0 =	vmul.f32 v3, v13  }
0x2c4: {  	v3 =	vmul.f32 v14, v14;
	v13 =	vld.idx.msk [tilespmem:v28+s4+$0x0], $0xffff;
	[tilespmem:s15+$0xFFFFFFD0] =	vst v1;
	v1 =	vmul.f32 v4, v10  }
0x2c5: {  	v10 =	vmul.f32 v15, v15;
	v12 =	vsub.f32 $1.500000000e+00, v12;
	v4 =	vld.idx.msk [tilespmem:v32+s4+$0x0], $0xffff;
	[tilespmem:s15+$0xFFFFFFE0] =	vst v2;
	v2 =	vmul.f32 v5, v8  }
0x2c6: {  	v5 =	vmul.f32 v18, v18;
	v8 =	vld.idx.msk [tilespmem:v37+s4+$0x0], $0xffff;
	[tilespmem:s15+$0xFFFFFFF0] =	vst v0;
	v0 =	vmul.f32 v6, v7  }
0x2c7: {  	v6 =	vmul.f32 v19, v19;
	v12 =	vmul.f32 v16, v12;
	v14 =	vld.idx.msk [tilespmem:v38+s4+$0x0], $0xffff;
	[tilespmem:s15+$0x0] =	vst v1  }
0x2c8: {  	v1 =	vadd.f32 v5, v10;
	v5 =	vmul.f32 v9, v9;
	v9 =	vld.idx.msk [tilespmem:v21+s4+$0x0], $0xffff;
	[tilespmem:s15+$0x10] =	vst v2  }
0x2c9: {  	s29 =	sadd.s32 $0x80, s29;
	v2 =	vmul.f32 v11, v11;
	v11 =	vmul.f32 v12, v17;
	v10 =	vld.idx.msk [tilespmem:v26+s4+$0x0], $0xffff;
	[tilespmem:s15+$0x20] =	vst v0  }
0x2ca: {  	v0 =	vshrl.u32 v1, $0x1;
	v5 =	vadd.f32 v5, v6;
	v6 =	vmul.f32 v13, v13;
	v7 =	vld [tilespmem:s29+$0x30]  }
0x2cb: {  	v4 =	vmul.f32 v4, v4;
	v13 =	vsub.s32 $0x5F3759DF, v0;
	v11 =	vmul.f32 v11, v12;
	v15 =	vld.idx.msk [tilespmem:v27+s4+$0x0], $0xffff  }
0x2cc: {  	v16 =	vmul.f32 $5.000000000e-01, v1;
	v6 =	vadd.f32 v6, v2;
	v8 =	vmul.f32 v8, v8;
	v17 =	vld.idx.msk [tilespmem:v30+s4+$0x0], $0xffff  }
0x2cd: {  	v3 =	vadd.f32 v3, v4;
	v4 =	vmul.f32 v14, v14;
	v11 =	vsub.f32 $1.500000000e+00, v11;
	v0 =	vld [tilespmem:s29+$0xFFFFFFC0]  }
0x2ce: {  	v18 =	vmul.f32 $5.000000000e-01, v5;
	v14 =	vshrl.u32 v5, $0x1;
	v9 =	vmul.f32 v9, v9;
	v1 =	vld [tilespmem:s29+$0xFFFFFFD0]  }
0x2cf: {  	v8 =	vadd.f32 v4, v8;
	v5 =	vmul.f32 v11, v12;
	v2 =	vld [tilespmem:s29+$0xFFFFFFE0];
	v11 =	vmul.f32 $7.071067690e-01, v7  }
0x2d0: {  	v12 =	vshrl.u32 v3, $0x1;
	v19 =	vmul.f32 $5.000000000e-01, v3;
	v10 =	vmul.f32 v10, v10;
	v3 =	vld [tilespmem:s29+$0xFFFFFFF0]  }
0x2d1: {  	v20 =	vshrl.u32 v6, $0x1;
	v15 =	vmul.f32 v15, v15;
	v4 =	vld [tilespmem:s29+$0x0];
	v11 =	vmul.f32 v5, v11  }
0x2d2: {  	v21 =	vmul.f32 $5.000000000e-01, v6;
	v9 =	vadd.f32 v10, v9;
	v10 =	vmul.f32 v17, v17;
	v5 =	vld [tilespmem:s29+$0x10]  }
0x2d3: {  	v17 =	vshrl.u32 v8, $0x1;
	v8 =	vmul.f32 $5.000000000e-01, v8;
	v6 =	vld [tilespmem:s29+$0x20];
	v22 =	vmul.f32 $7.810799780e-02, v11  }
0x2d4: {  	v23 =	vshrl.u32 v9, $0x1;
	v9 =	vmul.f32 $5.000000000e-01, v9;
	v10 =	vadd.f32 v10, v15  }
0x2d5: {  	v14 =	vsub.s32 $0x5F3759DF, v14;
	v12 =	vsub.s32 $0x5F3759DF, v12;
	v15 =	vadd.f32 $9.720000090e-04, v22  }
0x2d6: {  	v20 =	vsub.s32 $0x5F3759DF, v20;
	v22 =	vshrl.u32 v10, $0x1;
	v10 =	vmul.f32 $5.000000000e-01, v10  }
0x2d7: {  	v17 =	vsub.s32 $0x5F3759DF, v17;
	v23 =	vsub.s32 $0x5F3759DF, v23;
	v15 =	vmul.f32 v15, v11  }
0x2d8: {  	v25 =	vmul.f32 v13, v16;
	v24 =	vmul.f32 v12, v19;
	v22 =	vsub.s32 $0x5F3759DF, v22  }
0x2d9: {  	v26 =	vmul.f32 v14, v18;
	v27 =	vmul.f32 v20, v21;
	v15 =	vadd.f32 $2.303889990e-01, v15  }
0x2da: {  	v28 =	vmul.f32 v17, v8;
	v29 =	vmul.f32 v23, v9  }
0x2db: {  	v30 =	vmul.f32 v22, v10;
	v15 =	vmul.f32 v15, v11  }
0x2dc: {  	v25 =	vmul.f32 v13, v25;
	v24 =	vmul.f32 v12, v24  }
0x2dd: {  	v26 =	vmul.f32 v14, v26;
	v27 =	vmul.f32 v20, v27;
	v15 =	vadd.f32 $2.783930000e-01, v15  }
0x2de: {  	v24 =	vsub.f32 $1.500000000e+00, v24;
	v28 =	vmul.f32 v17, v28;
	v29 =	vmul.f32 v23, v29  }
0x2df: {  	v25 =	vsub.f32 $1.500000000e+00, v25;
	v30 =	vmul.f32 v22, v30;
	v11 =	vmul.f32 v15, v11  }
0x2e0: {  	v12 =	vmul.f32 v12, v24;
	v24 =	vsub.f32 $1.500000000e+00, v27;
	v15 =	vsub.f32 $1.500000000e+00, v26  }
0x2e1: {  	v13 =	vmul.f32 v13, v25;
	v25 =	vsub.f32 $1.500000000e+00, v28;
	v11 =	vadd.f32 $1.000000000e+00, v11  }
0x2e2: {  	v26 =	vsub.f32 $1.500000000e+00, v30;
	v14 =	vmul.f32 v14, v15;
	v15 =	vsub.f32 $1.500000000e+00, v29  }
0x2e3: {  	v20 =	vmul.f32 v20, v24;
	v24 =	vmul.f32 v11, v7  }
0x2e4: {  	v17 =	vmul.f32 v17, v25;
	v15 =	vmul.f32 v23, v15  }
0x2e5: {  	v22 =	vmul.f32 v22, v26;
	(erf) = vrcp.f32 v24  }
0x2e6: {  	v16 =	vmul.f32 v13, v16;
	v19 =	vmul.f32 v12, v19  }
0x2e7: {  	v21 =	vmul.f32 v20, v21;
	v18 =	vmul.f32 v14, v18  }
0x2e8: {  	v8 =	vmul.f32 v17, v8;
	v9 =	vmul.f32 v15, v9  }
0x2e9: {  	v19 =	vmul.f32 v19, v12;
	v10 =	vmul.f32 v22, v10  }
0x2ea: {  	v16 =	vmul.f32 v16, v13;
	v18 =	vmul.f32 v18, v14  }
0x2eb: {  	v21 =	vmul.f32 v21, v20;
	v8 =	vmul.f32 v8, v17;
	v24 =	vsub.f32 $1.500000000e+00, v19  }
0x2ec: {  	v16 =	vsub.f32 $1.500000000e+00, v16;
	v10 =	vmul.f32 v10, v22;
	v9 =	vmul.f32 v9, v15  }
0x2ed: {  	v21 =	vsub.f32 $1.500000000e+00, v21;
	v23 =	vmul.f32 $6.000000000e+00, v7;
	v18 =	vsub.f32 $1.500000000e+00, v18  }
0x2ee: {  	v8 =	vsub.f32 $1.500000000e+00, v8;
	v12 =	vmul.f32 v24, v12;
	v9 =	vsub.f32 $1.500000000e+00, v9;
	v19 =	vpop (erf)  }
0x2ef: {  	v23 =	vsub.f32 $1.500000000e+01, v23;
	v10 =	vsub.f32 $1.500000000e+00, v10;
	v24 =	vmul.f32 v19, v7  }
0x2f0: {  	v13 =	vmul.f32 v16, v13;
	v16 =	vmul.f32 v7, v7  }
0x2f1: {  	v23 =	vmul.f32 v23, v7;
	v24 =	vmul.f32 v24, v24  }
0x2f2: {  	v14 =	vmul.f32 v18, v14;
	v18 =	vmul.f32 v21, v20  }
0x2f3: {  	v7 =	vmul.f32 v16, v7;
	v16 =	vadd.f32 $-1.000000000e+01, v23;
	v20 =	vmul.f32 v24, v24  }
0x2f4: {  	v8 =	vmul.f32 v8, v17;
	v9 =	vmul.f32 v9, v15  }
0x2f5: {  	v10 =	vmul.f32 v10, v22;
	v7 =	vmul.f32 v16, v7;
	v15 =	vsub.f32 $1.000000000e+00, v20  }
0x2f6: {  	v17 =	vmul.f32 $7.071067690e-01, v1;
	v16 =	vmul.f32 $7.071067690e-01, v0  }
0x2f7: {  	v7 =	vadd.f32 $1.000000000e+00, v7;
	v20 =	vmul.f32 $7.071067690e-01, v2;
	v15 =	vmul.f32 $1.439964580e+01, v15  }
0x2f8: {  	v21 =	vmul.f32 $7.071067690e-01, v3;
	v22 =	vmul.f32 $7.071067690e-01, v4  }
0x2f9: {  	v11 =	vmul.f32 v19, v11;
	v7 =	vmul.f32 v15, v7  }
0x2fa: {  	v19 =	vmul.f32 $7.071067690e-01, v6;
	v15 =	vmul.f32 $7.071067690e-01, v5  }
0x2fb: {  	v12 =	vmul.f32 v12, v16;
	v7 =	vmul.f32 v7, v11  }
0x2fc: {  	s15 =	sadd.s32 $0x80, s15;
	v11 =	vmul.f32 v13, v17;
	v13 =	vmul.f32 v14, v20  }
0x2fd: {  	v8 =	vmul.f32 v8, v22;
	v14 =	vmul.f32 v18, v21;
	[tilespmem:s15+$0x30] =	vst v7  }
0x2fe: {  	v10 =	vmul.f32 v10, v19;
	v7 =	vmul.f32 v9, v15  }
0x2ff: {  	v9 =	vmul.f32 $7.810799780e-02, v12;
	v15 =	vmul.f32 $7.810799780e-02, v11  }
0x300: {  	v16 =	vmul.f32 $7.810799780e-02, v13;
	v17 =	vmul.f32 $7.810799780e-02, v14  }
0x301: {  	v18 =	vmul.f32 $7.810799780e-02, v8;
	v9 =	vadd.f32 $9.720000090e-04, v9;
	v19 =	vmul.f32 $7.810799780e-02, v7  }
0x302: {  	v20 =	vmul.f32 $7.810799780e-02, v10;
	v15 =	vadd.f32 $9.720000090e-04, v15;
	v16 =	vadd.f32 $9.720000090e-04, v16  }
0x303: {  	v18 =	vadd.f32 $9.720000090e-04, v18;
	v17 =	vadd.f32 $9.720000090e-04, v17;
	v9 =	vmul.f32 v9, v12  }
0x304: {  	v20 =	vadd.f32 $9.720000090e-04, v20;
	v15 =	vmul.f32 v15, v11;
	v19 =	vadd.f32 $9.720000090e-04, v19  }
0x305: {  	v16 =	vmul.f32 v16, v13;
	v17 =	vmul.f32 v17, v14;
	v9 =	vadd.f32 $2.303889990e-01, v9  }
0x306: {  	v18 =	vmul.f32 v18, v8;
	v15 =	vadd.f32 $2.303889990e-01, v15;
	v19 =	vmul.f32 v19, v7  }
0x307: {  	v20 =	vmul.f32 v20, v10;
	v16 =	vadd.f32 $2.303889990e-01, v16;
	v17 =	vadd.f32 $2.303889990e-01, v17  }
0x308: {  	v18 =	vadd.f32 $2.303889990e-01, v18;
	v9 =	vmul.f32 v9, v12;
	v19 =	vadd.f32 $2.303889990e-01, v19  }
0x309: {  	v20 =	vadd.f32 $2.303889990e-01, v20;
	v15 =	vmul.f32 v15, v11;
	v16 =	vmul.f32 v16, v13  }
0x30a: {  	v18 =	vmul.f32 v18, v8;
	v17 =	vmul.f32 v17, v14;
	v9 =	vadd.f32 $2.783930000e-01, v9  }
0x30b: {  	v20 =	vmul.f32 v20, v10;
	v15 =	vadd.f32 $2.783930000e-01, v15;
	v19 =	vmul.f32 v19, v7  }
0x30c: {  	v9 =	vmul.f32 v9, v12;
	v12 =	vadd.f32 $2.783930000e-01, v16;
	v16 =	vadd.f32 $2.783930000e-01, v17  }
0x30d: {  	v11 =	vmul.f32 v15, v11;
	v15 =	vadd.f32 $2.783930000e-01, v18;
	v17 =	vadd.f32 $2.783930000e-01, v19  }
0x30e: {  	v13 =	vmul.f32 v12, v13;
	v14 =	vmul.f32 v16, v14;
	v16 =	vadd.f32 $2.783930000e-01, v20  }
0x30f: {  	v9 =	vadd.f32 $1.000000000e+00, v9;
	v8 =	vmul.f32 v15, v8;
	v7 =	vmul.f32 v17, v7  }
0x310: {  	v12 =	vadd.f32 $1.000000000e+00, v11;
	v11 =	vadd.f32 $1.000000000e+00, v13;
	v15 =	vmul.f32 v16, v10  }
0x311: {  	v16 =	vmul.f32 v9, v0;
	v13 =	vadd.f32 $1.000000000e+00, v14;
	v10 =	vadd.f32 $1.000000000e+00, v8  }
0x312: {  	v14 =	vmul.f32 v12, v1;
	v8 =	vadd.f32 $1.000000000e+00, v7;
	v7 =	vadd.f32 $1.000000000e+00, v15  }
0x313: {  	v15 =	vmul.f32 v11, v2;
	v17 =	vmul.f32 v13, v3  }
0x314: {  	v18 =	vmul.f32 v10, v4;
	v19 =	vmul.f32 v8, v5  }
0x315: {  	v20 =	vmul.f32 v7, v6;
	(erf) = vrcp.f32 v16  }
0x316: {  	v16 =	vmul.f32 $6.000000000e+00, v0;
	(erf) = vrcp.f32 v14  }
0x317: {  	v14 =	vmul.f32 $6.000000000e+00, v1;
	(erf) = vrcp.f32 v15  }
0x318: {  	v15 =	vsub.f32 $1.500000000e+01, v16;
	v16 =	vmul.f32 $6.000000000e+00, v2;
	(erf) = vrcp.f32 v17  }
0x319: {  	v14 =	vsub.f32 $1.500000000e+01, v14;
	v17 =	vmul.f32 $6.000000000e+00, v3;
	(erf) = vrcp.f32 v18  }
0x31a: {  	v16 =	vsub.f32 $1.500000000e+01, v16;
	v18 =	vmul.f32 $6.000000000e+00, v4;
	(erf) = vrcp.f32 v19  }
0x31b: {  	v17 =	vsub.f32 $1.500000000e+01, v17;
	v19 =	vmul.f32 $6.000000000e+00, v5;
	(erf) = vrcp.f32 v20  }
0x31c: {  	v23 =	vmul.f32 v15, v0;
	v18 =	vsub.f32 $1.500000000e+01, v18;
	v20 =	vmul.f32 $6.000000000e+00, v6  }
0x31d: {  	v21 =	vmul.f32 v14, v1;
	v24 =	vmul.f32 v16, v2;
	v27 =	vsub.f32 $1.500000000e+01, v19  }
0x31e: {  	v19 =	vmul.f32 v17, v3;
	v26 =	vmul.f32 v18, v4;
	v28 =	vsub.f32 $1.500000000e+01, v20;
	v14 =	vpop (erf)  }
0x31f: {  	v22 =	vadd.f32 $-1.000000000e+01, v23;
	v20 =	vmul.f32 v27, v5;
	v30 =	vmul.f32 v14, v0;
	v15 =	vpop (erf)  }
0x320: {  	v23 =	vadd.f32 $-1.000000000e+01, v21;
	v21 =	vmul.f32 v28, v6;
	v25 =	vmul.f32 v15, v1;
	v16 =	vpop (erf)  }
0x321: {  	v24 =	vadd.f32 $-1.000000000e+01, v24;
	v29 =	vmul.f32 v30, v30;
	v27 =	vmul.f32 v16, v2;
	v17 =	vpop (erf)  }
0x322: {  	v38 =	vmul.f32 v25, v25;
	v28 =	vmul.f32 v17, v3;
	v25 =	vadd.f32 $-1.000000000e+01, v19;
	v18 =	vpop (erf)  }
0x323: {  	v26 =	vadd.f32 $-1.000000000e+01, v26;
	v39 =	vmul.f32 v27, v27;
	v30 =	vmul.f32 v18, v4;
	v19 =	vpop (erf)  }
0x324: {  	v27 =	vadd.f32 $-1.000000000e+01, v20;
	v42 =	vmul.f32 v28, v28;
	v31 =	vmul.f32 v19, v5;
	v20 =	vpop (erf)  }
0x325: {  	v28 =	vadd.f32 $-1.000000000e+01, v21;
	v43 =	vmul.f32 v30, v30;
	v32 =	vmul.f32 v20, v6  }
0x326: {  	v30 =	vmul.f32 v0, v0;
	v36 =	vmul.f32 v31, v31  }
0x327: {  	v35 =	vmul.f32 v1, v1;
	v37 =	vmul.f32 v32, v32  }
.Ltmp13:
0x328: {  	v34 =	vmul.f32 v2, v2;
	v33 =	vmul.f32 v3, v3;
	(pc) =	sbr.rel @p3 .LBB2_8-.Ltmp13, $4  }
0x329: {  	v31 =	vmul.f32 v4, v4;
	v32 =	vmul.f32 v5, v5  }
0x32a: {  	v21 =	vmul.f32 v29, v29;
	v29 =	vmul.f32 v6, v6  }
0x32b: {  	v41 =	vmul.f32 v38, v38;
	v40 =	vmul.f32 v39, v39  }
0x32c: {  	s18 =	sadd.s32 $0x80, s18;
	v21 =	vsub.f32 $1.000000000e+00, v21;
	v39 =	vmul.f32 v42, v42;
	v38 =	vmul.f32 v43, v43  }
0x32d: {  	v36 =	vmul.f32 v36, v36;
	v37 =	vmul.f32 v37, v37  }
0x32e: {  	v0 =	vmul.f32 v30, v0;
	v1 =	vmul.f32 v35, v1  }
0x32f: {  	v2 =	vmul.f32 v34, v2;
	v3 =	vmul.f32 v33, v3  }
0x330: {  	v4 =	vmul.f32 v31, v4;
	v5 =	vmul.f32 v32, v5  }
0x331: {  	v6 =	vmul.f32 v29, v6;
	v9 =	vmul.f32 v14, v9  }
0x332: {  	v12 =	vmul.f32 v15, v12;
	v11 =	vmul.f32 v16, v11  }
0x333: {  	v41 =	vsub.f32 $1.000000000e+00, v41;
	v61 =	vmul.f32 v17, v13;
	v10 =	vmul.f32 v18, v10  }
0x334: {  	v52 =	vsub.f32 $1.000000000e+00, v40;
	v62 =	vmul.f32 v19, v8;
	v63 =	vmul.f32 v20, v7  }
0x335: {  	v53 =	vsub.f32 $1.000000000e+00, v39;
	v21 =	vmul.f32 $1.439964580e+01, v21;
	v0 =	vmul.f32 v22, v0  }
0x336: {  	v54 =	vsub.f32 $1.000000000e+00, v38;
	v1 =	vmul.f32 v23, v1;
	v2 =	vmul.f32 v24, v2  }
0x337: {  	v55 =	vsub.f32 $1.000000000e+00, v36;
	v3 =	vmul.f32 v25, v3;
	v4 =	vmul.f32 v26, v4  }
0x338: {  	v56 =	vsub.f32 $1.000000000e+00, v37;
	v5 =	vmul.f32 v27, v5;
	v6 =	vmul.f32 v28, v6  }
0x339: {  	v57 =	vmul.f32 $1.439964580e+01, v41;
	v58 =	vmul.f32 $1.439964580e+01, v52;
	v0 =	vadd.f32 $1.000000000e+00, v0  }
0x33a: {  	v59 =	vmul.f32 $1.439964580e+01, v53;
	v60 =	vmul.f32 $1.439964580e+01, v54;
	v1 =	vadd.f32 $1.000000000e+00, v1  }
0x33b: {  	v2 =	vadd.f32 $1.000000000e+00, v2;
	v22 =	vmul.f32 $1.439964580e+01, v55;
	v0 =	vmul.f32 v21, v0  }
0x33c: {  	v3 =	vadd.f32 $1.000000000e+00, v3;
	v23 =	vmul.f32 $1.439964580e+01, v56;
	v1 =	vmul.f32 v57, v1  }
0x33d: {  	v4 =	vadd.f32 $1.000000000e+00, v4;
	v2 =	vmul.f32 v58, v2;
	v0 =	vmul.f32 v0, v9  }
0x33e: {  	v5 =	vadd.f32 $1.000000000e+00, v5;
	v3 =	vmul.f32 v59, v3;
	v1 =	vmul.f32 v1, v12  }
0x33f: {  	v6 =	vadd.f32 $1.000000000e+00, v6;
	v4 =	vmul.f32 v60, v4;
	v2 =	vmul.f32 v2, v11;
	[tilespmem:s15+$0xFFFFFFC0] =	vst v0  }
0x340: {  	v5 =	vmul.f32 v22, v5;
	v3 =	vmul.f32 v3, v61;
	[tilespmem:s15+$0xFFFFFFD0] =	vst v1  }
0x341: {  	v6 =	vmul.f32 v23, v6;
	v4 =	vmul.f32 v4, v10;
	[tilespmem:s15+$0xFFFFFFE0] =	vst v2  }
0x342: {  	v0 =	vmul.f32 v5, v62;
	[tilespmem:s15+$0xFFFFFFF0] =	vst v3  }
0x343: {  	v1 =	vmul.f32 v6, v63;
	[tilespmem:s15+$0x0] =	vst v4  }
0x344: {  	[tilespmem:s15+$0x10] =	vst v0  }
0x345: {  	[tilespmem:s15+$0x20] =	vst v1  }
0x346: {  	[spmem:s3] =	stream.indirect.scatter.add.f32 [tilespmem:s11], [sflag:$0x5], $0x1, s1, s2, $0xb8;
	[tilespmem:$0x1FF80] =	vst v63  }
.LBB2_10:
.Ltmp14:
0x347: {  	(pc) =	sbr.rel @p2 .LBB2_14-.Ltmp14, $1  }
0x348: {  	_ =	sdelay $0x3  }
0x349: {  	s15 =	sadd.s32 $0x4, s25  }
0x34a: {  	p2 =	sge.u32 s15, s9  }
0x34b: {  	p3 =	slt.u32 @!p2 s26, s8  }
0x34c: {  	p3 =	por p3, p2  }
0x34d: {  	s17 =	simm.s32 @!p3 $0x5  }
0x34e: {  	s15 =	sshll.u32 @!p2 s15, $0x8;
	_ =	swait.ge @!p3 [sflag:s17], $0x800  }
0x34f: {  	s18 =	simm.s32 @!p2 $0x0;
	s15 =	sand.u32 @!p2 $0x1FFFFF00, s15;
	[sflag:s17] =	ssyncset.done @!p3 $0x0  }
0x350: {  	s25 =	simm.s32 @!p2 $0x18F00;
	[sflag:s17] =	ssyncadd.s32 @!p3 $0xFFFFF800;
	s17 =	sadd.s32 @!p2 s5, s15  }
0x351: {  	[tilespmem:s25], [sflag:$0x2] =	stream.linear.gather @!p2 [hbm4b:s17+s18], $0x800, $0x38;
	[tilespmem:$0x1FF80] =	vst v63  }
0x352: {  	s17 =	sadd.s32 @!p2 s6, s15;
	s25 =	simm.s32 @!p2 $0x1A700  }
0x353: {  	[tilespmem:s25], [sflag:$0x2] =	stream.linear.gather @!p2 [hbm4b:s17+s18], $0x800, $0x38;
	[tilespmem:$0x1FF80] =	vst v63  }
0x354: {  	s15 =	sadd.s32 @!p2 s0, s15;
	s17 =	simm.s32 @!p2 $0x1BF00  }
0x355: {  	[tilespmem:s17], [sflag:$0x2] =	stream.linear.gather @!p2 [hbm4b:s15+s18], $0x800, $0x38;
	[tilespmem:$0x1FF80] =	vst v63  }
0x356: {  	_ =	swait.ge [sflag:s12], $0x800  }
0x357: {  	[sflag:s12] =	ssyncset.done $0x0  }
0x358: {  	[sflag:s12] =	ssyncadd.s32 $0xFFFFF800  }
0x359: {  	_ =	swait.ge [sflag:s12], $0x800  }
0x35a: {  	[sflag:s12] =	ssyncset.done $0x0  }
0x35b: {  	[sflag:s12] =	ssyncadd.s32 $0xFFFFF800  }
0x35c: {  	_ =	swait.ge [sflag:s12], $0x800  }
0x35d: {  	[sflag:s12] =	ssyncset.done $0x0  }
0x35e: {  	s29 =	simm.s32 $0x19740;
	[sflag:s12] =	ssyncadd.s32 $0xFFFFF800  }
0x35f: {  	s25 =	simm.s32 $0x1AF40;
	v0 =	vld [tilespmem:s29+$0x30]  }
0x360: {  	v1 =	vld [tilespmem:s25+$0x30];
	_ =	sdelay $0x1  }
0x361: {  	v2 =	vld [tilespmem:s25+$0xFFFFFFC0]  }
0x362: {  	v3 =	vld [tilespmem:s29+$0xFFFFFFD0]  }
0x363: {  	v4 =	vld [tilespmem:s25+$0xFFFFFFD0]  }
0x364: {  	v5 =	vld [tilespmem:s29+$0xFFFFFFE0]  }
0x365: {  	v6 =	vld [tilespmem:s25+$0xFFFFFFE0]  }
0x366: {  	v0 =	vld.idx.msk [tilespmem:v0+s4+$0x0], $0xffff  }
0x367: {  	v1 =	vld.idx.msk [tilespmem:v1+s4+$0x0], $0xffff  }
0x368: {  	v7 =	vld [tilespmem:s29+$0xFFFFFFF0]  }
0x369: {  	v8 =	vld [tilespmem:s25+$0xFFFFFFF0]  }
0x36a: {  	v9 =	vld [tilespmem:s29+$0x0]  }
0x36b: {  	v10 =	vld [tilespmem:s25+$0x0]  }
0x36c: {  	v11 =	vld [tilespmem:s29+$0x10];
	v0 =	vmul.f32 v0, v0;
	v1 =	vmul.f32 v1, v1  }
0x36d: {  	v15 =	vld [tilespmem:s29+$0xFFFFFFC0]  }
0x36e: {  	v12 =	vld [tilespmem:s25+$0x10];
	v0 =	vadd.f32 v1, v0  }
0x36f: {  	v3 =	vld.idx.msk [tilespmem:v3+s4+$0x0], $0xffff  }
0x370: {  	v4 =	vld.idx.msk [tilespmem:v4+s4+$0x0], $0xffff;
	v14 =	vshrl.u32 v0, $0x1;
	v0 =	vmul.f32 $5.000000000e-01, v0  }
0x371: {  	v5 =	vld.idx.msk [tilespmem:v5+s4+$0x0], $0xffff;
	v14 =	vsub.s32 $0x5F3759DF, v14  }
0x372: {  	v6 =	vld.idx.msk [tilespmem:v6+s4+$0x0], $0xffff;
	v16 =	vmul.f32 v14, v0  }
0x373: {  	v2 =	vld.idx.msk [tilespmem:v2+s4+$0x0], $0xffff  }
0x374: {  	v8 =	vld.idx.msk [tilespmem:v8+s4+$0x0], $0xffff;
	v16 =	vmul.f32 v14, v16  }
0x375: {  	v15 =	vld.idx.msk [tilespmem:v15+s4+$0x0], $0xffff  }
0x376: {  	v13 =	vld [tilespmem:s25+$0x20];
	v3 =	vmul.f32 v3, v3;
	v4 =	vmul.f32 v4, v4;
	v16 =	vsub.f32 $1.500000000e+00, v16  }
0x377: {  	v7 =	vld.idx.msk [tilespmem:v7+s4+$0x0], $0xffff;
	v5 =	vmul.f32 v5, v5;
	v6 =	vmul.f32 v6, v6  }
0x378: {  	v2 =	vmul.f32 v2, v2;
	v1 =	vld [tilespmem:s29+$0x20];
	v14 =	vmul.f32 v14, v16  }
0x379: {  	v3 =	vadd.f32 v4, v3;
	v4 =	vld.idx.msk [tilespmem:v10+s4+$0x0], $0xffff;
	v5 =	vadd.f32 v6, v5;
	v6 =	vmul.f32 v8, v8  }
0x37a: {  	s26 =	simm.s32 $0x1C740;
	v10 =	vld.idx.msk [tilespmem:v11+s4+$0x0], $0xffff;
	v8 =	vmul.f32 v15, v15;
	v0 =	vmul.f32 v14, v0  }
0x37b: {  	v11 =	vshrl.u32 v3, $0x1;
	v3 =	vmul.f32 $5.000000000e-01, v3;
	v16 =	vld [tilespmem:s26+$0x30]  }
0x37c: {  	v9 =	vld.idx.msk [tilespmem:v9+s4+$0x0], $0xffff;
	v2 =	vadd.f32 v2, v8;
	v11 =	vsub.s32 $0x5F3759DF, v11;
	v0 =	vmul.f32 v0, v14  }
0x37d: {  	v8 =	vshrl.u32 v5, $0x1;
	v5 =	vmul.f32 $5.000000000e-01, v5;
	v18 =	vmul.f32 v11, v3  }
0x37e: {  	v12 =	vld.idx.msk [tilespmem:v12+s4+$0x0], $0xffff;
	v7 =	vmul.f32 v7, v7;
	v8 =	vsub.s32 $0x5F3759DF, v8;
	v0 =	vsub.f32 $1.500000000e+00, v0  }
0x37f: {  	v19 =	vmul.f32 v8, v5;
	v18 =	vmul.f32 v11, v18  }
0x380: {  	v6 =	vadd.f32 v6, v7;
	v1 =	vld.idx.msk [tilespmem:v1+s4+$0x0], $0xffff;
	v7 =	vmul.f32 $7.071067690e-01, v16;
	v0 =	vmul.f32 v0, v14  }
0x381: {  	v13 =	vld.idx.msk [tilespmem:v13+s4+$0x0], $0xffff;
	v9 =	vmul.f32 v9, v9;
	v4 =	vmul.f32 v4, v4;
	v18 =	vsub.f32 $1.500000000e+00, v18  }
0x382: {  	v19 =	vmul.f32 v8, v19;
	v0 =	vmul.f32 v0, v7  }
0x383: {  	v4 =	vadd.f32 v4, v9;
	v9 =	vmul.f32 v12, v12;
	v11 =	vmul.f32 v11, v18  }
0x384: {  	v7 =	vmul.f32 v10, v10;
	v12 =	vmul.f32 $7.810799780e-02, v0  }
0x385: {  	v1 =	vmul.f32 v1, v1;
	v14 =	vshrl.u32 v6, $0x1;
	v10 =	vshrl.u32 v2, $0x1  }
0x386: {  	v7 =	vadd.f32 v9, v7;
	v9 =	vmul.f32 v13, v13;
	v12 =	vadd.f32 $9.720000090e-04, v12  }
0x387: {  	v6 =	vmul.f32 $5.000000000e-01, v6;
	v2 =	vmul.f32 $5.000000000e-01, v2;
	v10 =	vsub.s32 $0x5F3759DF, v10  }
0x388: {  	v13 =	vshrl.u32 v4, $0x1;
	v1 =	vadd.f32 v9, v1;
	v9 =	vmul.f32 v12, v0  }
0x389: {  	v4 =	vmul.f32 $5.000000000e-01, v4;
	v17 =	vmul.f32 v10, v2;
	v13 =	vsub.s32 $0x5F3759DF, v13  }
0x38a: {  	v15 =	vshrl.u32 v7, $0x1;
	v7 =	vmul.f32 $5.000000000e-01, v7;
	v9 =	vadd.f32 $2.303889990e-01, v9  }
0x38b: {  	v21 =	vmul.f32 v13, v4;
	v17 =	vmul.f32 v10, v17  }
0x38c: {  	v15 =	vsub.s32 $0x5F3759DF, v15;
	v12 =	vsub.s32 $0x5F3759DF, v14;
	v9 =	vmul.f32 v9, v0  }
0x38d: {  	v14 =	vshrl.u32 v1, $0x1;
	v1 =	vmul.f32 $5.000000000e-01, v1;
	v22 =	vmul.f32 v15, v7  }
0x38e: {  	v17 =	vsub.f32 $1.500000000e+00, v17;
	v14 =	vsub.s32 $0x5F3759DF, v14;
	v9 =	vadd.f32 $2.783930000e-01, v9  }
0x38f: {  	v20 =	vmul.f32 v12, v6;
	v23 =	vmul.f32 v14, v1  }
0x390: {  	v10 =	vmul.f32 v10, v17;
	v17 =	vsub.f32 $1.500000000e+00, v19;
	v0 =	vmul.f32 v9, v0  }
0x391: {  	v9 =	vmul.f32 v12, v20;
	v20 =	vmul.f32 v13, v21  }
0x392: {  	v8 =	vmul.f32 v8, v17;
	v21 =	vmul.f32 v15, v22;
	v22 =	vadd.f32 $1.000000000e+00, v0  }
0x393: {  	v0 =	vmul.f32 v14, v23;
	v9 =	vsub.f32 $1.500000000e+00, v9;
	v19 =	vsub.f32 $1.500000000e+00, v20  }
0x394: {  	v17 =	vsub.f32 $1.500000000e+00, v21;
	v20 =	vmul.f32 v16, v16;
	v18 =	vmul.f32 v22, v16  }
0x395: {  	v0 =	vsub.f32 $1.500000000e+00, v0;
	v9 =	vmul.f32 v12, v9;
	v12 =	vmul.f32 v13, v19  }
0x396: {  	v13 =	vmul.f32 v15, v17;
	(erf) = vrcp.f32 v18  }
0x397: {  	v14 =	vmul.f32 v14, v0;
	v0 =	vmul.f32 v10, v2  }
0x398: {  	v2 =	vmul.f32 v11, v3;
	v3 =	vmul.f32 v8, v5  }
0x399: {  	v5 =	vmul.f32 v9, v6;
	v4 =	vmul.f32 v12, v4  }
0x39a: {  	v6 =	vmul.f32 v13, v7;
	v0 =	vmul.f32 v0, v10  }
0x39b: {  	v1 =	vmul.f32 v14, v1;
	v2 =	vmul.f32 v2, v11  }
0x39c: {  	v3 =	vmul.f32 v3, v8;
	v5 =	vmul.f32 v5, v9  }
0x39d: {  	v4 =	vmul.f32 v4, v12;
	v7 =	vsub.f32 $1.500000000e+00, v0;
	v2 =	vsub.f32 $1.500000000e+00, v2  }
0x39e: {  	v15 =	vmul.f32 v1, v14;
	v1 =	vmul.f32 $6.000000000e+00, v16;
	v3 =	vsub.f32 $1.500000000e+00, v3  }
0x39f: {  	v6 =	vmul.f32 v6, v13;
	v5 =	vsub.f32 $1.500000000e+00, v5;
	v19 =	vsub.f32 $1.500000000e+00, v4  }
0x3a0: {  	v7 =	vmul.f32 v7, v10;
	v10 =	vsub.f32 $1.500000000e+01, v1;
	v11 =	vmul.f32 v2, v11;
	v2 =	vld [tilespmem:s26+$0xFFFFFFE0]  }
0x3a1: {  	v6 =	vsub.f32 $1.500000000e+00, v6;
	v8 =	vmul.f32 v3, v8;
	v9 =	vmul.f32 v5, v9;
	v17 =	vpop (erf)  }
0x3a2: {  	v0 =	vld [tilespmem:s26+$0xFFFFFFC0];
	v10 =	vmul.f32 v10, v16;
	v18 =	vmul.f32 v17, v16  }
0x3a3: {  	v3 =	vld [tilespmem:s26+$0xFFFFFFF0];
	v15 =	vsub.f32 $1.500000000e+00, v15;
	v12 =	vmul.f32 v19, v12;
	v13 =	vmul.f32 v6, v13  }
0x3a4: {  	v16 =	vmul.f32 v20, v16;
	v10 =	vadd.f32 $-1.000000000e+01, v10;
	v4 =	vmul.f32 v18, v18  }
0x3a5: {  	v6 =	vld [tilespmem:s26+$0x20];
	v14 =	vmul.f32 v15, v14;
	v19 =	vmul.f32 $7.071067690e-01, v2  }
0x3a6: {  	v1 =	vld [tilespmem:s26+$0xFFFFFFD0];
	v10 =	vmul.f32 v10, v16;
	v18 =	vmul.f32 v4, v4  }
0x3a7: {  	v16 =	vmul.f32 $7.071067690e-01, v0;
	v8 =	vmul.f32 v8, v19;
	v4 =	vld [tilespmem:s26+$0x0]  }
0x3a8: {  	v5 =	vld [tilespmem:s26+$0x10];
	v17 =	vmul.f32 v17, v22;
	v20 =	vmul.f32 $7.071067690e-01, v3;
	v15 =	vsub.f32 $1.000000000e+00, v18  }
0x3a9: {  	v7 =	vmul.f32 v7, v16;
	v16 =	vmul.f32 $7.810799780e-02, v8  }
0x3aa: {  	v22 =	vmul.f32 $7.071067690e-01, v6;
	v10 =	vadd.f32 $1.000000000e+00, v10;
	v15 =	vmul.f32 $1.439964580e+01, v15  }
0x3ab: {  	v9 =	vmul.f32 v9, v20;
	v18 =	vmul.f32 $7.071067690e-01, v1;
	v16 =	vadd.f32 $9.720000090e-04, v16  }
0x3ac: {  	v23 =	vmul.f32 $7.071067690e-01, v4;
	v10 =	vmul.f32 v15, v10  }
0x3ad: {  	v16 =	vmul.f32 v16, v8;
	v15 =	vmul.f32 $7.071067690e-01, v5  }
0x3ae: {  	v21 =	vmul.f32 v10, v17;
	v10 =	vmul.f32 v11, v18  }
0x3af: {  	v11 =	vmul.f32 v12, v23;
	v12 =	vmul.f32 v13, v15  }
0x3b0: {  	v16 =	vadd.f32 $2.303889990e-01, v16;
	v13 =	vmul.f32 v14, v22;
	v14 =	vmul.f32 $7.810799780e-02, v7  }
0x3b1: {  	v35 =	vmul.f32 v1, v1;
	v17 =	vmul.f32 $7.810799780e-02, v9  }
0x3b2: {  	v16 =	vmul.f32 v16, v8;
	v15 =	vmul.f32 $7.810799780e-02, v10;
	v14 =	vadd.f32 $9.720000090e-04, v14  }
0x3b3: {  	v18 =	vmul.f32 $7.810799780e-02, v11;
	v19 =	vmul.f32 $7.810799780e-02, v12;
	v17 =	vadd.f32 $9.720000090e-04, v17  }
0x3b4: {  	v20 =	vmul.f32 $7.810799780e-02, v13;
	v16 =	vadd.f32 $2.783930000e-01, v16;
	v15 =	vadd.f32 $9.720000090e-04, v15  }
0x3b5: {  	v14 =	vmul.f32 v14, v7;
	v18 =	vadd.f32 $9.720000090e-04, v18;
	v19 =	vadd.f32 $9.720000090e-04, v19  }
0x3b6: {  	v20 =	vadd.f32 $9.720000090e-04, v20;
	v17 =	vmul.f32 v17, v9;
	v15 =	vmul.f32 v15, v10  }
0x3b7: {  	v8 =	vmul.f32 v16, v8;
	v14 =	vadd.f32 $2.303889990e-01, v14;
	v18 =	vmul.f32 v18, v11  }
0x3b8: {  	v19 =	vmul.f32 v19, v12;
	v17 =	vadd.f32 $2.303889990e-01, v17;
	v15 =	vadd.f32 $2.303889990e-01, v15  }
0x3b9: {  	v20 =	vmul.f32 v20, v13;
	v14 =	vmul.f32 v14, v7;
	v18 =	vadd.f32 $2.303889990e-01, v18  }
0x3ba: {  	v19 =	vadd.f32 $2.303889990e-01, v19;
	v17 =	vmul.f32 v17, v9;
	v15 =	vmul.f32 v15, v10  }
0x3bb: {  	v20 =	vadd.f32 $2.303889990e-01, v20;
	v14 =	vadd.f32 $2.783930000e-01, v14;
	v18 =	vmul.f32 v18, v11  }
0x3bc: {  	v19 =	vmul.f32 v19, v12;
	v17 =	vadd.f32 $2.783930000e-01, v17;
	v15 =	vadd.f32 $2.783930000e-01, v15  }
0x3bd: {  	v20 =	vmul.f32 v20, v13;
	v7 =	vmul.f32 v14, v7;
	v14 =	vadd.f32 $2.783930000e-01, v18  }
0x3be: {  	v16 =	vmul.f32 v17, v9;
	v10 =	vmul.f32 v15, v10;
	v15 =	vadd.f32 $2.783930000e-01, v19  }
0x3bf: {  	v17 =	vadd.f32 $2.783930000e-01, v20;
	v9 =	vadd.f32 $1.000000000e+00, v7;
	v7 =	vmul.f32 v14, v11  }
0x3c0: {  	v11 =	vadd.f32 $1.000000000e+00, v8;
	v14 =	vmul.f32 v15, v12;
	v12 =	vadd.f32 $1.000000000e+00, v10  }
0x3c1: {  	v15 =	vmul.f32 v17, v13;
	v17 =	vmul.f32 v9, v0;
	v13 =	vadd.f32 $1.000000000e+00, v16  }
0x3c2: {  	v10 =	vadd.f32 $1.000000000e+00, v7;
	v16 =	vmul.f32 v12, v1;
	v8 =	vadd.f32 $1.000000000e+00, v14  }
0x3c3: {  	v7 =	vadd.f32 $1.000000000e+00, v15;
	v14 =	vmul.f32 v11, v2;
	v15 =	vmul.f32 v13, v3  }
0x3c4: {  	v18 =	vmul.f32 v10, v4;
	(erf) = vrcp.f32 v17  }
0x3c5: {  	v17 =	vmul.f32 $6.000000000e+00, v0;
	(erf) = vrcp.f32 v16  }
0x3c6: {  	v19 =	vmul.f32 v8, v5;
	(erf) = vrcp.f32 v14  }
0x3c7: {  	v16 =	vmul.f32 $6.000000000e+00, v1;
	v14 =	vsub.f32 $1.500000000e+01, v17;
	(erf) = vrcp.f32 v15  }
0x3c8: {  	(erf) = vrcp.f32 v18;
	v18 =	vmul.f32 $6.000000000e+00, v4  }
0x3c9: {  	v15 =	vsub.f32 $1.500000000e+01, v16;
	v16 =	vmul.f32 $6.000000000e+00, v3;
	v22 =	vmul.f32 v14, v0  }
0x3ca: {  	(erf) = vrcp.f32 v19;
	v19 =	vmul.f32 $6.000000000e+00, v5;
	v14 =	vsub.f32 $1.500000000e+01, v18  }
0x3cb: {  	v17 =	vmul.f32 $6.000000000e+00, v2;
	v16 =	vsub.f32 $1.500000000e+01, v16;
	v18 =	vmul.f32 $6.000000000e+00, v6  }
0x3cc: {  	v20 =	vmul.f32 v7, v6;
	v23 =	vmul.f32 v15, v1;
	v15 =	vsub.f32 $1.500000000e+01, v19  }
0x3cd: {  	v17 =	vsub.f32 $1.500000000e+01, v17;
	v25 =	vmul.f32 v16, v3;
	v16 =	vsub.f32 $1.500000000e+01, v18  }
0x3ce: {  	(erf) = vrcp.f32 v20;
	v26 =	vmul.f32 v14, v4;
	v14 =	vpop (erf)  }
0x3cf: {  	v24 =	vmul.f32 v17, v2;
	v17 =	vmul.f32 v14, v0  }
0x3d0: {  	v34 =	vmul.f32 v2, v2;
	v27 =	vmul.f32 v15, v5;
	v15 =	vpop (erf)  }
0x3d1: {  	v28 =	vmul.f32 v16, v6;
	v18 =	vmul.f32 v15, v1;
	v16 =	vpop (erf)  }
0x3d2: {  	v33 =	vmul.f32 v3, v3;
	v19 =	vmul.f32 v16, v2  }
0x3d3: {  	v29 =	vmul.f32 v17, v17;
	v38 =	vmul.f32 v18, v18;
	v17 =	vpop (erf)  }
0x3d4: {  	v39 =	vmul.f32 v19, v19;
	v20 =	vmul.f32 v17, v3  }
0x3d5: {  	v22 =	vadd.f32 $-1.000000000e+01, v22;
	v44 =	vmul.f32 v29, v29;
	v29 =	vmul.f32 v6, v6;
	v18 =	vpop (erf)  }
0x3d6: {  	v23 =	vadd.f32 $-1.000000000e+01, v23;
	v41 =	vmul.f32 v38, v38;
	v30 =	vmul.f32 v18, v4  }
0x3d7: {  	v24 =	vadd.f32 $-1.000000000e+01, v24;
	v19 =	vpop (erf);
	v40 =	vmul.f32 v39, v39;
	v42 =	vmul.f32 v20, v20  }
0x3d8: {  	v25 =	vadd.f32 $-1.000000000e+01, v25;
	v31 =	vmul.f32 v19, v5;
	v43 =	vmul.f32 v30, v30;
	v20 =	vpop (erf)  }
0x3d9: {  	v26 =	vadd.f32 $-1.000000000e+01, v26;
	v30 =	vmul.f32 v0, v0;
	v32 =	vmul.f32 v20, v6  }
0x3da: {  	v27 =	vadd.f32 $-1.000000000e+01, v27;
	v36 =	vmul.f32 v31, v31;
	v31 =	vmul.f32 v4, v4  }
0x3db: {  	s15 =	simm.s32 $0x1DF40;
	v28 =	vadd.f32 $-1.000000000e+01, v28;
	v39 =	vmul.f32 v42, v42;
	v37 =	vmul.f32 v32, v32  }
0x3dc: {  	s17 =	simm.s32 $0x0;
	s18 =	simm.s32 $0x197C0;
	[tilespmem:s15+$0x30] =	vst v21;
	v21 =	vsub.f32 $1.000000000e+00, v44;
	v38 =	vmul.f32 v43, v43;
	v32 =	vmul.f32 v5, v5  }
.LBB2_12:
0x3dd: {  	v42 =	vld [tilespmem:s18+$0x30];
	v41 =	vsub.f32 $1.000000000e+00, v41;
	v36 =	vmul.f32 v36, v36;
	v37 =	vmul.f32 v37, v37;
	s25 =	sadd.s32 $0x80, s25  }
0x3de: {  	s17 =	sadd.s32 $0x80, s17;
	v0 =	vmul.f32 v30, v0;
	v1 =	vmul.f32 v35, v1;
	v30 =	vsub.f32 $1.000000000e+00, v40;
	v43 =	vld [tilespmem:s25+$0x30]  }
0x3df: {  	v2 =	vmul.f32 v34, v2;
	v3 =	vmul.f32 v33, v3;
	p2 =	slt.u32 s17, $0x780;
	v34 =	vsub.f32 $1.000000000e+00, v39;
	v35 =	vld [tilespmem:s25+$0xFFFFFFC0]  }
0x3e0: {  	v4 =	vmul.f32 v31, v4;
	v5 =	vmul.f32 v32, v5;
	v38 =	vsub.f32 $1.000000000e+00, v38;
	v33 =	vld [tilespmem:s18+$0xFFFFFFD0]  }
0x3e1: {  	v6 =	vmul.f32 v29, v6;
	v32 =	vsub.f32 $1.000000000e+00, v36;
	v36 =	vsub.f32 $1.000000000e+00, v37;
	v31 =	vld [tilespmem:s25+$0xFFFFFFD0]  }
0x3e2: {  	v0 =	vmul.f32 v22, v0;
	v1 =	vmul.f32 v23, v1;
	v29 =	vld [tilespmem:s18+$0xFFFFFFE0]  }
0x3e3: {  	v2 =	vmul.f32 v24, v2;
	v3 =	vmul.f32 v25, v3;
	v22 =	vld [tilespmem:s25+$0xFFFFFFE0]  }
0x3e4: {  	v4 =	vmul.f32 v26, v4;
	v5 =	vmul.f32 v27, v5;
	v0 =	vadd.f32 $1.000000000e+00, v0;
	v23 =	vld [tilespmem:s18+$0xFFFFFFF0]  }
0x3e5: {  	v21 =	vmul.f32 $1.439964580e+01, v21;
	v6 =	vmul.f32 v28, v6;
	v1 =	vadd.f32 $1.000000000e+00, v1;
	v24 =	vld.idx.msk [tilespmem:v42+s4+$0x0], $0xffff  }
0x3e6: {  	v26 =	vmul.f32 $1.439964580e+01, v41;
	v27 =	vmul.f32 $1.439964580e+01, v30;
	v2 =	vadd.f32 $1.000000000e+00, v2;
	v25 =	vld.idx.msk [tilespmem:v43+s4+$0x0], $0xffff  }
0x3e7: {  	v30 =	vmul.f32 $1.439964580e+01, v34;
	v34 =	vmul.f32 $1.439964580e+01, v38;
	v3 =	vadd.f32 $1.000000000e+00, v3;
	v28 =	vld [tilespmem:s25+$0xFFFFFFF0]  }
0x3e8: {  	v4 =	vadd.f32 $1.000000000e+00, v4;
	v32 =	vmul.f32 $1.439964580e+01, v32;
	v36 =	vmul.f32 $1.439964580e+01, v36;
	v37 =	vld [tilespmem:s18+$0x0]  }
0x3e9: {  	v5 =	vadd.f32 $1.000000000e+00, v5;
	v6 =	vadd.f32 $1.000000000e+00, v6;
	v0 =	vmul.f32 v21, v0;
	v38 =	vld [tilespmem:s25+$0x0]  }
0x3ea: {  	v1 =	vmul.f32 v26, v1;
	v2 =	vmul.f32 v27, v2;
	v21 =	vld [tilespmem:s18+$0x10]  }
0x3eb: {  	v3 =	vmul.f32 v30, v3;
	v4 =	vmul.f32 v34, v4;
	v26 =	vld [tilespmem:s25+$0x10]  }
0x3ec: {  	v24 =	vmul.f32 v24, v24;
	v25 =	vmul.f32 v25, v25;
	v27 =	vld [tilespmem:s18+$0x20]  }
0x3ed: {  	v5 =	vmul.f32 v32, v5;
	v6 =	vmul.f32 v36, v6;
	v30 =	vld [tilespmem:s25+$0x20]  }
0x3ee: {  	v9 =	vmul.f32 v14, v9;
	v12 =	vmul.f32 v15, v12;
	v24 =	vadd.f32 v25, v24;
	v32 =	vld [tilespmem:s18+$0xFFFFFFC0]  }
0x3ef: {  	v11 =	vmul.f32 v16, v11;
	v13 =	vmul.f32 v17, v13;
	v14 =	vld.idx.msk [tilespmem:v35+s4+$0x0], $0xffff  }
0x3f0: {  	v10 =	vmul.f32 v18, v10;
	v16 =	vshrl.u32 v24, $0x1;
	v17 =	vmul.f32 $5.000000000e-01, v24;
	v15 =	vld.idx.msk [tilespmem:v33+s4+$0x0], $0xffff  }
0x3f1: {  	v8 =	vmul.f32 v19, v8;
	v7 =	vmul.f32 v20, v7;
	v16 =	vsub.s32 $0x5F3759DF, v16;
	v18 =	vld.idx.msk [tilespmem:v31+s4+$0x0], $0xffff  }
0x3f2: {  	v0 =	vmul.f32 v0, v9;
	v20 =	vmul.f32 v16, v17;
	v19 =	vld.idx.msk [tilespmem:v29+s4+$0x0], $0xffff  }
0x3f3: {  	v1 =	vmul.f32 v1, v12;
	v2 =	vmul.f32 v2, v11;
	v9 =	vld.idx.msk [tilespmem:v22+s4+$0x0], $0xffff  }
0x3f4: {  	v12 =	vmul.f32 v16, v20;
	v11 =	vld.idx.msk [tilespmem:v23+s4+$0x0], $0xffff;
	[tilespmem:s15+$0xFFFFFFC0] =	vst v0;
	v0 =	vmul.f32 v3, v13  }
0x3f5: {  	v3 =	vmul.f32 v14, v14;
	v13 =	vld.idx.msk [tilespmem:v28+s4+$0x0], $0xffff;
	[tilespmem:s15+$0xFFFFFFD0] =	vst v1;
	v1 =	vmul.f32 v4, v10  }
0x3f6: {  	v10 =	vmul.f32 v15, v15;
	v12 =	vsub.f32 $1.500000000e+00, v12;
	v4 =	vld.idx.msk [tilespmem:v32+s4+$0x0], $0xffff;
	[tilespmem:s15+$0xFFFFFFE0] =	vst v2;
	v2 =	vmul.f32 v5, v8  }
0x3f7: {  	v5 =	vmul.f32 v18, v18;
	v8 =	vld.idx.msk [tilespmem:v37+s4+$0x0], $0xffff;
	[tilespmem:s15+$0xFFFFFFF0] =	vst v0;
	v0 =	vmul.f32 v6, v7  }
0x3f8: {  	v6 =	vmul.f32 v19, v19;
	v12 =	vmul.f32 v16, v12;
	v14 =	vld.idx.msk [tilespmem:v38+s4+$0x0], $0xffff;
	[tilespmem:s15+$0x0] =	vst v1  }
0x3f9: {  	v1 =	vadd.f32 v5, v10;
	v5 =	vmul.f32 v9, v9;
	v9 =	vld.idx.msk [tilespmem:v21+s4+$0x0], $0xffff;
	[tilespmem:s15+$0x10] =	vst v2  }
0x3fa: {  	s26 =	sadd.s32 $0x80, s26;
	v2 =	vmul.f32 v11, v11;
	v11 =	vmul.f32 v12, v17;
	v10 =	vld.idx.msk [tilespmem:v26+s4+$0x0], $0xffff;
	[tilespmem:s15+$0x20] =	vst v0  }
0x3fb: {  	v0 =	vshrl.u32 v1, $0x1;
	v5 =	vadd.f32 v5, v6;
	v6 =	vmul.f32 v13, v13;
	v7 =	vld [tilespmem:s26+$0x30]  }
0x3fc: {  	v4 =	vmul.f32 v4, v4;
	v13 =	vsub.s32 $0x5F3759DF, v0;
	v11 =	vmul.f32 v11, v12;
	v15 =	vld.idx.msk [tilespmem:v27+s4+$0x0], $0xffff  }
0x3fd: {  	v16 =	vmul.f32 $5.000000000e-01, v1;
	v6 =	vadd.f32 v6, v2;
	v8 =	vmul.f32 v8, v8;
	v17 =	vld.idx.msk [tilespmem:v30+s4+$0x0], $0xffff  }
0x3fe: {  	v3 =	vadd.f32 v3, v4;
	v4 =	vmul.f32 v14, v14;
	v11 =	vsub.f32 $1.500000000e+00, v11;
	v0 =	vld [tilespmem:s26+$0xFFFFFFC0]  }
0x3ff: {  	v18 =	vmul.f32 $5.000000000e-01, v5;
	v14 =	vshrl.u32 v5, $0x1;
	v9 =	vmul.f32 v9, v9;
	v1 =	vld [tilespmem:s26+$0xFFFFFFD0]  }
0x400: {  	v8 =	vadd.f32 v4, v8;
	v5 =	vmul.f32 v11, v12;
	v2 =	vld [tilespmem:s26+$0xFFFFFFE0];
	v11 =	vmul.f32 $7.071067690e-01, v7  }
0x401: {  	v12 =	vshrl.u32 v3, $0x1;
	v19 =	vmul.f32 $5.000000000e-01, v3;
	v10 =	vmul.f32 v10, v10;
	v3 =	vld [tilespmem:s26+$0xFFFFFFF0]  }
0x402: {  	v20 =	vshrl.u32 v6, $0x1;
	v15 =	vmul.f32 v15, v15;
	v4 =	vld [tilespmem:s26+$0x0];
	v11 =	vmul.f32 v5, v11  }
0x403: {  	v21 =	vmul.f32 $5.000000000e-01, v6;
	v9 =	vadd.f32 v10, v9;
	v10 =	vmul.f32 v17, v17;
	v5 =	vld [tilespmem:s26+$0x10]  }
0x404: {  	v17 =	vshrl.u32 v8, $0x1;
	v8 =	vmul.f32 $5.000000000e-01, v8;
	v6 =	vld [tilespmem:s26+$0x20];
	v22 =	vmul.f32 $7.810799780e-02, v11  }
0x405: {  	v23 =	vshrl.u32 v9, $0x1;
	v9 =	vmul.f32 $5.000000000e-01, v9;
	v10 =	vadd.f32 v10, v15  }
0x406: {  	v14 =	vsub.s32 $0x5F3759DF, v14;
	v12 =	vsub.s32 $0x5F3759DF, v12;
	v15 =	vadd.f32 $9.720000090e-04, v22  }
0x407: {  	v20 =	vsub.s32 $0x5F3759DF, v20;
	v22 =	vshrl.u32 v10, $0x1;
	v10 =	vmul.f32 $5.000000000e-01, v10  }
0x408: {  	v17 =	vsub.s32 $0x5F3759DF, v17;
	v23 =	vsub.s32 $0x5F3759DF, v23;
	v15 =	vmul.f32 v15, v11  }
0x409: {  	v25 =	vmul.f32 v13, v16;
	v24 =	vmul.f32 v12, v19;
	v22 =	vsub.s32 $0x5F3759DF, v22  }
0x40a: {  	v26 =	vmul.f32 v14, v18;
	v27 =	vmul.f32 v20, v21;
	v15 =	vadd.f32 $2.303889990e-01, v15  }
0x40b: {  	v28 =	vmul.f32 v17, v8;
	v29 =	vmul.f32 v23, v9  }
0x40c: {  	v30 =	vmul.f32 v22, v10;
	v15 =	vmul.f32 v15, v11  }
0x40d: {  	v25 =	vmul.f32 v13, v25;
	v24 =	vmul.f32 v12, v24  }
0x40e: {  	v26 =	vmul.f32 v14, v26;
	v27 =	vmul.f32 v20, v27;
	v15 =	vadd.f32 $2.783930000e-01, v15  }
0x40f: {  	v24 =	vsub.f32 $1.500000000e+00, v24;
	v28 =	vmul.f32 v17, v28;
	v29 =	vmul.f32 v23, v29  }
0x410: {  	v25 =	vsub.f32 $1.500000000e+00, v25;
	v30 =	vmul.f32 v22, v30;
	v11 =	vmul.f32 v15, v11  }
0x411: {  	v12 =	vmul.f32 v12, v24;
	v24 =	vsub.f32 $1.500000000e+00, v27;
	v15 =	vsub.f32 $1.500000000e+00, v26  }
0x412: {  	v13 =	vmul.f32 v13, v25;
	v25 =	vsub.f32 $1.500000000e+00, v28;
	v11 =	vadd.f32 $1.000000000e+00, v11  }
0x413: {  	v26 =	vsub.f32 $1.500000000e+00, v30;
	v14 =	vmul.f32 v14, v15;
	v15 =	vsub.f32 $1.500000000e+00, v29  }
0x414: {  	v20 =	vmul.f32 v20, v24;
	v24 =	vmul.f32 v11, v7  }
0x415: {  	v17 =	vmul.f32 v17, v25;
	v15 =	vmul.f32 v23, v15  }
0x416: {  	v22 =	vmul.f32 v22, v26;
	(erf) = vrcp.f32 v24  }
0x417: {  	v16 =	vmul.f32 v13, v16;
	v19 =	vmul.f32 v12, v19  }
0x418: {  	v21 =	vmul.f32 v20, v21;
	v18 =	vmul.f32 v14, v18  }
0x419: {  	v8 =	vmul.f32 v17, v8;
	v9 =	vmul.f32 v15, v9  }
0x41a: {  	v19 =	vmul.f32 v19, v12;
	v10 =	vmul.f32 v22, v10  }
0x41b: {  	v16 =	vmul.f32 v16, v13;
	v18 =	vmul.f32 v18, v14  }
0x41c: {  	v21 =	vmul.f32 v21, v20;
	v8 =	vmul.f32 v8, v17;
	v24 =	vsub.f32 $1.500000000e+00, v19  }
0x41d: {  	v16 =	vsub.f32 $1.500000000e+00, v16;
	v10 =	vmul.f32 v10, v22;
	v9 =	vmul.f32 v9, v15  }
0x41e: {  	v21 =	vsub.f32 $1.500000000e+00, v21;
	v23 =	vmul.f32 $6.000000000e+00, v7;
	v18 =	vsub.f32 $1.500000000e+00, v18  }
0x41f: {  	v8 =	vsub.f32 $1.500000000e+00, v8;
	v12 =	vmul.f32 v24, v12;
	v9 =	vsub.f32 $1.500000000e+00, v9;
	v19 =	vpop (erf)  }
0x420: {  	v23 =	vsub.f32 $1.500000000e+01, v23;
	v10 =	vsub.f32 $1.500000000e+00, v10;
	v24 =	vmul.f32 v19, v7  }
0x421: {  	v13 =	vmul.f32 v16, v13;
	v16 =	vmul.f32 v7, v7  }
0x422: {  	v23 =	vmul.f32 v23, v7;
	v24 =	vmul.f32 v24, v24  }
0x423: {  	v14 =	vmul.f32 v18, v14;
	v18 =	vmul.f32 v21, v20  }
0x424: {  	v7 =	vmul.f32 v16, v7;
	v16 =	vadd.f32 $-1.000000000e+01, v23;
	v20 =	vmul.f32 v24, v24  }
0x425: {  	v8 =	vmul.f32 v8, v17;
	v9 =	vmul.f32 v9, v15  }
0x426: {  	v10 =	vmul.f32 v10, v22;
	v7 =	vmul.f32 v16, v7;
	v15 =	vsub.f32 $1.000000000e+00, v20  }
0x427: {  	v17 =	vmul.f32 $7.071067690e-01, v1;
	v16 =	vmul.f32 $7.071067690e-01, v0  }
0x428: {  	v7 =	vadd.f32 $1.000000000e+00, v7;
	v20 =	vmul.f32 $7.071067690e-01, v2;
	v15 =	vmul.f32 $1.439964580e+01, v15  }
0x429: {  	v21 =	vmul.f32 $7.071067690e-01, v3;
	v22 =	vmul.f32 $7.071067690e-01, v4  }
0x42a: {  	v11 =	vmul.f32 v19, v11;
	v7 =	vmul.f32 v15, v7  }
0x42b: {  	v19 =	vmul.f32 $7.071067690e-01, v6;
	v15 =	vmul.f32 $7.071067690e-01, v5  }
0x42c: {  	v12 =	vmul.f32 v12, v16;
	v7 =	vmul.f32 v7, v11  }
0x42d: {  	s15 =	sadd.s32 $0x80, s15;
	v11 =	vmul.f32 v13, v17;
	v13 =	vmul.f32 v14, v20  }
0x42e: {  	v8 =	vmul.f32 v8, v22;
	v14 =	vmul.f32 v18, v21;
	[tilespmem:s15+$0x30] =	vst v7  }
0x42f: {  	v10 =	vmul.f32 v10, v19;
	v7 =	vmul.f32 v9, v15  }
0x430: {  	v9 =	vmul.f32 $7.810799780e-02, v12;
	v15 =	vmul.f32 $7.810799780e-02, v11  }
0x431: {  	v16 =	vmul.f32 $7.810799780e-02, v13;
	v17 =	vmul.f32 $7.810799780e-02, v14  }
0x432: {  	v18 =	vmul.f32 $7.810799780e-02, v8;
	v9 =	vadd.f32 $9.720000090e-04, v9;
	v19 =	vmul.f32 $7.810799780e-02, v7  }
0x433: {  	v20 =	vmul.f32 $7.810799780e-02, v10;
	v15 =	vadd.f32 $9.720000090e-04, v15;
	v16 =	vadd.f32 $9.720000090e-04, v16  }
0x434: {  	v18 =	vadd.f32 $9.720000090e-04, v18;
	v17 =	vadd.f32 $9.720000090e-04, v17;
	v9 =	vmul.f32 v9, v12  }
0x435: {  	v20 =	vadd.f32 $9.720000090e-04, v20;
	v15 =	vmul.f32 v15, v11;
	v19 =	vadd.f32 $9.720000090e-04, v19  }
0x436: {  	v16 =	vmul.f32 v16, v13;
	v17 =	vmul.f32 v17, v14;
	v9 =	vadd.f32 $2.303889990e-01, v9  }
0x437: {  	v18 =	vmul.f32 v18, v8;
	v15 =	vadd.f32 $2.303889990e-01, v15;
	v19 =	vmul.f32 v19, v7  }
0x438: {  	v20 =	vmul.f32 v20, v10;
	v16 =	vadd.f32 $2.303889990e-01, v16;
	v17 =	vadd.f32 $2.303889990e-01, v17  }
0x439: {  	v18 =	vadd.f32 $2.303889990e-01, v18;
	v9 =	vmul.f32 v9, v12;
	v19 =	vadd.f32 $2.303889990e-01, v19  }
0x43a: {  	v20 =	vadd.f32 $2.303889990e-01, v20;
	v15 =	vmul.f32 v15, v11;
	v16 =	vmul.f32 v16, v13  }
0x43b: {  	v18 =	vmul.f32 v18, v8;
	v17 =	vmul.f32 v17, v14;
	v9 =	vadd.f32 $2.783930000e-01, v9  }
0x43c: {  	v20 =	vmul.f32 v20, v10;
	v15 =	vadd.f32 $2.783930000e-01, v15;
	v19 =	vmul.f32 v19, v7  }
0x43d: {  	v9 =	vmul.f32 v9, v12;
	v12 =	vadd.f32 $2.783930000e-01, v16;
	v16 =	vadd.f32 $2.783930000e-01, v17  }
0x43e: {  	v11 =	vmul.f32 v15, v11;
	v15 =	vadd.f32 $2.783930000e-01, v18;
	v17 =	vadd.f32 $2.783930000e-01, v19  }
0x43f: {  	v13 =	vmul.f32 v12, v13;
	v14 =	vmul.f32 v16, v14;
	v16 =	vadd.f32 $2.783930000e-01, v20  }
0x440: {  	v9 =	vadd.f32 $1.000000000e+00, v9;
	v8 =	vmul.f32 v15, v8;
	v7 =	vmul.f32 v17, v7  }
0x441: {  	v12 =	vadd.f32 $1.000000000e+00, v11;
	v11 =	vadd.f32 $1.000000000e+00, v13;
	v15 =	vmul.f32 v16, v10  }
0x442: {  	v16 =	vmul.f32 v9, v0;
	v13 =	vadd.f32 $1.000000000e+00, v14;
	v10 =	vadd.f32 $1.000000000e+00, v8  }
0x443: {  	v14 =	vmul.f32 v12, v1;
	v8 =	vadd.f32 $1.000000000e+00, v7;
	v7 =	vadd.f32 $1.000000000e+00, v15  }
0x444: {  	v15 =	vmul.f32 v11, v2;
	v17 =	vmul.f32 v13, v3  }
0x445: {  	v18 =	vmul.f32 v10, v4;
	v19 =	vmul.f32 v8, v5  }
0x446: {  	v20 =	vmul.f32 v7, v6;
	(erf) = vrcp.f32 v16  }
0x447: {  	v16 =	vmul.f32 $6.000000000e+00, v0;
	(erf) = vrcp.f32 v14  }
0x448: {  	v14 =	vmul.f32 $6.000000000e+00, v1;
	(erf) = vrcp.f32 v15  }
0x449: {  	v15 =	vsub.f32 $1.500000000e+01, v16;
	v16 =	vmul.f32 $6.000000000e+00, v2;
	(erf) = vrcp.f32 v17  }
0x44a: {  	v14 =	vsub.f32 $1.500000000e+01, v14;
	v17 =	vmul.f32 $6.000000000e+00, v3;
	(erf) = vrcp.f32 v18  }
0x44b: {  	v16 =	vsub.f32 $1.500000000e+01, v16;
	v18 =	vmul.f32 $6.000000000e+00, v4;
	(erf) = vrcp.f32 v19  }
0x44c: {  	v17 =	vsub.f32 $1.500000000e+01, v17;
	v19 =	vmul.f32 $6.000000000e+00, v5;
	(erf) = vrcp.f32 v20  }
0x44d: {  	v23 =	vmul.f32 v15, v0;
	v18 =	vsub.f32 $1.500000000e+01, v18;
	v20 =	vmul.f32 $6.000000000e+00, v6  }
0x44e: {  	v21 =	vmul.f32 v14, v1;
	v24 =	vmul.f32 v16, v2;
	v27 =	vsub.f32 $1.500000000e+01, v19  }
0x44f: {  	v19 =	vmul.f32 v17, v3;
	v26 =	vmul.f32 v18, v4;
	v28 =	vsub.f32 $1.500000000e+01, v20;
	v14 =	vpop (erf)  }
0x450: {  	v22 =	vadd.f32 $-1.000000000e+01, v23;
	v20 =	vmul.f32 v27, v5;
	v30 =	vmul.f32 v14, v0;
	v15 =	vpop (erf)  }
0x451: {  	v23 =	vadd.f32 $-1.000000000e+01, v21;
	v21 =	vmul.f32 v28, v6;
	v25 =	vmul.f32 v15, v1;
	v16 =	vpop (erf)  }
0x452: {  	v24 =	vadd.f32 $-1.000000000e+01, v24;
	v29 =	vmul.f32 v30, v30;
	v27 =	vmul.f32 v16, v2;
	v17 =	vpop (erf)  }
0x453: {  	v38 =	vmul.f32 v25, v25;
	v28 =	vmul.f32 v17, v3;
	v25 =	vadd.f32 $-1.000000000e+01, v19;
	v18 =	vpop (erf)  }
0x454: {  	v26 =	vadd.f32 $-1.000000000e+01, v26;
	v39 =	vmul.f32 v27, v27;
	v30 =	vmul.f32 v18, v4;
	v19 =	vpop (erf)  }
0x455: {  	v27 =	vadd.f32 $-1.000000000e+01, v20;
	v42 =	vmul.f32 v28, v28;
	v31 =	vmul.f32 v19, v5;
	v20 =	vpop (erf)  }
0x456: {  	v28 =	vadd.f32 $-1.000000000e+01, v21;
	v43 =	vmul.f32 v30, v30;
	v32 =	vmul.f32 v20, v6  }
0x457: {  	v30 =	vmul.f32 v0, v0;
	v36 =	vmul.f32 v31, v31  }
0x458: {  	v35 =	vmul.f32 v1, v1;
	v37 =	vmul.f32 v32, v32  }
.Ltmp15:
0x459: {  	v34 =	vmul.f32 v2, v2;
	v33 =	vmul.f32 v3, v3;
	(pc) =	sbr.rel @p2 .LBB2_12-.Ltmp15, $4  }
0x45a: {  	v31 =	vmul.f32 v4, v4;
	v32 =	vmul.f32 v5, v5  }
0x45b: {  	v21 =	vmul.f32 v29, v29;
	v29 =	vmul.f32 v6, v6  }
0x45c: {  	v41 =	vmul.f32 v38, v38;
	v40 =	vmul.f32 v39, v39  }
0x45d: {  	s18 =	sadd.s32 $0x80, s18;
	v21 =	vsub.f32 $1.000000000e+00, v21;
	v39 =	vmul.f32 v42, v42;
	v38 =	vmul.f32 v43, v43  }
0x45e: {  	v36 =	vmul.f32 v36, v36;
	v37 =	vmul.f32 v37, v37  }
0x45f: {  	v0 =	vmul.f32 v30, v0;
	v1 =	vmul.f32 v35, v1  }
0x460: {  	v2 =	vmul.f32 v34, v2;
	v3 =	vmul.f32 v33, v3  }
0x461: {  	v4 =	vmul.f32 v31, v4;
	v5 =	vmul.f32 v32, v5  }
0x462: {  	v6 =	vmul.f32 v29, v6;
	v9 =	vmul.f32 v14, v9  }
0x463: {  	v12 =	vmul.f32 v15, v12;
	v11 =	vmul.f32 v16, v11  }
0x464: {  	v41 =	vsub.f32 $1.000000000e+00, v41;
	v61 =	vmul.f32 v17, v13;
	v10 =	vmul.f32 v18, v10  }
0x465: {  	v52 =	vsub.f32 $1.000000000e+00, v40;
	v62 =	vmul.f32 v19, v8;
	v63 =	vmul.f32 v20, v7  }
0x466: {  	v53 =	vsub.f32 $1.000000000e+00, v39;
	v21 =	vmul.f32 $1.439964580e+01, v21;
	v0 =	vmul.f32 v22, v0  }
0x467: {  	v54 =	vsub.f32 $1.000000000e+00, v38;
	v1 =	vmul.f32 v23, v1;
	v2 =	vmul.f32 v24, v2  }
0x468: {  	v55 =	vsub.f32 $1.000000000e+00, v36;
	v3 =	vmul.f32 v25, v3;
	v4 =	vmul.f32 v26, v4  }
0x469: {  	v56 =	vsub.f32 $1.000000000e+00, v37;
	v5 =	vmul.f32 v27, v5;
	v6 =	vmul.f32 v28, v6  }
0x46a: {  	v57 =	vmul.f32 $1.439964580e+01, v41;
	v58 =	vmul.f32 $1.439964580e+01, v52;
	v0 =	vadd.f32 $1.000000000e+00, v0  }
0x46b: {  	v59 =	vmul.f32 $1.439964580e+01, v53;
	v60 =	vmul.f32 $1.439964580e+01, v54;
	v1 =	vadd.f32 $1.000000000e+00, v1  }
0x46c: {  	v2 =	vadd.f32 $1.000000000e+00, v2;
	v22 =	vmul.f32 $1.439964580e+01, v55;
	v0 =	vmul.f32 v21, v0  }
0x46d: {  	v3 =	vadd.f32 $1.000000000e+00, v3;
	v23 =	vmul.f32 $1.439964580e+01, v56;
	v1 =	vmul.f32 v57, v1  }
0x46e: {  	v4 =	vadd.f32 $1.000000000e+00, v4;
	v2 =	vmul.f32 v58, v2;
	v0 =	vmul.f32 v0, v9  }
0x46f: {  	v5 =	vadd.f32 $1.000000000e+00, v5;
	v3 =	vmul.f32 v59, v3;
	v1 =	vmul.f32 v1, v12  }
0x470: {  	v6 =	vadd.f32 $1.000000000e+00, v6;
	v4 =	vmul.f32 v60, v4;
	v2 =	vmul.f32 v2, v11;
	[tilespmem:s15+$0xFFFFFFC0] =	vst v0  }
0x471: {  	v5 =	vmul.f32 v22, v5;
	v3 =	vmul.f32 v3, v61;
	[tilespmem:s15+$0xFFFFFFD0] =	vst v1  }
0x472: {  	v6 =	vmul.f32 v23, v6;
	v4 =	vmul.f32 v4, v10;
	[tilespmem:s15+$0xFFFFFFE0] =	vst v2  }
.Ltmp16:
0x473: {  	v0 =	vmul.f32 v5, v62;
	[tilespmem:s15+$0xFFFFFFF0] =	vst v3;
	(pc) =	sbr.rel .LBB2_14-.Ltmp16, $4  }
0x474: {  	v1 =	vmul.f32 v6, v63;
	[tilespmem:s15+$0x0] =	vst v4  }
0x475: {  	[tilespmem:s15+$0x10] =	vst v0  }
0x476: {  	[tilespmem:s15+$0x20] =	vst v1  }
0x477: {  	[spmem:s3] =	stream.indirect.scatter.add.f32 [tilespmem:s14], [sflag:$0x6], $0x1, s13, s2, $0xb8;
	[tilespmem:$0x1FF80] =	vst v63  }
.LBB2_26:
0x478: {  	_ =	sfence.sel $0x180000  }
0x479: {  	[bflag:$0x0] =	sbarrier.arrive $0xFFFF  }
0x47a: {  	_ =	strace $0x90000047  }
0x47b: {  	[bflag:$0x2] =	sbarrier.arrive $0xFFFF  }
0x47c: {  	s0 =	rddreg [dreg:$0x5]  }
0x47d: {  	s0 =	sadd.s32 @!p0 $0x100000, s0  }
0x47e: {  	[sflag:s0] =	ssyncadd.tile.s32 @!p0 $0x1;
	_ =	shalt  }
.Lfunc_end2:
_tile_overlayer_lowered:
.L_overlay_start_2:
0x47f: {  	(tag) =	ssettag $0x2  }
0x480: {  	s0 =	rddreg [dreg:$0x0];
	s2 =	stileid.u32  }
0x481: {  	s1 =	rddreg [dreg:$0x1];
	p0 =	sne.s32 s2, $0x0  }
0x482: {  	s3 =	rddreg [dreg:$0x2];
	[bflag:$0x3] =	sbarrier.arrive $0xFFFF;
	s2 =	simm.s32 @!p0 $0x1C07  }
0x483: {  	[timem:s3], [sflag:s2] =	dma.local @!p0 [hbm:s0], s1  }
0x484: {  	s0 =	simm.s32 @!p0 $0x7  }
0x485: {  	_ =	swait.ge @!p0 [sflag:s0], s1  }
0x486: {  	s1 =	ssub.s32 @!p0 $0x0, s1;
	[sflag:s0] =	ssyncset.done @!p0 $0x0  }
0x487: {  	[sflag:s0] =	ssyncadd.s32 @!p0 s1  }
0x488: {  	[bflag:$0x3] =	sbarrier.arrive $0xFFFF  }
0x489: {  	_ =	shalt  }

</sc_bundles>
